<compile_context>
chip_gen: v7x
topology: tpu7x:2x2x1
jax: 0.10.2.dev20260603
libtpu: 0.0.44.dev20260713+nightly
codegen_flags: <defaults>
</compile_context>

<pallas_src>
import functools

import jax
import jax.numpy as jnp
from jax import lax
from jax.experimental import pallas as pl
from jax.experimental.pallas import tpu as pltpu
from jax.experimental.pallas import tpu_sc as plsc


_ROWS = 32 * 1024
_COLS = 256
_NW = 32
_CHUNK_ROWS = 64

_TC_ROWS = 28672
_TC_BLOCK_ROWS = 4096
_W_ROWS = (_ROWS - _TC_ROWS) // _NW
_NCHUNK = _W_ROWS // _CHUNK_ROWS

_LN2 = 0.6931471805599453
_C4 = -0.05486285286208111
_C3 = 0.4358618497761762
_C2 = -1.4424810126031888
_C1 = 2.7922552255841686
_C0 = -1.7306316977196963 - 127.0 * _LN2


def _masked_log_acc(h, s, acc, cnt):
    bits = lax.bitcast_convert_type(s, jnp.int32)
    e = (bits >> 23).astype(jnp.float32)
    m = lax.bitcast_convert_type((bits & 0x7FFFFF) | 0x3F800000, jnp.float32)
    p = _C4
    for c in (_C3, _C2, _C1, _C0):
        p = p * m + c
    t = e * _LN2 + p
    return acc + h * t, cnt + h


def _sc_loss_body(h_hbm, s_hbm, part_out, h_v, s_v, stage_v,
                  hsem0, ssem0, hsem1, ssem1):
    wid = lax.axis_index("s") * 2 + lax.axis_index("c")
    row0 = _TC_ROWS + wid * _W_ROWS
    sems = ((hsem0, ssem0), (hsem1, ssem1))

    def copies(ci, b):
        off = row0 + ci * _CHUNK_ROWS
        hs, ss = sems[b]
        return (
            pltpu.make_async_copy(
                h_hbm.at[pl.ds(off, _CHUNK_ROWS)], h_v.at[b], hs),
            pltpu.make_async_copy(
                s_hbm.at[pl.ds(off, _CHUNK_ROWS)], s_v.at[b], ss),
        )

    for b in range(2):
        for c in copies(b, b):
            c.start()

    def chunk_pair(ci2, carry):
        acc, cnt = carry
        for b in range(2):
            ci = ci2 * 2 + b
            for c in copies(ci, b):
                c.wait()

            def rows(r, carry2):
                acc2, cnt2 = carry2
                for c in range(_COLS // 16):
                    sl = pl.ds(c * 16, 16)
                    acc2, cnt2 = _masked_log_acc(
                        h_v[b, r, sl], s_v[b, r, sl], acc2, cnt2)
                return acc2, cnt2

            acc, cnt = lax.fori_loop(0, _CHUNK_ROWS, rows, (acc, cnt))

            @pl.when(ci2 < _NCHUNK // 2 - 1)
            def _prefetch():
                for c in copies(ci + 2, b):
                    c.start()
        return acc, cnt

    zero = jnp.zeros((16,), jnp.float32)
    acc, cnt = lax.fori_loop(0, _NCHUNK // 2, chunk_pair, (zero, zero))

    for j in range(8):
        stage_v[pl.ds(j * 16, 16)] = zero
    stage_v[pl.ds(0, 16)] = acc
    stage_v[pl.ds(16, 16)] = cnt
    pltpu.sync_copy(stage_v, part_out.at[pl.ds(wid * 128, 128)])


_sc_loss = functools.partial(
    pl.kernel,
    out_type=jax.ShapeDtypeStruct((_NW * 128,), jnp.float32),
    mesh=plsc.VectorSubcoreMesh(core_axis_name="c", subcore_axis_name="s"),
    compiler_params=pltpu.CompilerParams(
        use_tc_tiling_on_sc=True, skip_device_barrier=True),
    scratch_types=[
        pltpu.VMEM((2, _CHUNK_ROWS, _COLS), jnp.float32),
        pltpu.VMEM((2, _CHUNK_ROWS, _COLS), jnp.float32),
        pltpu.VMEM((128,), jnp.float32),
        pltpu.SemaphoreType.DMA,
        pltpu.SemaphoreType.DMA,
        pltpu.SemaphoreType.DMA,
        pltpu.SemaphoreType.DMA,
    ],
)(_sc_loss_body)


def _tc_loss_body(hard_ref, soft_ref, logsum_ref, count_ref):
    i = pl.program_id(0)

    @pl.when(i == 0)
    def _init():
        logsum_ref[...] = jnp.zeros_like(logsum_ref)
        count_ref[...] = jnp.zeros_like(count_ref)

    h = hard_ref[...]
    s = soft_ref[...]
    logsum_ref[...] += jnp.sum(h * jnp.log(s)).reshape(1, 1)
    count_ref[...] += jnp.sum(h).reshape(1, 1)


def _tc_loss(h2, s2):
    return pl.pallas_call(
        _tc_loss_body,
        grid=(_TC_ROWS // _TC_BLOCK_ROWS,),
        in_specs=[
            pl.BlockSpec((_TC_BLOCK_ROWS, _COLS), lambda i: (i, 0)),
            pl.BlockSpec((_TC_BLOCK_ROWS, _COLS), lambda i: (i, 0)),
        ],
        out_specs=[
            pl.BlockSpec((1, 1), lambda i: (0, 0)),
            pl.BlockSpec((1, 1), lambda i: (0, 0)),
        ],
        out_shape=[
            jax.ShapeDtypeStruct((1, 1), jnp.float32),
            jax.ShapeDtypeStruct((1, 1), jnp.float32),
        ],
    )(h2, s2)


def kernel(hard_attention, soft_attention):
    h2 = hard_attention.reshape(_ROWS, _COLS)
    s2 = soft_attention.reshape(_ROWS, _COLS)
    parts = _sc_loss(h2, s2).reshape(_NW, 128)
    tc_log, tc_cnt = _tc_loss(h2, s2)
    logsum = jnp.sum(parts[:, :16]) + tc_log[0, 0]
    count = jnp.sum(parts[:, 16:32]) + tc_cnt[0, 0]
    return -logsum / count

# --- scband reference (transcript-rebuilt; emitter-appended) ---
"""Pipeline reference for scband-attention-binarization-loss-34351148433513 (READ-ONLY COPY).

The authoritative reference and input builder live on the scoring server;
editing this copy changes nothing except your own understanding.
"""

import jax, jax.numpy as jnp
import numpy as np

def setup_inputs(seed: int = 0) -> dict:
    key = jax.random.key(seed)
    k1, k2 = jax.random.split(key)
    shape = (32, 1, 1024, 256)
    # hard attention: binary {0,1} alignment mask
    hard_attention = jax.random.randint(k1, shape, 0, 2).astype(jnp.float32)
    # soft attention: probabilities in (0,1)
    soft_attention = jax.random.uniform(k2, shape, dtype=jnp.float32, minval=1e-6, maxval=1.0)
    return {"hard_attention": hard_attention, "soft_attention": soft_attention}

def reference(hard_attention, soft_attention):
    # torch: log_sum = log(soft[hard == 1]).sum(); return -log_sum / hard.sum()
    # jax rewrite of boolean-mask select as a where-masked sum (same math)
    mask = hard_attention == 1
    safe_soft = jnp.where(mask, soft_attention, 1.0)
    log_sum = jnp.sum(jnp.where(mask, jnp.log(safe_soft), 0.0))
    return -log_sum / jnp.sum(hard_attention)

if __name__ == "__main__":
    import jax
    _d = setup_inputs()
    print(jax.jit(kernel)(*tuple(_d.values())))

</pallas_src>

<mosaic_0001>
#map = affine_map<(d0, d1) -> (0, 0)>
#map1 = affine_map<(d0, d1) -> (0)>
module attributes {stable_mosaic.version = 14 : i64} {
  func.func @_sc_loss_body(%arg0: i32, %arg1: i32, %arg2: memref<32768x256xf32, #tpu.memory_space<hbm>>, %arg3: memref<32768x256xf32, #tpu.memory_space<hbm>>, %arg4: memref<4096xf32, #tpu.memory_space<hbm>>, %arg5: memref<2x64x256xf32, #tpu.memory_space<vmem>>, %arg6: memref<2x64x256xf32, #tpu.memory_space<vmem>>, %arg7: memref<128xf32, #tpu.memory_space<vmem>>, %arg8: memref<!tpu.dma_semaphore, #tpu.memory_space<semaphore_mem>>, %arg9: memref<!tpu.dma_semaphore, #tpu.memory_space<semaphore_mem>>, %arg10: memref<!tpu.dma_semaphore, #tpu.memory_space<semaphore_mem>>, %arg11: memref<!tpu.dma_semaphore, #tpu.memory_space<semaphore_mem>>) attributes {dimension_semantics = [#tpu.dimension_semantics<core_parallel>, #tpu.dimension_semantics<subcore_parallel>], iteration_bounds = array<i64: 2, 16>, scalar_prefetch = 0 : i64, scratch_operands = 7 : i64, tpu.core_type = #tpu.core_type<sc_vector_subcore>, window_params = [{transform_indices = #map}, {transform_indices = #map}, {transform_indices = #map1}]} {
    %mul3A = arith.constant 2 : i32
    %mul3A_0 = arith.muli %arg1, %mul3A : i32
    %add3A = arith.addi %mul3A_0, %arg0 : i32
    %mul3A_1 = arith.constant 128 : i32
    %mul3A_2 = arith.muli %add3A, %mul3A_1 : i32
    %add3A_3 = arith.constant 28672 : i32
    %add3A_4 = arith.addi %add3A_3, %mul3A_2 : i32
    %add3A_5 = arith.constant 0 : i32
    %add3A_6 = arith.addi %add3A_4, %add3A_5 : i32
    %dma_start3A = arith.constant 0 : i32
    %dma_start3A_7 = arith.constant 0 : i32
    %dma_start3A_8 = arith.constant 0 : i32
    %dma_start3A_9 = tpu.memref_slice %arg5[%dma_start3A, %dma_start3A_7, %dma_start3A_8] : memref<2x64x256xf32, #tpu.memory_space<vmem>> -> memref<1x64x256xf32, #tpu.memory_space<vmem>>
    %dma_start3A_10 = tpu.memref_squeeze %dma_start3A_9 : memref<1x64x256xf32, #tpu.memory_space<vmem>> -> memref<64x256xf32, #tpu.memory_space<vmem>>
    %dma_start3A_11 = arith.constant 0 : i32
    %dma_start3A_12 = tpu.memref_slice %arg2[%add3A_6, %dma_start3A_11] : memref<32768x256xf32, #tpu.memory_space<hbm>> -> memref<64x256xf32, #tpu.memory_space<hbm>>
    %dma_start3A_13 = arith.constant 0 : i32
    %dma_start3A_14 = arith.constant 0 : i32
    %dma_start3A_15 = tpu.memref_slice %arg5[%dma_start3A, %dma_start3A_13, %dma_start3A_14] : memref<2x64x256xf32, #tpu.memory_space<vmem>> -> memref<1x64x256xf32, #tpu.memory_space<vmem>>
    %dma_start3A_16 = tpu.memref_squeeze %dma_start3A_15 : memref<1x64x256xf32, #tpu.memory_space<vmem>> -> memref<64x256xf32, #tpu.memory_space<vmem>>
    %dma_start3A_17 = arith.constant 0 : i32
    %dma_start3A_18 = tpu.memref_slice %arg2[%add3A_6, %dma_start3A_17] : memref<32768x256xf32, #tpu.memory_space<hbm>> -> memref<64x256xf32, #tpu.memory_space<hbm>>
    tpu.enqueue_dma source(%dma_start3A_18 : memref<64x256xf32, #tpu.memory_space<hbm>>) target(%dma_start3A_16 : memref<64x256xf32, #tpu.memory_space<vmem>>) target_semaphore(%arg8 : memref<!tpu.dma_semaphore, #tpu.memory_space<semaphore_mem>>)
    %dma_start3A_19 = arith.constant 0 : i32
    %dma_start3A_20 = arith.constant 0 : i32
    %dma_start3A_21 = arith.constant 0 : i32
    %dma_start3A_22 = tpu.memref_slice %arg6[%dma_start3A_19, %dma_start3A_20, %dma_start3A_21] : memref<2x64x256xf32, #tpu.memory_space<vmem>> -> memref<1x64x256xf32, #tpu.memory_space<vmem>>
    %dma_start3A_23 = tpu.memref_squeeze %dma_start3A_22 : memref<1x64x256xf32, #tpu.memory_space<vmem>> -> memref<64x256xf32, #tpu.memory_space<vmem>>
    %dma_start3A_24 = arith.constant 0 : i32
    %dma_start3A_25 = tpu.memref_slice %arg3[%add3A_6, %dma_start3A_24] : memref<32768x256xf32, #tpu.memory_space<hbm>> -> memref<64x256xf32, #tpu.memory_space<hbm>>
    %dma_start3A_26 = arith.constant 0 : i32
    %dma_start3A_27 = arith.constant 0 : i32
    %dma_start3A_28 = tpu.memref_slice %arg6[%dma_start3A_19, %dma_start3A_26, %dma_start3A_27] : memref<2x64x256xf32, #tpu.memory_space<vmem>> -> memref<1x64x256xf32, #tpu.memory_space<vmem>>
    %dma_start3A_29 = tpu.memref_squeeze %dma_start3A_28 : memref<1x64x256xf32, #tpu.memory_space<vmem>> -> memref<64x256xf32, #tpu.memory_space<vmem>>
    %dma_start3A_30 = arith.constant 0 : i32
    %dma_start3A_31 = tpu.memref_slice %arg3[%add3A_6, %dma_start3A_30] : memref<32768x256xf32, #tpu.memory_space<hbm>> -> memref<64x256xf32, #tpu.memory_space<hbm>>
    tpu.enqueue_dma source(%dma_start3A_31 : memref<64x256xf32, #tpu.memory_space<hbm>>) target(%dma_start3A_29 : memref<64x256xf32, #tpu.memory_space<vmem>>) target_semaphore(%arg9 : memref<!tpu.dma_semaphore, #tpu.memory_space<semaphore_mem>>)
    %add3A_32 = arith.constant 64 : i32
    %add3A_33 = arith.addi %add3A_4, %add3A_32 : i32
    %dma_start3A_34 = arith.constant 1 : i32
    %dma_start3A_35 = arith.constant 0 : i32
    %dma_start3A_36 = arith.constant 0 : i32
    %dma_start3A_37 = tpu.memref_slice %arg5[%dma_start3A_34, %dma_start3A_35, %dma_start3A_36] : memref<2x64x256xf32, #tpu.memory_space<vmem>> -> memref<1x64x256xf32, #tpu.memory_space<vmem>>
    %dma_start3A_38 = tpu.memref_squeeze %dma_start3A_37 : memref<1x64x256xf32, #tpu.memory_space<vmem>> -> memref<64x256xf32, #tpu.memory_space<vmem>>
    %dma_start3A_39 = arith.constant 0 : i32
    %dma_start3A_40 = tpu.memref_slice %arg2[%add3A_33, %dma_start3A_39] : memref<32768x256xf32, #tpu.memory_space<hbm>> -> memref<64x256xf32, #tpu.memory_space<hbm>>
    %dma_start3A_41 = arith.constant 0 : i32
    %dma_start3A_42 = arith.constant 0 : i32
    %dma_start3A_43 = tpu.memref_slice %arg5[%dma_start3A_34, %dma_start3A_41, %dma_start3A_42] : memref<2x64x256xf32, #tpu.memory_space<vmem>> -> memref<1x64x256xf32, #tpu.memory_space<vmem>>
    %dma_start3A_44 = tpu.memref_squeeze %dma_start3A_43 : memref<1x64x256xf32, #tpu.memory_space<vmem>> -> memref<64x256xf32, #tpu.memory_space<vmem>>
    %dma_start3A_45 = arith.constant 0 : i32
    %dma_start3A_46 = tpu.memref_slice %arg2[%add3A_33, %dma_start3A_45] : memref<32768x256xf32, #tpu.memory_space<hbm>> -> memref<64x256xf32, #tpu.memory_space<hbm>>
    tpu.enqueue_dma source(%dma_start3A_46 : memref<64x256xf32, #tpu.memory_space<hbm>>) target(%dma_start3A_44 : memref<64x256xf32, #tpu.memory_space<vmem>>) target_semaphore(%arg10 : memref<!tpu.dma_semaphore, #tpu.memory_space<semaphore_mem>>)
    %dma_start3A_47 = arith.constant 1 : i32
    %dma_start3A_48 = arith.constant 0 : i32
    %dma_start3A_49 = arith.constant 0 : i32
    %dma_start3A_50 = tpu.memref_slice %arg6[%dma_start3A_47, %dma_start3A_48, %dma_start3A_49] : memref<2x64x256xf32, #tpu.memory_space<vmem>> -> memref<1x64x256xf32, #tpu.memory_space<vmem>>
    %dma_start3A_51 = tpu.memref_squeeze %dma_start3A_50 : memref<1x64x256xf32, #tpu.memory_space<vmem>> -> memref<64x256xf32, #tpu.memory_space<vmem>>
    %dma_start3A_52 = arith.constant 0 : i32
    %dma_start3A_53 = tpu.memref_slice %arg3[%add3A_33, %dma_start3A_52] : memref<32768x256xf32, #tpu.memory_space<hbm>> -> memref<64x256xf32, #tpu.memory_space<hbm>>
    %dma_start3A_54 = arith.constant 0 : i32
    %dma_start3A_55 = arith.constant 0 : i32
    %dma_start3A_56 = tpu.memref_slice %arg6[%dma_start3A_47, %dma_start3A_54, %dma_start3A_55] : memref<2x64x256xf32, #tpu.memory_space<vmem>> -> memref<1x64x256xf32, #tpu.memory_space<vmem>>
    %dma_start3A_57 = tpu.memref_squeeze %dma_start3A_56 : memref<1x64x256xf32, #tpu.memory_space<vmem>> -> memref<64x256xf32, #tpu.memory_space<vmem>>
    %dma_start3A_58 = arith.constant 0 : i32
    %dma_start3A_59 = tpu.memref_slice %arg3[%add3A_33, %dma_start3A_58] : memref<32768x256xf32, #tpu.memory_space<hbm>> -> memref<64x256xf32, #tpu.memory_space<hbm>>
    tpu.enqueue_dma source(%dma_start3A_59 : memref<64x256xf32, #tpu.memory_space<hbm>>) target(%dma_start3A_57 : memref<64x256xf32, #tpu.memory_space<vmem>>) target_semaphore(%arg11 : memref<!tpu.dma_semaphore, #tpu.memory_space<semaphore_mem>>)
    %broadcast_in_dim3A = arith.constant 0.000000e+00 : f32
    %broadcast_in_dim3A_60 = vector.broadcast %broadcast_in_dim3A : f32 to vector<16xf32>
    %scan3A = arith.constant 0 : i32
    %mul3A_61 = arith.constant 2 : i32
    %mul3A_62 = arith.muli %scan3A, %mul3A_61 : i32
    %add3A_63 = arith.constant 0 : i32
    %add3A_64 = arith.addi %mul3A_62, %add3A_63 : i32
    %mul3A_65 = arith.constant 64 : i32
    %mul3A_66 = arith.muli %add3A_64, %mul3A_65 : i32
    %add3A_67 = arith.addi %add3A_4, %mul3A_66 : i32
    %dma_wait3A = arith.constant 0 : i32
    %dma_wait3A_68 = arith.constant 0 : i32
    %dma_wait3A_69 = arith.constant 0 : i32
    %dma_wait3A_70 = tpu.memref_slice %arg5[%dma_wait3A, %dma_wait3A_68, %dma_wait3A_69] : memref<2x64x256xf32, #tpu.memory_space<vmem>> -> memref<1x64x256xf32, #tpu.memory_space<vmem>>
    %dma_wait3A_71 = tpu.memref_squeeze %dma_wait3A_70 : memref<1x64x256xf32, #tpu.memory_space<vmem>> -> memref<64x256xf32, #tpu.memory_space<vmem>>
    %dma_wait3A_72 = arith.constant 0 : i32
    %dma_wait3A_73 = tpu.memref_slice %arg2[%add3A_67, %dma_wait3A_72] : memref<32768x256xf32, #tpu.memory_space<hbm>> -> memref<64x256xf32, #tpu.memory_space<hbm>>
    %dma_wait3A_74 = arith.constant 0 : i32
    %dma_wait3A_75 = arith.constant 0 : i32
    %dma_wait3A_76 = tpu.memref_slice %arg5[%dma_wait3A, %dma_wait3A_74, %dma_wait3A_75] : memref<2x64x256xf32, #tpu.memory_space<vmem>> -> memref<1x64x256xf32, #tpu.memory_space<vmem>>
    %dma_wait3A_77 = tpu.memref_squeeze %dma_wait3A_76 : memref<1x64x256xf32, #tpu.memory_space<vmem>> -> memref<64x256xf32, #tpu.memory_space<vmem>>
    %dma_wait3A_78 = arith.constant 0 : i32
    %dma_wait3A_79 = tpu.memref_slice %arg2[%add3A_67, %dma_wait3A_78] : memref<32768x256xf32, #tpu.memory_space<hbm>> -> memref<64x256xf32, #tpu.memory_space<hbm>>
    tpu.wait_dma2 semaphore(%arg8 : memref<!tpu.dma_semaphore, #tpu.memory_space<semaphore_mem>>) src(%dma_wait3A_79 : memref<64x256xf32, #tpu.memory_space<hbm>>) dst(%dma_wait3A_77 : memref<64x256xf32, #tpu.memory_space<vmem>>)
    %dma_wait3A_80 = arith.constant 0 : i32
    %dma_wait3A_81 = arith.constant 0 : i32
    %dma_wait3A_82 = arith.constant 0 : i32
    %dma_wait3A_83 = tpu.memref_slice %arg6[%dma_wait3A_80, %dma_wait3A_81, %dma_wait3A_82] : memref<2x64x256xf32, #tpu.memory_space<vmem>> -> memref<1x64x256xf32, #tpu.memory_space<vmem>>
    %dma_wait3A_84 = tpu.memref_squeeze %dma_wait3A_83 : memref<1x64x256xf32, #tpu.memory_space<vmem>> -> memref<64x256xf32, #tpu.memory_space<vmem>>
    %dma_wait3A_85 = arith.constant 0 : i32
    %dma_wait3A_86 = tpu.memref_slice %arg3[%add3A_67, %dma_wait3A_85] : memref<32768x256xf32, #tpu.memory_space<hbm>> -> memref<64x256xf32, #tpu.memory_space<hbm>>
    %dma_wait3A_87 = arith.constant 0 : i32
    %dma_wait3A_88 = arith.constant 0 : i32
    %dma_wait3A_89 = tpu.memref_slice %arg6[%dma_wait3A_80, %dma_wait3A_87, %dma_wait3A_88] : memref<2x64x256xf32, #tpu.memory_space<vmem>> -> memref<1x64x256xf32, #tpu.memory_space<vmem>>
    %dma_wait3A_90 = tpu.memref_squeeze %dma_wait3A_89 : memref<1x64x256xf32, #tpu.memory_space<vmem>> -> memref<64x256xf32, #tpu.memory_space<vmem>>
    %dma_wait3A_91 = arith.constant 0 : i32
    %dma_wait3A_92 = tpu.memref_slice %arg3[%add3A_67, %dma_wait3A_91] : memref<32768x256xf32, #tpu.memory_space<hbm>> -> memref<64x256xf32, #tpu.memory_space<hbm>>
    tpu.wait_dma2 semaphore(%arg9 : memref<!tpu.dma_semaphore, #tpu.memory_space<semaphore_mem>>) src(%dma_wait3A_92 : memref<64x256xf32, #tpu.memory_space<hbm>>) dst(%dma_wait3A_90 : memref<64x256xf32, #tpu.memory_space<vmem>>)
    %scan3A_93 = arith.constant 0 : i32
    %scan3A_94 = arith.constant 64 : i32
    %scan3A_95 = arith.addi %scan3A_93, %scan3A_94 : i32
    %scan3A_96 = arith.constant 1 : i32
    %scan3A_97:2 = scf.for %scan3A_187 = %scan3A_93 to %scan3A_95 step %scan3A_96 iter_args(%scan3A_188 = %broadcast_in_dim3A_60, %scan3A_189 = %broadcast_in_dim3A_60) -> (vector<16xf32>, vector<16xf32>)  : i32 {
      %get3A = arith.constant 0 : i32
      %get3A_190 = arith.index_cast %get3A : i32 to index
      %get3A_191 = arith.index_cast %scan3A_187 : i32 to index
      %get3A_192 = arith.constant 0 : index
      %get3A_193 = tpu.vector_load %arg5[%get3A_190, %get3A_191, %get3A_192] {strides = array<i32>} : memref<2x64x256xf32, #tpu.memory_space<vmem>>, vector<1x1x16xf32>,
      %get3A_194 = vector.shape_cast %get3A_193 : vector<1x1x16xf32> to vector<16xf32>
      %get3A_195 = arith.constant 0 : i32
      %get3A_196 = arith.index_cast %get3A_195 : i32 to index
      %get3A_197 = arith.index_cast %scan3A_187 : i32 to index
      %get3A_198 = arith.constant 0 : index
      %get3A_199 = tpu.vector_load %arg6[%get3A_196, %get3A_197, %get3A_198] {strides = array<i32>} : memref<2x64x256xf32, #tpu.memory_space<vmem>>, vector<1x1x16xf32>,
      %get3A_200 = vector.shape_cast %get3A_199 : vector<1x1x16xf32> to vector<16xf32>
      %bitcast_convert_type3A = tpu.bitcast %get3A_200 : vector<16xf32> -> vector<16xi32>
      %shift_right_arithmetic3A = arith.constant 23 : i32
      %shift_right_arithmetic3A_201 = vector.broadcast %shift_right_arithmetic3A : i32 to vector<16xi32>
      %shift_right_arithmetic3A_202 = arith.shrsi %bitcast_convert_type3A, %shift_right_arithmetic3A_201 : vector<16xi32>
      %convert_element_type3A_203 = arith.sitofp %shift_right_arithmetic3A_202 : vector<16xi32> to vector<16xf32>
      %and3A = arith.constant 8388607 : i32
      %and3A_204 = vector.broadcast %and3A : i32 to vector<16xi32>
      %and3A_205 = arith.andi %bitcast_convert_type3A, %and3A_204 : vector<16xi32>
      %or3A = arith.constant 1065353216 : i32
      %or3A_206 = vector.broadcast %or3A : i32 to vector<16xi32>
      %or3A_207 = arith.ori %and3A_205, %or3A_206 : vector<16xi32>
      %bitcast_convert_type3A_208 = tpu.bitcast %or3A_207 : vector<16xi32> -> vector<16xf32>
      %mul3A_209 = arith.constant -0.0548628531 : f32
      %mul3A_210 = vector.broadcast %mul3A_209 : f32 to vector<16xf32>
      %mul3A_211 = arith.mulf %mul3A_210, %bitcast_convert_type3A_208 : vector<16xf32>
      %add3A_212 = arith.constant 0.435861856 : f32
      %add3A_213 = vector.broadcast %add3A_212 : f32 to vector<16xf32>
      %add3A_214 = arith.addf %mul3A_211, %add3A_213 : vector<16xf32>
      %mul3A_215 = arith.mulf %add3A_214, %bitcast_convert_type3A_208 : vector<16xf32>
      %add3A_216 = arith.constant -1.44248104 : f32
      %add3A_217 = vector.broadcast %add3A_216 : f32 to vector<16xf32>
      %add3A_218 = arith.addf %mul3A_215, %add3A_217 : vector<16xf32>
      %mul3A_219 = arith.mulf %add3A_218, %bitcast_convert_type3A_208 : vector<16xf32>
      %add3A_220 = arith.constant 2.79225516 : f32
      %add3A_221 = vector.broadcast %add3A_220 : f32 to vector<16xf32>
      %add3A_222 = arith.addf %mul3A_219, %add3A_221 : vector<16xf32>
      %mul3A_223 = arith.mulf %add3A_222, %bitcast_convert_type3A_208 : vector<16xf32>
      %add3A_224 = arith.constant -89.7603226 : f32
      %add3A_225 = vector.broadcast %add3A_224 : f32 to vector<16xf32>
      %add3A_226 = arith.addf %mul3A_223, %add3A_225 : vector<16xf32>
      %mul3A_227 = arith.constant 0.693147182 : f32
      %mul3A_228 = vector.broadcast %mul3A_227 : f32 to vector<16xf32>
      %mul3A_229 = arith.mulf %convert_element_type3A_203, %mul3A_228 : vector<16xf32>
      %add3A_230 = arith.addf %mul3A_229, %add3A_226 : vector<16xf32>
      %mul3A_231 = arith.mulf %get3A_194, %add3A_230 : vector<16xf32>
      %add3A_232 = arith.addf %scan3A_188, %mul3A_231 : vector<16xf32>
      %add3A_233 = arith.addf %scan3A_189, %get3A_194 : vector<16xf32>
      %get3A_234 = arith.constant 0 : i32
      %get3A_235 = arith.index_cast %get3A_234 : i32 to index
      %get3A_236 = arith.index_cast %scan3A_187 : i32 to index
      %get3A_237 = arith.constant 16 : index
      %get3A_238 = tpu.vector_load %arg5[%get3A_235, %get3A_236, %get3A_237] {strides = array<i32>} : memref<2x64x256xf32, #tpu.memory_space<vmem>>, vector<1x1x16xf32>,
      %get3A_239 = vector.shape_cast %get3A_238 : vector<1x1x16xf32> to vector<16xf32>
      %get3A_240 = arith.constant 0 : i32
      %get3A_241 = arith.index_cast %get3A_240 : i32 to index
      %get3A_242 = arith.index_cast %scan3A_187 : i32 to index
      %get3A_243 = arith.constant 16 : index
      %get3A_244 = tpu.vector_load %arg6[%get3A_241, %get3A_242, %get3A_243] {strides = array<i32>} : memref<2x64x256xf32, #tpu.memory_space<vmem>>, vector<1x1x16xf32>,
      %get3A_245 = vector.shape_cast %get3A_244 : vector<1x1x16xf32> to vector<16xf32>
      %bitcast_convert_type3A_246 = tpu.bitcast %get3A_245 : vector<16xf32> -> vector<16xi32>
      %shift_right_arithmetic3A_247 = arith.constant 23 : i32
      %shift_right_arithmetic3A_248 = vector.broadcast %shift_right_arithmetic3A_247 : i32 to vector<16xi32>
      %shift_right_arithmetic3A_249 = arith.shrsi %bitcast_convert_type3A_246, %shift_right_arithmetic3A_248 : vector<16xi32>
      %convert_element_type3A_250 = arith.sitofp %shift_right_arithmetic3A_249 : vector<16xi32> to vector<16xf32>
      %and3A_251 = arith.constant 8388607 : i32
      %and3A_252 = vector.broadcast %and3A_251 : i32 to vector<16xi32>
      %and3A_253 = arith.andi %bitcast_convert_type3A_246, %and3A_252 : vector<16xi32>
      %or3A_254 = arith.constant 1065353216 : i32
      %or3A_255 = vector.broadcast %or3A_254 : i32 to vector<16xi32>
      %or3A_256 = arith.ori %and3A_253, %or3A_255 : vector<16xi32>
      %bitcast_convert_type3A_257 = tpu.bitcast %or3A_256 : vector<16xi32> -> vector<16xf32>
      %mul3A_258 = arith.constant -0.0548628531 : f32
      %mul3A_259 = vector.broadcast %mul3A_258 : f32 to vector<16xf32>
      %mul3A_260 = arith.mulf %mul3A_259, %bitcast_convert_type3A_257 : vector<16xf32>
      %add3A_261 = arith.constant 0.435861856 : f32
      %add3A_262 = vector.broadcast %add3A_261 : f32 to vector<16xf32>
      %add3A_263 = arith.addf %mul3A_260, %add3A_262 : vector<16xf32>
      %mul3A_264 = arith.mulf %add3A_263, %bitcast_convert_type3A_257 : vector<16xf32>
      %add3A_265 = arith.constant -1.44248104 : f32
      %add3A_266 = vector.broadcast %add3A_265 : f32 to vector<16xf32>
      %add3A_267 = arith.addf %mul3A_264, %add3A_266 : vector<16xf32>
      %mul3A_268 = arith.mulf %add3A_267, %bitcast_convert_type3A_257 : vector<16xf32>
      %add3A_269 = arith.constant 2.79225516 : f32
      %add3A_270 = vector.broadcast %add3A_269 : f32 to vector<16xf32>
      %add3A_271 = arith.addf %mul3A_268, %add3A_270 : vector<16xf32>
      %mul3A_272 = arith.mulf %add3A_271, %bitcast_convert_type3A_257 : vector<16xf32>
      %add3A_273 = arith.constant -89.7603226 : f32
      %add3A_274 = vector.broadcast %add3A_273 : f32 to vector<16xf32>
      %add3A_275 = arith.addf %mul3A_272, %add3A_274 : vector<16xf32>
      %mul3A_276 = arith.constant 0.693147182 : f32
      %mul3A_277 = vector.broadcast %mul3A_276 : f32 to vector<16xf32>
      %mul3A_278 = arith.mulf %convert_element_type3A_250, %mul3A_277 : vector<16xf32>
      %add3A_279 = arith.addf %mul3A_278, %add3A_275 : vector<16xf32>
      %mul3A_280 = arith.mulf %get3A_239, %add3A_279 : vector<16xf32>
      %add3A_281 = arith.addf %add3A_232, %mul3A_280 : vector<16xf32>
      %add3A_282 = arith.addf %add3A_233, %get3A_239 : vector<16xf32>
      %get3A_283 = arith.constant 0 : i32
      %get3A_284 = arith.index_cast %get3A_283 : i32 to index
      %get3A_285 = arith.index_cast %scan3A_187 : i32 to index
      %get3A_286 = arith.constant 32 : index
      %get3A_287 = tpu.vector_load %arg5[%get3A_284, %get3A_285, %get3A_286] {strides = array<i32>} : memref<2x64x256xf32, #tpu.memory_space<vmem>>, vector<1x1x16xf32>,
      %get3A_288 = vector.shape_cast %get3A_287 : vector<1x1x16xf32> to vector<16xf32>
      %get3A_289 = arith.constant 0 : i32
      %get3A_290 = arith.index_cast %get3A_289 : i32 to index
      %get3A_291 = arith.index_cast %scan3A_187 : i32 to index
      %get3A_292 = arith.constant 32 : index
      %get3A_293 = tpu.vector_load %arg6[%get3A_290, %get3A_291, %get3A_292] {strides = array<i32>} : memref<2x64x256xf32, #tpu.memory_space<vmem>>, vector<1x1x16xf32>,
      %get3A_294 = vector.shape_cast %get3A_293 : vector<1x1x16xf32> to vector<16xf32>
      %bitcast_convert_type3A_295 = tpu.bitcast %get3A_294 : vector<16xf32> -> vector<16xi32>
      %shift_right_arithmetic3A_296 = arith.constant 23 : i32
      %shift_right_arithmetic3A_297 = vector.broadcast %shift_right_arithmetic3A_296 : i32 to vector<16xi32>
      %shift_right_arithmetic3A_298 = arith.shrsi %bitcast_convert_type3A_295, %shift_right_arithmetic3A_297 : vector<16xi32>
      %convert_element_type3A_299 = arith.sitofp %shift_right_arithmetic3A_298 : vector<16xi32> to vector<16xf32>
      %and3A_300 = arith.constant 8388607 : i32
      %and3A_301 = vector.broadcast %and3A_300 : i32 to vector<16xi32>
      %and3A_302 = arith.andi %bitcast_convert_type3A_295, %and3A_301 : vector<16xi32>
      %or3A_303 = arith.constant 1065353216 : i32
      %or3A_304 = vector.broadcast %or3A_303 : i32 to vector<16xi32>
      %or3A_305 = arith.ori %and3A_302, %or3A_304 : vector<16xi32>
      %bitcast_convert_type3A_306 = tpu.bitcast %or3A_305 : vector<16xi32> -> vector<16xf32>
      %mul3A_307 = arith.constant -0.0548628531 : f32
      %mul3A_308 = vector.broadcast %mul3A_307 : f32 to vector<16xf32>
      %mul3A_309 = arith.mulf %mul3A_308, %bitcast_convert_type3A_306 : vector<16xf32>
      %add3A_310 = arith.constant 0.435861856 : f32
      %add3A_311 = vector.broadcast %add3A_310 : f32 to vector<16xf32>
      %add3A_312 = arith.addf %mul3A_309, %add3A_311 : vector<16xf32>
      %mul3A_313 = arith.mulf %add3A_312, %bitcast_convert_type3A_306 : vector<16xf32>
      %add3A_314 = arith.constant -1.44248104 : f32
      %add3A_315 = vector.broadcast %add3A_314 : f32 to vector<16xf32>
      %add3A_316 = arith.addf %mul3A_313, %add3A_315 : vector<16xf32>
      %mul3A_317 = arith.mulf %add3A_316, %bitcast_convert_type3A_306 : vector<16xf32>
      %add3A_318 = arith.constant 2.79225516 : f32
      %add3A_319 = vector.broadcast %add3A_318 : f32 to vector<16xf32>
      %add3A_320 = arith.addf %mul3A_317, %add3A_319 : vector<16xf32>
      %mul3A_321 = arith.mulf %add3A_320, %bitcast_convert_type3A_306 : vector<16xf32>
      %add3A_322 = arith.constant -89.7603226 : f32
      %add3A_323 = vector.broadcast %add3A_322 : f32 to vector<16xf32>
      %add3A_324 = arith.addf %mul3A_321, %add3A_323 : vector<16xf32>
      %mul3A_325 = arith.constant 0.693147182 : f32
      %mul3A_326 = vector.broadcast %mul3A_325 : f32 to vector<16xf32>
      %mul3A_327 = arith.mulf %convert_element_type3A_299, %mul3A_326 : vector<16xf32>
      %add3A_328 = arith.addf %mul3A_327, %add3A_324 : vector<16xf32>
      %mul3A_329 = arith.mulf %get3A_288, %add3A_328 : vector<16xf32>
      %add3A_330 = arith.addf %add3A_281, %mul3A_329 : vector<16xf32>
      %add3A_331 = arith.addf %add3A_282, %get3A_288 : vector<16xf32>
      %get3A_332 = arith.constant 0 : i32
      %get3A_333 = arith.index_cast %get3A_332 : i32 to index
      %get3A_334 = arith.index_cast %scan3A_187 : i32 to index
      %get3A_335 = arith.constant 48 : index
      %get3A_336 = tpu.vector_load %arg5[%get3A_333, %get3A_334, %get3A_335] {strides = array<i32>} : memref<2x64x256xf32, #tpu.memory_space<vmem>>, vector<1x1x16xf32>,
      %get3A_337 = vector.shape_cast %get3A_336 : vector<1x1x16xf32> to vector<16xf32>
      %get3A_338 = arith.constant 0 : i32
      %get3A_339 = arith.index_cast %get3A_338 : i32 to index
      %get3A_340 = arith.index_cast %scan3A_187 : i32 to index
      %get3A_341 = arith.constant 48 : index
      %get3A_342 = tpu.vector_load %arg6[%get3A_339, %get3A_340, %get3A_341] {strides = array<i32>} : memref<2x64x256xf32, #tpu.memory_space<vmem>>, vector<1x1x16xf32>,
      %get3A_343 = vector.shape_cast %get3A_342 : vector<1x1x16xf32> to vector<16xf32>
      %bitcast_convert_type3A_344 = tpu.bitcast %get3A_343 : vector<16xf32> -> vector<16xi32>
      %shift_right_arithmetic3A_345 = arith.constant 23 : i32
      %shift_right_arithmetic3A_346 = vector.broadcast %shift_right_arithmetic3A_345 : i32 to vector<16xi32>
      %shift_right_arithmetic3A_347 = arith.shrsi %bitcast_convert_type3A_344, %shift_right_arithmetic3A_346 : vector<16xi32>
      %convert_element_type3A_348 = arith.sitofp %shift_right_arithmetic3A_347 : vector<16xi32> to vector<16xf32>
      %and3A_349 = arith.constant 8388607 : i32
      %and3A_350 = vector.broadcast %and3A_349 : i32 to vector<16xi32>
      %and3A_351 = arith.andi %bitcast_convert_type3A_344, %and3A_350 : vector<16xi32>
      %or3A_352 = arith.constant 1065353216 : i32
      %or3A_353 = vector.broadcast %or3A_352 : i32 to vector<16xi32>
      %or3A_354 = arith.ori %and3A_351, %or3A_353 : vector<16xi32>
      %bitcast_convert_type3A_355 = tpu.bitcast %or3A_354 : vector<16xi32> -> vector<16xf32>
      %mul3A_356 = arith.constant -0.0548628531 : f32
      %mul3A_357 = vector.broadcast %mul3A_356 : f32 to vector<16xf32>
      %mul3A_358 = arith.mulf %mul3A_357, %bitcast_convert_type3A_355 : vector<16xf32>
      %add3A_359 = arith.constant 0.435861856 : f32
      %add3A_360 = vector.broadcast %add3A_359 : f32 to vector<16xf32>
      %add3A_361 = arith.addf %mul3A_358, %add3A_360 : vector<16xf32>
      %mul3A_362 = arith.mulf %add3A_361, %bitcast_convert_type3A_355 : vector<16xf32>
      %add3A_363 = arith.constant -1.44248104 : f32
      %add3A_364 = vector.broadcast %add3A_363 : f32 to vector<16xf32>
      %add3A_365 = arith.addf %mul3A_362, %add3A_364 : vector<16xf32>
      %mul3A_366 = arith.mulf %add3A_365, %bitcast_convert_type3A_355 : vector<16xf32>
      %add3A_367 = arith.constant 2.79225516 : f32
      %add3A_368 = vector.broadcast %add3A_367 : f32 to vector<16xf32>
      %add3A_369 = arith.addf %mul3A_366, %add3A_368 : vector<16xf32>
      %mul3A_370 = arith.mulf %add3A_369, %bitcast_convert_type3A_355 : vector<16xf32>
      %add3A_371 = arith.constant -89.7603226 : f32
      %add3A_372 = vector.broadcast %add3A_371 : f32 to vector<16xf32>
      %add3A_373 = arith.addf %mul3A_370, %add3A_372 : vector<16xf32>
      %mul3A_374 = arith.constant 0.693147182 : f32
      %mul3A_375 = vector.broadcast %mul3A_374 : f32 to vector<16xf32>
      %mul3A_376 = arith.mulf %convert_element_type3A_348, %mul3A_375 : vector<16xf32>
      %add3A_377 = arith.addf %mul3A_376, %add3A_373 : vector<16xf32>
      %mul3A_378 = arith.mulf %get3A_337, %add3A_377 : vector<16xf32>
      %add3A_379 = arith.addf %add3A_330, %mul3A_378 : vector<16xf32>
      %add3A_380 = arith.addf %add3A_331, %get3A_337 : vector<16xf32>
      %get3A_381 = arith.constant 0 : i32
      %get3A_382 = arith.index_cast %get3A_381 : i32 to index
      %get3A_383 = arith.index_cast %scan3A_187 : i32 to index
      %get3A_384 = arith.constant 64 : index
      %get3A_385 = tpu.vector_load %arg5[%get3A_382, %get3A_383, %get3A_384] {strides = array<i32>} : memref<2x64x256xf32, #tpu.memory_space<vmem>>, vector<1x1x16xf32>,
      %get3A_386 = vector.shape_cast %get3A_385 : vector<1x1x16xf32> to vector<16xf32>
      %get3A_387 = arith.constant 0 : i32
      %get3A_388 = arith.index_cast %get3A_387 : i32 to index
      %get3A_389 = arith.index_cast %scan3A_187 : i32 to index
      %get3A_390 = arith.constant 64 : index
      %get3A_391 = tpu.vector_load %arg6[%get3A_388, %get3A_389, %get3A_390] {strides = array<i32>} : memref<2x64x256xf32, #tpu.memory_space<vmem>>, vector<1x1x16xf32>,
      %get3A_392 = vector.shape_cast %get3A_391 : vector<1x1x16xf32> to vector<16xf32>
      %bitcast_convert_type3A_393 = tpu.bitcast %get3A_392 : vector<16xf32> -> vector<16xi32>
      %shift_right_arithmetic3A_394 = arith.constant 23 : i32
      %shift_right_arithmetic3A_395 = vector.broadcast %shift_right_arithmetic3A_394 : i32 to vector<16xi32>
      %shift_right_arithmetic3A_396 = arith.shrsi %bitcast_convert_type3A_393, %shift_right_arithmetic3A_395 : vector<16xi32>
      %convert_element_type3A_397 = arith.sitofp %shift_right_arithmetic3A_396 : vector<16xi32> to vector<16xf32>
      %and3A_398 = arith.constant 8388607 : i32
      %and3A_399 = vector.broadcast %and3A_398 : i32 to vector<16xi32>
      %and3A_400 = arith.andi %bitcast_convert_type3A_393, %and3A_399 : vector<16xi32>
      %or3A_401 = arith.constant 1065353216 : i32
      %or3A_402 = vector.broadcast %or3A_401 : i32 to vector<16xi32>
      %or3A_403 = arith.ori %and3A_400, %or3A_402 : vector<16xi32>
      %bitcast_convert_type3A_404 = tpu.bitcast %or3A_403 : vector<16xi32> -> vector<16xf32>
      %mul3A_405 = arith.constant -0.0548628531 : f32
      %mul3A_406 = vector.broadcast %mul3A_405 : f32 to vector<16xf32>
      %mul3A_407 = arith.mulf %mul3A_406, %bitcast_convert_type3A_404 : vector<16xf32>
      %add3A_408 = arith.constant 0.435861856 : f32
      %add3A_409 = vector.broadcast %add3A_408 : f32 to vector<16xf32>
      %add3A_410 = arith.addf %mul3A_407, %add3A_409 : vector<16xf32>
      %mul3A_411 = arith.mulf %add3A_410, %bitcast_convert_type3A_404 : vector<16xf32>
      %add3A_412 = arith.constant -1.44248104 : f32
      %add3A_413 = vector.broadcast %add3A_412 : f32 to vector<16xf32>
      %add3A_414 = arith.addf %mul3A_411, %add3A_413 : vector<16xf32>
      %mul3A_415 = arith.mulf %add3A_414, %bitcast_convert_type3A_404 : vector<16xf32>
      %add3A_416 = arith.constant 2.79225516 : f32
      %add3A_417 = vector.broadcast %add3A_416 : f32 to vector<16xf32>
      %add3A_418 = arith.addf %mul3A_415, %add3A_417 : vector<16xf32>
      %mul3A_419 = arith.mulf %add3A_418, %bitcast_convert_type3A_404 : vector<16xf32>
      %add3A_420 = arith.constant -89.7603226 : f32
      %add3A_421 = vector.broadcast %add3A_420 : f32 to vector<16xf32>
      %add3A_422 = arith.addf %mul3A_419, %add3A_421 : vector<16xf32>
      %mul3A_423 = arith.constant 0.693147182 : f32
      %mul3A_424 = vector.broadcast %mul3A_423 : f32 to vector<16xf32>
      %mul3A_425 = arith.mulf %convert_element_type3A_397, %mul3A_424 : vector<16xf32>
      %add3A_426 = arith.addf %mul3A_425, %add3A_422 : vector<16xf32>
      %mul3A_427 = arith.mulf %get3A_386, %add3A_426 : vector<16xf32>
      %add3A_428 = arith.addf %add3A_379, %mul3A_427 : vector<16xf32>
      %add3A_429 = arith.addf %add3A_380, %get3A_386 : vector<16xf32>
      %get3A_430 = arith.constant 0 : i32
      %get3A_431 = arith.index_cast %get3A_430 : i32 to index
      %get3A_432 = arith.index_cast %scan3A_187 : i32 to index
      %get3A_433 = arith.constant 80 : index
      %get3A_434 = tpu.vector_load %arg5[%get3A_431, %get3A_432, %get3A_433] {strides = array<i32>} : memref<2x64x256xf32, #tpu.memory_space<vmem>>, vector<1x1x16xf32>,
      %get3A_435 = vector.shape_cast %get3A_434 : vector<1x1x16xf32> to vector<16xf32>
      %get3A_436 = arith.constant 0 : i32
      %get3A_437 = arith.index_cast %get3A_436 : i32 to index
      %get3A_438 = arith.index_cast %scan3A_187 : i32 to index
      %get3A_439 = arith.constant 80 : index
      %get3A_440 = tpu.vector_load %arg6[%get3A_437, %get3A_438, %get3A_439] {strides = array<i32>} : memref<2x64x256xf32, #tpu.memory_space<vmem>>, vector<1x1x16xf32>,
      %get3A_441 = vector.shape_cast %get3A_440 : vector<1x1x16xf32> to vector<16xf32>
      %bitcast_convert_type3A_442 = tpu.bitcast %get3A_441 : vector<16xf32> -> vector<16xi32>
      %shift_right_arithmetic3A_443 = arith.constant 23 : i32
      %shift_right_arithmetic3A_444 = vector.broadcast %shift_right_arithmetic3A_443 : i32 to vector<16xi32>
      %shift_right_arithmetic3A_445 = arith.shrsi %bitcast_convert_type3A_442, %shift_right_arithmetic3A_444 : vector<16xi32>
      %convert_element_type3A_446 = arith.sitofp %shift_right_arithmetic3A_445 : vector<16xi32> to vector<16xf32>
      %and3A_447 = arith.constant 8388607 : i32
      %and3A_448 = vector.broadcast %and3A_447 : i32 to vector<16xi32>
      %and3A_449 = arith.andi %bitcast_convert_type3A_442, %and3A_448 : vector<16xi32>
      %or3A_450 = arith.constant 1065353216 : i32
      %or3A_451 = vector.broadcast %or3A_450 : i32 to vector<16xi32>
      %or3A_452 = arith.ori %and3A_449, %or3A_451 : vector<16xi32>
      %bitcast_convert_type3A_453 = tpu.bitcast %or3A_452 : vector<16xi32> -> vector<16xf32>
      %mul3A_454 = arith.constant -0.0548628531 : f32
      %mul3A_455 = vector.broadcast %mul3A_454 : f32 to vector<16xf32>
      %mul3A_456 = arith.mulf %mul3A_455, %bitcast_convert_type3A_453 : vector<16xf32>
      %add3A_457 = arith.constant 0.435861856 : f32
      %add3A_458 = vector.broadcast %add3A_457 : f32 to vector<16xf32>
      %add3A_459 = arith.addf %mul3A_456, %add3A_458 : vector<16xf32>
      %mul3A_460 = arith.mulf %add3A_459, %bitcast_convert_type3A_453 : vector<16xf32>
      %add3A_461 = arith.constant -1.44248104 : f32
      %add3A_462 = vector.broadcast %add3A_461 : f32 to vector<16xf32>
      %add3A_463 = arith.addf %mul3A_460, %add3A_462 : vector<16xf32>
      %mul3A_464 = arith.mulf %add3A_463, %bitcast_convert_type3A_453 : vector<16xf32>
      %add3A_465 = arith.constant 2.79225516 : f32
      %add3A_466 = vector.broadcast %add3A_465 : f32 to vector<16xf32>
      %add3A_467 = arith.addf %mul3A_464, %add3A_466 : vector<16xf32>
      %mul3A_468 = arith.mulf %add3A_467, %bitcast_convert_type3A_453 : vector<16xf32>
      %add3A_469 = arith.constant -89.7603226 : f32
      %add3A_470 = vector.broadcast %add3A_469 : f32 to vector<16xf32>
      %add3A_471 = arith.addf %mul3A_468, %add3A_470 : vector<16xf32>
      %mul3A_472 = arith.constant 0.693147182 : f32
      %mul3A_473 = vector.broadcast %mul3A_472 : f32 to vector<16xf32>
      %mul3A_474 = arith.mulf %convert_element_type3A_446, %mul3A_473 : vector<16xf32>
      %add3A_475 = arith.addf %mul3A_474, %add3A_471 : vector<16xf32>
      %mul3A_476 = arith.mulf %get3A_435, %add3A_475 : vector<16xf32>
      %add3A_477 = arith.addf %add3A_428, %mul3A_476 : vector<16xf32>
      %add3A_478 = arith.addf %add3A_429, %get3A_435 : vector<16xf32>
      %get3A_479 = arith.constant 0 : i32
      %get3A_480 = arith.index_cast %get3A_479 : i32 to index
      %get3A_481 = arith.index_cast %scan3A_187 : i32 to index
      %get3A_482 = arith.constant 96 : index
      %get3A_483 = tpu.vector_load %arg5[%get3A_480, %get3A_481, %get3A_482] {strides = array<i32>} : memref<2x64x256xf32, #tpu.memory_space<vmem>>, vector<1x1x16xf32>,
      %get3A_484 = vector.shape_cast %get3A_483 : vector<1x1x16xf32> to vector<16xf32>
      %get3A_485 = arith.constant 0 : i32
      %get3A_486 = arith.index_cast %get3A_485 : i32 to index
      %get3A_487 = arith.index_cast %scan3A_187 : i32 to index
      %get3A_488 = arith.constant 96 : index
      %get3A_489 = tpu.vector_load %arg6[%get3A_486, %get3A_487, %get3A_488] {strides = array<i32>} : memref<2x64x256xf32, #tpu.memory_space<vmem>>, vector<1x1x16xf32>,
      %get3A_490 = vector.shape_cast %get3A_489 : vector<1x1x16xf32> to vector<16xf32>
      %bitcast_convert_type3A_491 = tpu.bitcast %get3A_490 : vector<16xf32> -> vector<16xi32>
      %shift_right_arithmetic3A_492 = arith.constant 23 : i32
      %shift_right_arithmetic3A_493 = vector.broadcast %shift_right_arithmetic3A_492 : i32 to vector<16xi32>
      %shift_right_arithmetic3A_494 = arith.shrsi %bitcast_convert_type3A_491, %shift_right_arithmetic3A_493 : vector<16xi32>
      %convert_element_type3A_495 = arith.sitofp %shift_right_arithmetic3A_494 : vector<16xi32> to vector<16xf32>
      %and3A_496 = arith.constant 8388607 : i32
      %and3A_497 = vector.broadcast %and3A_496 : i32 to vector<16xi32>
      %and3A_498 = arith.andi %bitcast_convert_type3A_491, %and3A_497 : vector<16xi32>
      %or3A_499 = arith.constant 1065353216 : i32
      %or3A_500 = vector.broadcast %or3A_499 : i32 to vector<16xi32>
      %or3A_501 = arith.ori %and3A_498, %or3A_500 : vector<16xi32>
      %bitcast_convert_type3A_502 = tpu.bitcast %or3A_501 : vector<16xi32> -> vector<16xf32>
      %mul3A_503 = arith.constant -0.0548628531 : f32
      %mul3A_504 = vector.broadcast %mul3A_503 : f32 to vector<16xf32>
      %mul3A_505 = arith.mulf %mul3A_504, %bitcast_convert_type3A_502 : vector<16xf32>
      %add3A_506 = arith.constant 0.435861856 : f32
      %add3A_507 = vector.broadcast %add3A_506 : f32 to vector<16xf32>
      %add3A_508 = arith.addf %mul3A_505, %add3A_507 : vector<16xf32>
      %mul3A_509 = arith.mulf %add3A_508, %bitcast_convert_type3A_502 : vector<16xf32>
      %add3A_510 = arith.constant -1.44248104 : f32
      %add3A_511 = vector.broadcast %add3A_510 : f32 to vector<16xf32>
      %add3A_512 = arith.addf %mul3A_509, %add3A_511 : vector<16xf32>
      %mul3A_513 = arith.mulf %add3A_512, %bitcast_convert_type3A_502 : vector<16xf32>
      %add3A_514 = arith.constant 2.79225516 : f32
      %add3A_515 = vector.broadcast %add3A_514 : f32 to vector<16xf32>
      %add3A_516 = arith.addf %mul3A_513, %add3A_515 : vector<16xf32>
      %mul3A_517 = arith.mulf %add3A_516, %bitcast_convert_type3A_502 : vector<16xf32>
      %add3A_518 = arith.constant -89.7603226 : f32
      %add3A_519 = vector.broadcast %add3A_518 : f32 to vector<16xf32>
      %add3A_520 = arith.addf %mul3A_517, %add3A_519 : vector<16xf32>
      %mul3A_521 = arith.constant 0.693147182 : f32
      %mul3A_522 = vector.broadcast %mul3A_521 : f32 to vector<16xf32>
      %mul3A_523 = arith.mulf %convert_element_type3A_495, %mul3A_522 : vector<16xf32>
      %add3A_524 = arith.addf %mul3A_523, %add3A_520 : vector<16xf32>
      %mul3A_525 = arith.mulf %get3A_484, %add3A_524 : vector<16xf32>
      %add3A_526 = arith.addf %add3A_477, %mul3A_525 : vector<16xf32>
      %add3A_527 = arith.addf %add3A_478, %get3A_484 : vector<16xf32>
      %get3A_528 = arith.constant 0 : i32
      %get3A_529 = arith.index_cast %get3A_528 : i32 to index
      %get3A_530 = arith.index_cast %scan3A_187 : i32 to index
      %get3A_531 = arith.constant 112 : index
      %get3A_532 = tpu.vector_load %arg5[%get3A_529, %get3A_530, %get3A_531] {strides = array<i32>} : memref<2x64x256xf32, #tpu.memory_space<vmem>>, vector<1x1x16xf32>,
      %get3A_533 = vector.shape_cast %get3A_532 : vector<1x1x16xf32> to vector<16xf32>
      %get3A_534 = arith.constant 0 : i32
      %get3A_535 = arith.index_cast %get3A_534 : i32 to index
      %get3A_536 = arith.index_cast %scan3A_187 : i32 to index
      %get3A_537 = arith.constant 112 : index
      %get3A_538 = tpu.vector_load %arg6[%get3A_535, %get3A_536, %get3A_537] {strides = array<i32>} : memref<2x64x256xf32, #tpu.memory_space<vmem>>, vector<1x1x16xf32>,
      %get3A_539 = vector.shape_cast %get3A_538 : vector<1x1x16xf32> to vector<16xf32>
      %bitcast_convert_type3A_540 = tpu.bitcast %get3A_539 : vector<16xf32> -> vector<16xi32>
      %shift_right_arithmetic3A_541 = arith.constant 23 : i32
      %shift_right_arithmetic3A_542 = vector.broadcast %shift_right_arithmetic3A_541 : i32 to vector<16xi32>
      %shift_right_arithmetic3A_543 = arith.shrsi %bitcast_convert_type3A_540, %shift_right_arithmetic3A_542 : vector<16xi32>
      %convert_element_type3A_544 = arith.sitofp %shift_right_arithmetic3A_543 : vector<16xi32> to vector<16xf32>
      %and3A_545 = arith.constant 8388607 : i32
      %and3A_546 = vector.broadcast %and3A_545 : i32 to vector<16xi32>
      %and3A_547 = arith.andi %bitcast_convert_type3A_540, %and3A_546 : vector<16xi32>
      %or3A_548 = arith.constant 1065353216 : i32
      %or3A_549 = vector.broadcast %or3A_548 : i32 to vector<16xi32>
      %or3A_550 = arith.ori %and3A_547, %or3A_549 : vector<16xi32>
      %bitcast_convert_type3A_551 = tpu.bitcast %or3A_550 : vector<16xi32> -> vector<16xf32>
      %mul3A_552 = arith.constant -0.0548628531 : f32
      %mul3A_553 = vector.broadcast %mul3A_552 : f32 to vector<16xf32>
      %mul3A_554 = arith.mulf %mul3A_553, %bitcast_convert_type3A_551 : vector<16xf32>
      %add3A_555 = arith.constant 0.435861856 : f32
      %add3A_556 = vector.broadcast %add3A_555 : f32 to vector<16xf32>
      %add3A_557 = arith.addf %mul3A_554, %add3A_556 : vector<16xf32>
      %mul3A_558 = arith.mulf %add3A_557, %bitcast_convert_type3A_551 : vector<16xf32>
      %add3A_559 = arith.constant -1.44248104 : f32
      %add3A_560 = vector.broadcast %add3A_559 : f32 to vector<16xf32>
      %add3A_561 = arith.addf %mul3A_558, %add3A_560 : vector<16xf32>
      %mul3A_562 = arith.mulf %add3A_561, %bitcast_convert_type3A_551 : vector<16xf32>
      %add3A_563 = arith.constant 2.79225516 : f32
      %add3A_564 = vector.broadcast %add3A_563 : f32 to vector<16xf32>
      %add3A_565 = arith.addf %mul3A_562, %add3A_564 : vector<16xf32>
      %mul3A_566 = arith.mulf %add3A_565, %bitcast_convert_type3A_551 : vector<16xf32>
      %add3A_567 = arith.constant -89.7603226 : f32
      %add3A_568 = vector.broadcast %add3A_567 : f32 to vector<16xf32>
      %add3A_569 = arith.addf %mul3A_566, %add3A_568 : vector<16xf32>
      %mul3A_570 = arith.constant 0.693147182 : f32
      %mul3A_571 = vector.broadcast %mul3A_570 : f32 to vector<16xf32>
      %mul3A_572 = arith.mulf %convert_element_type3A_544, %mul3A_571 : vector<16xf32>
      %add3A_573 = arith.addf %mul3A_572, %add3A_569 : vector<16xf32>
      %mul3A_574 = arith.mulf %get3A_533, %add3A_573 : vector<16xf32>
      %add3A_575 = arith.addf %add3A_526, %mul3A_574 : vector<16xf32>
      %add3A_576 = arith.addf %add3A_527, %get3A_533 : vector<16xf32>
      %get3A_577 = arith.constant 0 : i32
      %get3A_578 = arith.index_cast %get3A_577 : i32 to index
      %get3A_579 = arith.index_cast %scan3A_187 : i32 to index
      %get3A_580 = arith.constant 128 : index
      %get3A_581 = tpu.vector_load %arg5[%get3A_578, %get3A_579, %get3A_580] {strides = array<i32>} : memref<2x64x256xf32, #tpu.memory_space<vmem>>, vector<1x1x16xf32>,
      %get3A_582 = vector.shape_cast %get3A_581 : vector<1x1x16xf32> to vector<16xf32>
      %get3A_583 = arith.constant 0 : i32
      %get3A_584 = arith.index_cast %get3A_583 : i32 to index
      %get3A_585 = arith.index_cast %scan3A_187 : i32 to index
      %get3A_586 = arith.constant 128 : index
      %get3A_587 = tpu.vector_load %arg6[%get3A_584, %get3A_585, %get3A_586] {strides = array<i32>} : memref<2x64x256xf32, #tpu.memory_space<vmem>>, vector<1x1x16xf32>,
      %get3A_588 = vector.shape_cast %get3A_587 : vector<1x1x16xf32> to vector<16xf32>
      %bitcast_convert_type3A_589 = tpu.bitcast %get3A_588 : vector<16xf32> -> vector<16xi32>
      %shift_right_arithmetic3A_590 = arith.constant 23 : i32
      %shift_right_arithmetic3A_591 = vector.broadcast %shift_right_arithmetic3A_590 : i32 to vector<16xi32>
      %shift_right_arithmetic3A_592 = arith.shrsi %bitcast_convert_type3A_589, %shift_right_arithmetic3A_591 : vector<16xi32>
      %convert_element_type3A_593 = arith.sitofp %shift_right_arithmetic3A_592 : vector<16xi32> to vector<16xf32>
      %and3A_594 = arith.constant 8388607 : i32
      %and3A_595 = vector.broadcast %and3A_594 : i32 to vector<16xi32>
      %and3A_596 = arith.andi %bitcast_convert_type3A_589, %and3A_595 : vector<16xi32>
      %or3A_597 = arith.constant 1065353216 : i32
      %or3A_598 = vector.broadcast %or3A_597 : i32 to vector<16xi32>
      %or3A_599 = arith.ori %and3A_596, %or3A_598 : vector<16xi32>
      %bitcast_convert_type3A_600 = tpu.bitcast %or3A_599 : vector<16xi32> -> vector<16xf32>
      %mul3A_601 = arith.constant -0.0548628531 : f32
      %mul3A_602 = vector.broadcast %mul3A_601 : f32 to vector<16xf32>
      %mul3A_603 = arith.mulf %mul3A_602, %bitcast_convert_type3A_600 : vector<16xf32>
      %add3A_604 = arith.constant 0.435861856 : f32
      %add3A_605 = vector.broadcast %add3A_604 : f32 to vector<16xf32>
      %add3A_606 = arith.addf %mul3A_603, %add3A_605 : vector<16xf32>
      %mul3A_607 = arith.mulf %add3A_606, %bitcast_convert_type3A_600 : vector<16xf32>
      %add3A_608 = arith.constant -1.44248104 : f32
      %add3A_609 = vector.broadcast %add3A_608 : f32 to vector<16xf32>
      %add3A_610 = arith.addf %mul3A_607, %add3A_609 : vector<16xf32>
      %mul3A_611 = arith.mulf %add3A_610, %bitcast_convert_type3A_600 : vector<16xf32>
      %add3A_612 = arith.constant 2.79225516 : f32
      %add3A_613 = vector.broadcast %add3A_612 : f32 to vector<16xf32>
      %add3A_614 = arith.addf %mul3A_611, %add3A_613 : vector<16xf32>
      %mul3A_615 = arith.mulf %add3A_614, %bitcast_convert_type3A_600 : vector<16xf32>
      %add3A_616 = arith.constant -89.7603226 : f32
      %add3A_617 = vector.broadcast %add3A_616 : f32 to vector<16xf32>
      %add3A_618 = arith.addf %mul3A_615, %add3A_617 : vector<16xf32>
      %mul3A_619 = arith.constant 0.693147182 : f32
      %mul3A_620 = vector.broadcast %mul3A_619 : f32 to vector<16xf32>
      %mul3A_621 = arith.mulf %convert_element_type3A_593, %mul3A_620 : vector<16xf32>
      %add3A_622 = arith.addf %mul3A_621, %add3A_618 : vector<16xf32>
      %mul3A_623 = arith.mulf %get3A_582, %add3A_622 : vector<16xf32>
      %add3A_624 = arith.addf %add3A_575, %mul3A_623 : vector<16xf32>
      %add3A_625 = arith.addf %add3A_576, %get3A_582 : vector<16xf32>
      %get3A_626 = arith.constant 0 : i32
      %get3A_627 = arith.index_cast %get3A_626 : i32 to index
      %get3A_628 = arith.index_cast %scan3A_187 : i32 to index
      %get3A_629 = arith.constant 144 : index
      %get3A_630 = tpu.vector_load %arg5[%get3A_627, %get3A_628, %get3A_629] {strides = array<i32>} : memref<2x64x256xf32, #tpu.memory_space<vmem>>, vector<1x1x16xf32>,
      %get3A_631 = vector.shape_cast %get3A_630 : vector<1x1x16xf32> to vector<16xf32>
      %get3A_632 = arith.constant 0 : i32
      %get3A_633 = arith.index_cast %get3A_632 : i32 to index
      %get3A_634 = arith.index_cast %scan3A_187 : i32 to index
      %get3A_635 = arith.constant 144 : index
      %get3A_636 = tpu.vector_load %arg6[%get3A_633, %get3A_634, %get3A_635] {strides = array<i32>} : memref<2x64x256xf32, #tpu.memory_space<vmem>>, vector<1x1x16xf32>,
      %get3A_637 = vector.shape_cast %get3A_636 : vector<1x1x16xf32> to vector<16xf32>
      %bitcast_convert_type3A_638 = tpu.bitcast %get3A_637 : vector<16xf32> -> vector<16xi32>
      %shift_right_arithmetic3A_639 = arith.constant 23 : i32
      %shift_right_arithmetic3A_640 = vector.broadcast %shift_right_arithmetic3A_639 : i32 to vector<16xi32>
      %shift_right_arithmetic3A_641 = arith.shrsi %bitcast_convert_type3A_638, %shift_right_arithmetic3A_640 : vector<16xi32>
      %convert_element_type3A_642 = arith.sitofp %shift_right_arithmetic3A_641 : vector<16xi32> to vector<16xf32>
      %and3A_643 = arith.constant 8388607 : i32
      %and3A_644 = vector.broadcast %and3A_643 : i32 to vector<16xi32>
      %and3A_645 = arith.andi %bitcast_convert_type3A_638, %and3A_644 : vector<16xi32>
      %or3A_646 = arith.constant 1065353216 : i32
      %or3A_647 = vector.broadcast %or3A_646 : i32 to vector<16xi32>
      %or3A_648 = arith.ori %and3A_645, %or3A_647 : vector<16xi32>
      %bitcast_convert_type3A_649 = tpu.bitcast %or3A_648 : vector<16xi32> -> vector<16xf32>
      %mul3A_650 = arith.constant -0.0548628531 : f32
      %mul3A_651 = vector.broadcast %mul3A_650 : f32 to vector<16xf32>
      %mul3A_652 = arith.mulf %mul3A_651, %bitcast_convert_type3A_649 : vector<16xf32>
      %add3A_653 = arith.constant 0.435861856 : f32
      %add3A_654 = vector.broadcast %add3A_653 : f32 to vector<16xf32>
      %add3A_655 = arith.addf %mul3A_652, %add3A_654 : vector<16xf32>
      %mul3A_656 = arith.mulf %add3A_655, %bitcast_convert_type3A_649 : vector<16xf32>
      %add3A_657 = arith.constant -1.44248104 : f32
      %add3A_658 = vector.broadcast %add3A_657 : f32 to vector<16xf32>
      %add3A_659 = arith.addf %mul3A_656, %add3A_658 : vector<16xf32>
      %mul3A_660 = arith.mulf %add3A_659, %bitcast_convert_type3A_649 : vector<16xf32>
      %add3A_661 = arith.constant 2.79225516 : f32
      %add3A_662 = vector.broadcast %add3A_661 : f32 to vector<16xf32>
      %add3A_663 = arith.addf %mul3A_660, %add3A_662 : vector<16xf32>
      %mul3A_664 = arith.mulf %add3A_663, %bitcast_convert_type3A_649 : vector<16xf32>
      %add3A_665 = arith.constant -89.7603226 : f32
      %add3A_666 = vector.broadcast %add3A_665 : f32 to vector<16xf32>
      %add3A_667 = arith.addf %mul3A_664, %add3A_666 : vector<16xf32>
      %mul3A_668 = arith.constant 0.693147182 : f32
      %mul3A_669 = vector.broadcast %mul3A_668 : f32 to vector<16xf32>
      %mul3A_670 = arith.mulf %convert_element_type3A_642, %mul3A_669 : vector<16xf32>
      %add3A_671 = arith.addf %mul3A_670, %add3A_667 : vector<16xf32>
      %mul3A_672 = arith.mulf %get3A_631, %add3A_671 : vector<16xf32>
      %add3A_673 = arith.addf %add3A_624, %mul3A_672 : vector<16xf32>
      %add3A_674 = arith.addf %add3A_625, %get3A_631 : vector<16xf32>
      %get3A_675 = arith.constant 0 : i32
      %get3A_676 = arith.index_cast %get3A_675 : i32 to index
      %get3A_677 = arith.index_cast %scan3A_187 : i32 to index
      %get3A_678 = arith.constant 160 : index
      %get3A_679 = tpu.vector_load %arg5[%get3A_676, %get3A_677, %get3A_678] {strides = array<i32>} : memref<2x64x256xf32, #tpu.memory_space<vmem>>, vector<1x1x16xf32>,
      %get3A_680 = vector.shape_cast %get3A_679 : vector<1x1x16xf32> to vector<16xf32>
      %get3A_681 = arith.constant 0 : i32
      %get3A_682 = arith.index_cast %get3A_681 : i32 to index
      %get3A_683 = arith.index_cast %scan3A_187 : i32 to index
      %get3A_684 = arith.constant 160 : index
      %get3A_685 = tpu.vector_load %arg6[%get3A_682, %get3A_683, %get3A_684] {strides = array<i32>} : memref<2x64x256xf32, #tpu.memory_space<vmem>>, vector<1x1x16xf32>,
      %get3A_686 = vector.shape_cast %get3A_685 : vector<1x1x16xf32> to vector<16xf32>
      %bitcast_convert_type3A_687 = tpu.bitcast %get3A_686 : vector<16xf32> -> vector<16xi32>
      %shift_right_arithmetic3A_688 = arith.constant 23 : i32
      %shift_right_arithmetic3A_689 = vector.broadcast %shift_right_arithmetic3A_688 : i32 to vector<16xi32>
      %shift_right_arithmetic3A_690 = arith.shrsi %bitcast_convert_type3A_687, %shift_right_arithmetic3A_689 : vector<16xi32>
      %convert_element_type3A_691 = arith.sitofp %shift_right_arithmetic3A_690 : vector<16xi32> to vector<16xf32>
      %and3A_692 = arith.constant 8388607 : i32
      %and3A_693 = vector.broadcast %and3A_692 : i32 to vector<16xi32>
      %and3A_694 = arith.andi %bitcast_convert_type3A_687, %and3A_693 : vector<16xi32>
      %or3A_695 = arith.constant 1065353216 : i32
      %or3A_696 = vector.broadcast %or3A_695 : i32 to vector<16xi32>
      %or3A_697 = arith.ori %and3A_694, %or3A_696 : vector<16xi32>
      %bitcast_convert_type3A_698 = tpu.bitcast %or3A_697 : vector<16xi32> -> vector<16xf32>
      %mul3A_699 = arith.constant -0.0548628531 : f32
      %mul3A_700 = vector.broadcast %mul3A_699 : f32 to vector<16xf32>
      %mul3A_701 = arith.mulf %mul3A_700, %bitcast_convert_type3A_698 : vector<16xf32>
      %add3A_702 = arith.constant 0.435861856 : f32
      %add3A_703 = vector.broadcast %add3A_702 : f32 to vector<16xf32>
      %add3A_704 = arith.addf %mul3A_701, %add3A_703 : vector<16xf32>
      %mul3A_705 = arith.mulf %add3A_704, %bitcast_convert_type3A_698 : vector<16xf32>
      %add3A_706 = arith.constant -1.44248104 : f32
      %add3A_707 = vector.broadcast %add3A_706 : f32 to vector<16xf32>
      %add3A_708 = arith.addf %mul3A_705, %add3A_707 : vector<16xf32>
      %mul3A_709 = arith.mulf %add3A_708, %bitcast_convert_type3A_698 : vector<16xf32>
      %add3A_710 = arith.constant 2.79225516 : f32
      %add3A_711 = vector.broadcast %add3A_710 : f32 to vector<16xf32>
      %add3A_712 = arith.addf %mul3A_709, %add3A_711 : vector<16xf32>
      %mul3A_713 = arith.mulf %add3A_712, %bitcast_convert_type3A_698 : vector<16xf32>
      %add3A_714 = arith.constant -89.7603226 : f32
      %add3A_715 = vector.broadcast %add3A_714 : f32 to vector<16xf32>
      %add3A_716 = arith.addf %mul3A_713, %add3A_715 : vector<16xf32>
      %mul3A_717 = arith.constant 0.693147182 : f32
      %mul3A_718 = vector.broadcast %mul3A_717 : f32 to vector<16xf32>
      %mul3A_719 = arith.mulf %convert_element_type3A_691, %mul3A_718 : vector<16xf32>
      %add3A_720 = arith.addf %mul3A_719, %add3A_716 : vector<16xf32>
      %mul3A_721 = arith.mulf %get3A_680, %add3A_720 : vector<16xf32>
      %add3A_722 = arith.addf %add3A_673, %mul3A_721 : vector<16xf32>
      %add3A_723 = arith.addf %add3A_674, %get3A_680 : vector<16xf32>
      %get3A_724 = arith.constant 0 : i32
      %get3A_725 = arith.index_cast %get3A_724 : i32 to index
      %get3A_726 = arith.index_cast %scan3A_187 : i32 to index
      %get3A_727 = arith.constant 176 : index
      %get3A_728 = tpu.vector_load %arg5[%get3A_725, %get3A_726, %get3A_727] {strides = array<i32>} : memref<2x64x256xf32, #tpu.memory_space<vmem>>, vector<1x1x16xf32>,
      %get3A_729 = vector.shape_cast %get3A_728 : vector<1x1x16xf32> to vector<16xf32>
      %get3A_730 = arith.constant 0 : i32
      %get3A_731 = arith.index_cast %get3A_730 : i32 to index
      %get3A_732 = arith.index_cast %scan3A_187 : i32 to index
      %get3A_733 = arith.constant 176 : index
      %get3A_734 = tpu.vector_load %arg6[%get3A_731, %get3A_732, %get3A_733] {strides = array<i32>} : memref<2x64x256xf32, #tpu.memory_space<vmem>>, vector<1x1x16xf32>,
      %get3A_735 = vector.shape_cast %get3A_734 : vector<1x1x16xf32> to vector<16xf32>
      %bitcast_convert_type3A_736 = tpu.bitcast %get3A_735 : vector<16xf32> -> vector<16xi32>
      %shift_right_arithmetic3A_737 = arith.constant 23 : i32
      %shift_right_arithmetic3A_738 = vector.broadcast %shift_right_arithmetic3A_737 : i32 to vector<16xi32>
      %shift_right_arithmetic3A_739 = arith.shrsi %bitcast_convert_type3A_736, %shift_right_arithmetic3A_738 : vector<16xi32>
      %convert_element_type3A_740 = arith.sitofp %shift_right_arithmetic3A_739 : vector<16xi32> to vector<16xf32>
      %and3A_741 = arith.constant 8388607 : i32
      %and3A_742 = vector.broadcast %and3A_741 : i32 to vector<16xi32>
      %and3A_743 = arith.andi %bitcast_convert_type3A_736, %and3A_742 : vector<16xi32>
      %or3A_744 = arith.constant 1065353216 : i32
      %or3A_745 = vector.broadcast %or3A_744 : i32 to vector<16xi32>
      %or3A_746 = arith.ori %and3A_743, %or3A_745 : vector<16xi32>
      %bitcast_convert_type3A_747 = tpu.bitcast %or3A_746 : vector<16xi32> -> vector<16xf32>
      %mul3A_748 = arith.constant -0.0548628531 : f32
      %mul3A_749 = vector.broadcast %mul3A_748 : f32 to vector<16xf32>
      %mul3A_750 = arith.mulf %mul3A_749, %bitcast_convert_type3A_747 : vector<16xf32>
      %add3A_751 = arith.constant 0.435861856 : f32
      %add3A_752 = vector.broadcast %add3A_751 : f32 to vector<16xf32>
      %add3A_753 = arith.addf %mul3A_750, %add3A_752 : vector<16xf32>
      %mul3A_754 = arith.mulf %add3A_753, %bitcast_convert_type3A_747 : vector<16xf32>
      %add3A_755 = arith.constant -1.44248104 : f32
      %add3A_756 = vector.broadcast %add3A_755 : f32 to vector<16xf32>
      %add3A_757 = arith.addf %mul3A_754, %add3A_756 : vector<16xf32>
      %mul3A_758 = arith.mulf %add3A_757, %bitcast_convert_type3A_747 : vector<16xf32>
      %add3A_759 = arith.constant 2.79225516 : f32
      %add3A_760 = vector.broadcast %add3A_759 : f32 to vector<16xf32>
      %add3A_761 = arith.addf %mul3A_758, %add3A_760 : vector<16xf32>
      %mul3A_762 = arith.mulf %add3A_761, %bitcast_convert_type3A_747 : vector<16xf32>
      %add3A_763 = arith.constant -89.7603226 : f32
      %add3A_764 = vector.broadcast %add3A_763 : f32 to vector<16xf32>
      %add3A_765 = arith.addf %mul3A_762, %add3A_764 : vector<16xf32>
      %mul3A_766 = arith.constant 0.693147182 : f32
      %mul3A_767 = vector.broadcast %mul3A_766 : f32 to vector<16xf32>
      %mul3A_768 = arith.mulf %convert_element_type3A_740, %mul3A_767 : vector<16xf32>
      %add3A_769 = arith.addf %mul3A_768, %add3A_765 : vector<16xf32>
      %mul3A_770 = arith.mulf %get3A_729, %add3A_769 : vector<16xf32>
      %add3A_771 = arith.addf %add3A_722, %mul3A_770 : vector<16xf32>
      %add3A_772 = arith.addf %add3A_723, %get3A_729 : vector<16xf32>
      %get3A_773 = arith.constant 0 : i32
      %get3A_774 = arith.index_cast %get3A_773 : i32 to index
      %get3A_775 = arith.index_cast %scan3A_187 : i32 to index
      %get3A_776 = arith.constant 192 : index
      %get3A_777 = tpu.vector_load %arg5[%get3A_774, %get3A_775, %get3A_776] {strides = array<i32>} : memref<2x64x256xf32, #tpu.memory_space<vmem>>, vector<1x1x16xf32>,
      %get3A_778 = vector.shape_cast %get3A_777 : vector<1x1x16xf32> to vector<16xf32>
      %get3A_779 = arith.constant 0 : i32
      %get3A_780 = arith.index_cast %get3A_779 : i32 to index
      %get3A_781 = arith.index_cast %scan3A_187 : i32 to index
      %get3A_782 = arith.constant 192 : index
      %get3A_783 = tpu.vector_load %arg6[%get3A_780, %get3A_781, %get3A_782] {strides = array<i32>} : memref<2x64x256xf32, #tpu.memory_space<vmem>>, vector<1x1x16xf32>,
      %get3A_784 = vector.shape_cast %get3A_783 : vector<1x1x16xf32> to vector<16xf32>
      %bitcast_convert_type3A_785 = tpu.bitcast %get3A_784 : vector<16xf32> -> vector<16xi32>
      %shift_right_arithmetic3A_786 = arith.constant 23 : i32
      %shift_right_arithmetic3A_787 = vector.broadcast %shift_right_arithmetic3A_786 : i32 to vector<16xi32>
      %shift_right_arithmetic3A_788 = arith.shrsi %bitcast_convert_type3A_785, %shift_right_arithmetic3A_787 : vector<16xi32>
      %convert_element_type3A_789 = arith.sitofp %shift_right_arithmetic3A_788 : vector<16xi32> to vector<16xf32>
      %and3A_790 = arith.constant 8388607 : i32
      %and3A_791 = vector.broadcast %and3A_790 : i32 to vector<16xi32>
      %and3A_792 = arith.andi %bitcast_convert_type3A_785, %and3A_791 : vector<16xi32>
      %or3A_793 = arith.constant 1065353216 : i32
      %or3A_794 = vector.broadcast %or3A_793 : i32 to vector<16xi32>
      %or3A_795 = arith.ori %and3A_792, %or3A_794 : vector<16xi32>
      %bitcast_convert_type3A_796 = tpu.bitcast %or3A_795 : vector<16xi32> -> vector<16xf32>
      %mul3A_797 = arith.constant -0.0548628531 : f32
      %mul3A_798 = vector.broadcast %mul3A_797 : f32 to vector<16xf32>
      %mul3A_799 = arith.mulf %mul3A_798, %bitcast_convert_type3A_796 : vector<16xf32>
      %add3A_800 = arith.constant 0.435861856 : f32
      %add3A_801 = vector.broadcast %add3A_800 : f32 to vector<16xf32>
      %add3A_802 = arith.addf %mul3A_799, %add3A_801 : vector<16xf32>
      %mul3A_803 = arith.mulf %add3A_802, %bitcast_convert_type3A_796 : vector<16xf32>
      %add3A_804 = arith.constant -1.44248104 : f32
      %add3A_805 = vector.broadcast %add3A_804 : f32 to vector<16xf32>
      %add3A_806 = arith.addf %mul3A_803, %add3A_805 : vector<16xf32>
      %mul3A_807 = arith.mulf %add3A_806, %bitcast_convert_type3A_796 : vector<16xf32>
      %add3A_808 = arith.constant 2.79225516 : f32
      %add3A_809 = vector.broadcast %add3A_808 : f32 to vector<16xf32>
      %add3A_810 = arith.addf %mul3A_807, %add3A_809 : vector<16xf32>
      %mul3A_811 = arith.mulf %add3A_810, %bitcast_convert_type3A_796 : vector<16xf32>
      %add3A_812 = arith.constant -89.7603226 : f32
      %add3A_813 = vector.broadcast %add3A_812 : f32 to vector<16xf32>
      %add3A_814 = arith.addf %mul3A_811, %add3A_813 : vector<16xf32>
      %mul3A_815 = arith.constant 0.693147182 : f32
      %mul3A_816 = vector.broadcast %mul3A_815 : f32 to vector<16xf32>
      %mul3A_817 = arith.mulf %convert_element_type3A_789, %mul3A_816 : vector<16xf32>
      %add3A_818 = arith.addf %mul3A_817, %add3A_814 : vector<16xf32>
      %mul3A_819 = arith.mulf %get3A_778, %add3A_818 : vector<16xf32>
      %add3A_820 = arith.addf %add3A_771, %mul3A_819 : vector<16xf32>
      %add3A_821 = arith.addf %add3A_772, %get3A_778 : vector<16xf32>
      %get3A_822 = arith.constant 0 : i32
      %get3A_823 = arith.index_cast %get3A_822 : i32 to index
      %get3A_824 = arith.index_cast %scan3A_187 : i32 to index
      %get3A_825 = arith.constant 208 : index
      %get3A_826 = tpu.vector_load %arg5[%get3A_823, %get3A_824, %get3A_825] {strides = array<i32>} : memref<2x64x256xf32, #tpu.memory_space<vmem>>, vector<1x1x16xf32>,
      %get3A_827 = vector.shape_cast %get3A_826 : vector<1x1x16xf32> to vector<16xf32>
      %get3A_828 = arith.constant 0 : i32
      %get3A_829 = arith.index_cast %get3A_828 : i32 to index
      %get3A_830 = arith.index_cast %scan3A_187 : i32 to index
      %get3A_831 = arith.constant 208 : index
      %get3A_832 = tpu.vector_load %arg6[%get3A_829, %get3A_830, %get3A_831] {strides = array<i32>} : memref<2x64x256xf32, #tpu.memory_space<vmem>>, vector<1x1x16xf32>,
      %get3A_833 = vector.shape_cast %get3A_832 : vector<1x1x16xf32> to vector<16xf32>
      %bitcast_convert_type3A_834 = tpu.bitcast %get3A_833 : vector<16xf32> -> vector<16xi32>
      %shift_right_arithmetic3A_835 = arith.constant 23 : i32
      %shift_right_arithmetic3A_836 = vector.broadcast %shift_right_arithmetic3A_835 : i32 to vector<16xi32>
      %shift_right_arithmetic3A_837 = arith.shrsi %bitcast_convert_type3A_834, %shift_right_arithmetic3A_836 : vector<16xi32>
      %convert_element_type3A_838 = arith.sitofp %shift_right_arithmetic3A_837 : vector<16xi32> to vector<16xf32>
      %and3A_839 = arith.constant 8388607 : i32
      %and3A_840 = vector.broadcast %and3A_839 : i32 to vector<16xi32>
      %and3A_841 = arith.andi %bitcast_convert_type3A_834, %and3A_840 : vector<16xi32>
      %or3A_842 = arith.constant 1065353216 : i32
      %or3A_843 = vector.broadcast %or3A_842 : i32 to vector<16xi32>
      %or3A_844 = arith.ori %and3A_841, %or3A_843 : vector<16xi32>
      %bitcast_convert_type3A_845 = tpu.bitcast %or3A_844 : vector<16xi32> -> vector<16xf32>
      %mul3A_846 = arith.constant -0.0548628531 : f32
      %mul3A_847 = vector.broadcast %mul3A_846 : f32 to vector<16xf32>
      %mul3A_848 = arith.mulf %mul3A_847, %bitcast_convert_type3A_845 : vector<16xf32>
      %add3A_849 = arith.constant 0.435861856 : f32
      %add3A_850 = vector.broadcast %add3A_849 : f32 to vector<16xf32>
      %add3A_851 = arith.addf %mul3A_848, %add3A_850 : vector<16xf32>
      %mul3A_852 = arith.mulf %add3A_851, %bitcast_convert_type3A_845 : vector<16xf32>
      %add3A_853 = arith.constant -1.44248104 : f32
      %add3A_854 = vector.broadcast %add3A_853 : f32 to vector<16xf32>
      %add3A_855 = arith.addf %mul3A_852, %add3A_854 : vector<16xf32>
      %mul3A_856 = arith.mulf %add3A_855, %bitcast_convert_type3A_845 : vector<16xf32>
      %add3A_857 = arith.constant 2.79225516 : f32
      %add3A_858 = vector.broadcast %add3A_857 : f32 to vector<16xf32>
      %add3A_859 = arith.addf %mul3A_856, %add3A_858 : vector<16xf32>
      %mul3A_860 = arith.mulf %add3A_859, %bitcast_convert_type3A_845 : vector<16xf32>
      %add3A_861 = arith.constant -89.7603226 : f32
      %add3A_862 = vector.broadcast %add3A_861 : f32 to vector<16xf32>
      %add3A_863 = arith.addf %mul3A_860, %add3A_862 : vector<16xf32>
      %mul3A_864 = arith.constant 0.693147182 : f32
      %mul3A_865 = vector.broadcast %mul3A_864 : f32 to vector<16xf32>
      %mul3A_866 = arith.mulf %convert_element_type3A_838, %mul3A_865 : vector<16xf32>
      %add3A_867 = arith.addf %mul3A_866, %add3A_863 : vector<16xf32>
      %mul3A_868 = arith.mulf %get3A_827, %add3A_867 : vector<16xf32>
      %add3A_869 = arith.addf %add3A_820, %mul3A_868 : vector<16xf32>
      %add3A_870 = arith.addf %add3A_821, %get3A_827 : vector<16xf32>
      %get3A_871 = arith.constant 0 : i32
      %get3A_872 = arith.index_cast %get3A_871 : i32 to index
      %get3A_873 = arith.index_cast %scan3A_187 : i32 to index
      %get3A_874 = arith.constant 224 : index
      %get3A_875 = tpu.vector_load %arg5[%get3A_872, %get3A_873, %get3A_874] {strides = array<i32>} : memref<2x64x256xf32, #tpu.memory_space<vmem>>, vector<1x1x16xf32>,
      %get3A_876 = vector.shape_cast %get3A_875 : vector<1x1x16xf32> to vector<16xf32>
      %get3A_877 = arith.constant 0 : i32
      %get3A_878 = arith.index_cast %get3A_877 : i32 to index
      %get3A_879 = arith.index_cast %scan3A_187 : i32 to index
      %get3A_880 = arith.constant 224 : index
      %get3A_881 = tpu.vector_load %arg6[%get3A_878, %get3A_879, %get3A_880] {strides = array<i32>} : memref<2x64x256xf32, #tpu.memory_space<vmem>>, vector<1x1x16xf32>,
      %get3A_882 = vector.shape_cast %get3A_881 : vector<1x1x16xf32> to vector<16xf32>
      %bitcast_convert_type3A_883 = tpu.bitcast %get3A_882 : vector<16xf32> -> vector<16xi32>
      %shift_right_arithmetic3A_884 = arith.constant 23 : i32
      %shift_right_arithmetic3A_885 = vector.broadcast %shift_right_arithmetic3A_884 : i32 to vector<16xi32>
      %shift_right_arithmetic3A_886 = arith.shrsi %bitcast_convert_type3A_883, %shift_right_arithmetic3A_885 : vector<16xi32>
      %convert_element_type3A_887 = arith.sitofp %shift_right_arithmetic3A_886 : vector<16xi32> to vector<16xf32>
      %and3A_888 = arith.constant 8388607 : i32
      %and3A_889 = vector.broadcast %and3A_888 : i32 to vector<16xi32>
      %and3A_890 = arith.andi %bitcast_convert_type3A_883, %and3A_889 : vector<16xi32>
      %or3A_891 = arith.constant 1065353216 : i32
      %or3A_892 = vector.broadcast %or3A_891 : i32 to vector<16xi32>
      %or3A_893 = arith.ori %and3A_890, %or3A_892 : vector<16xi32>
      %bitcast_convert_type3A_894 = tpu.bitcast %or3A_893 : vector<16xi32> -> vector<16xf32>
      %mul3A_895 = arith.constant -0.0548628531 : f32
      %mul3A_896 = vector.broadcast %mul3A_895 : f32 to vector<16xf32>
      %mul3A_897 = arith.mulf %mul3A_896, %bitcast_convert_type3A_894 : vector<16xf32>
      %add3A_898 = arith.constant 0.435861856 : f32
      %add3A_899 = vector.broadcast %add3A_898 : f32 to vector<16xf32>
      %add3A_900 = arith.addf %mul3A_897, %add3A_899 : vector<16xf32>
      %mul3A_901 = arith.mulf %add3A_900, %bitcast_convert_type3A_894 : vector<16xf32>
      %add3A_902 = arith.constant -1.44248104 : f32
      %add3A_903 = vector.broadcast %add3A_902 : f32 to vector<16xf32>
      %add3A_904 = arith.addf %mul3A_901, %add3A_903 : vector<16xf32>
      %mul3A_905 = arith.mulf %add3A_904, %bitcast_convert_type3A_894 : vector<16xf32>
      %add3A_906 = arith.constant 2.79225516 : f32
      %add3A_907 = vector.broadcast %add3A_906 : f32 to vector<16xf32>
      %add3A_908 = arith.addf %mul3A_905, %add3A_907 : vector<16xf32>
      %mul3A_909 = arith.mulf %add3A_908, %bitcast_convert_type3A_894 : vector<16xf32>
      %add3A_910 = arith.constant -89.7603226 : f32
      %add3A_911 = vector.broadcast %add3A_910 : f32 to vector<16xf32>
      %add3A_912 = arith.addf %mul3A_909, %add3A_911 : vector<16xf32>
      %mul3A_913 = arith.constant 0.693147182 : f32
      %mul3A_914 = vector.broadcast %mul3A_913 : f32 to vector<16xf32>
      %mul3A_915 = arith.mulf %convert_element_type3A_887, %mul3A_914 : vector<16xf32>
      %add3A_916 = arith.addf %mul3A_915, %add3A_912 : vector<16xf32>
      %mul3A_917 = arith.mulf %get3A_876, %add3A_916 : vector<16xf32>
      %add3A_918 = arith.addf %add3A_869, %mul3A_917 : vector<16xf32>
      %add3A_919 = arith.addf %add3A_870, %get3A_876 : vector<16xf32>
      %get3A_920 = arith.constant 0 : i32
      %get3A_921 = arith.index_cast %get3A_920 : i32 to index
      %get3A_922 = arith.index_cast %scan3A_187 : i32 to index
      %get3A_923 = arith.constant 240 : index
      %get3A_924 = tpu.vector_load %arg5[%get3A_921, %get3A_922, %get3A_923] {strides = array<i32>} : memref<2x64x256xf32, #tpu.memory_space<vmem>>, vector<1x1x16xf32>,
      %get3A_925 = vector.shape_cast %get3A_924 : vector<1x1x16xf32> to vector<16xf32>
      %get3A_926 = arith.constant 0 : i32
      %get3A_927 = arith.index_cast %get3A_926 : i32 to index
      %get3A_928 = arith.index_cast %scan3A_187 : i32 to index
      %get3A_929 = arith.constant 240 : index
      %get3A_930 = tpu.vector_load %arg6[%get3A_927, %get3A_928, %get3A_929] {strides = array<i32>} : memref<2x64x256xf32, #tpu.memory_space<vmem>>, vector<1x1x16xf32>,
      %get3A_931 = vector.shape_cast %get3A_930 : vector<1x1x16xf32> to vector<16xf32>
      %bitcast_convert_type3A_932 = tpu.bitcast %get3A_931 : vector<16xf32> -> vector<16xi32>
      %shift_right_arithmetic3A_933 = arith.constant 23 : i32
      %shift_right_arithmetic3A_934 = vector.broadcast %shift_right_arithmetic3A_933 : i32 to vector<16xi32>
      %shift_right_arithmetic3A_935 = arith.shrsi %bitcast_convert_type3A_932, %shift_right_arithmetic3A_934 : vector<16xi32>
      %convert_element_type3A_936 = arith.sitofp %shift_right_arithmetic3A_935 : vector<16xi32> to vector<16xf32>
      %and3A_937 = arith.constant 8388607 : i32
      %and3A_938 = vector.broadcast %and3A_937 : i32 to vector<16xi32>
      %and3A_939 = arith.andi %bitcast_convert_type3A_932, %and3A_938 : vector<16xi32>
      %or3A_940 = arith.constant 1065353216 : i32
      %or3A_941 = vector.broadcast %or3A_940 : i32 to vector<16xi32>
      %or3A_942 = arith.ori %and3A_939, %or3A_941 : vector<16xi32>
      %bitcast_convert_type3A_943 = tpu.bitcast %or3A_942 : vector<16xi32> -> vector<16xf32>
      %mul3A_944 = arith.constant -0.0548628531 : f32
      %mul3A_945 = vector.broadcast %mul3A_944 : f32 to vector<16xf32>
      %mul3A_946 = arith.mulf %mul3A_945, %bitcast_convert_type3A_943 : vector<16xf32>
      %add3A_947 = arith.constant 0.435861856 : f32
      %add3A_948 = vector.broadcast %add3A_947 : f32 to vector<16xf32>
      %add3A_949 = arith.addf %mul3A_946, %add3A_948 : vector<16xf32>
      %mul3A_950 = arith.mulf %add3A_949, %bitcast_convert_type3A_943 : vector<16xf32>
      %add3A_951 = arith.constant -1.44248104 : f32
      %add3A_952 = vector.broadcast %add3A_951 : f32 to vector<16xf32>
      %add3A_953 = arith.addf %mul3A_950, %add3A_952 : vector<16xf32>
      %mul3A_954 = arith.mulf %add3A_953, %bitcast_convert_type3A_943 : vector<16xf32>
      %add3A_955 = arith.constant 2.79225516 : f32
      %add3A_956 = vector.broadcast %add3A_955 : f32 to vector<16xf32>
      %add3A_957 = arith.addf %mul3A_954, %add3A_956 : vector<16xf32>
      %mul3A_958 = arith.mulf %add3A_957, %bitcast_convert_type3A_943 : vector<16xf32>
      %add3A_959 = arith.constant -89.7603226 : f32
      %add3A_960 = vector.broadcast %add3A_959 : f32 to vector<16xf32>
      %add3A_961 = arith.addf %mul3A_958, %add3A_960 : vector<16xf32>
      %mul3A_962 = arith.constant 0.693147182 : f32
      %mul3A_963 = vector.broadcast %mul3A_962 : f32 to vector<16xf32>
      %mul3A_964 = arith.mulf %convert_element_type3A_936, %mul3A_963 : vector<16xf32>
      %add3A_965 = arith.addf %mul3A_964, %add3A_961 : vector<16xf32>
      %mul3A_966 = arith.mulf %get3A_925, %add3A_965 : vector<16xf32>
      %add3A_967 = arith.addf %add3A_918, %mul3A_966 : vector<16xf32>
      %add3A_968 = arith.addf %add3A_919, %get3A_925 : vector<16xf32>
      scf.yield %add3A_967, %add3A_968 : vector<16xf32>, vector<16xf32>
    }
    %scan3A_98 = arith.constant 64 : i32
    %lt3A = arith.constant 0 : i32
    %lt3A_99 = arith.cmpi slt, %scan3A, %lt3A : i32
    %convert_element_type3A = arith.extui %lt3A_99 : i1 to i32
    %cond3A = arith.constant 0 : i32
    %cond3A_100 = arith.cmpi ne, %convert_element_type3A, %cond3A : i32
    scf.if %cond3A_100 {
      %add3A_187 = arith.constant 2 : i32
      %add3A_188 = arith.addi %add3A_64, %add3A_187 : i32
      %mul3A_189 = arith.constant 64 : i32
      %mul3A_190 = arith.muli %add3A_188, %mul3A_189 : i32
      %add3A_191 = arith.addi %add3A_4, %mul3A_190 : i32
      %dma_start3A_192 = arith.constant 0 : i32
      %dma_start3A_193 = arith.constant 0 : i32
      %dma_start3A_194 = arith.constant 0 : i32
      %dma_start3A_195 = tpu.memref_slice %arg5[%dma_start3A_192, %dma_start3A_193, %dma_start3A_194] : memref<2x64x256xf32, #tpu.memory_space<vmem>> -> memref<1x64x256xf32, #tpu.memory_space<vmem>>
      %dma_start3A_196 = tpu.memref_squeeze %dma_start3A_195 : memref<1x64x256xf32, #tpu.memory_space<vmem>> -> memref<64x256xf32, #tpu.memory_space<vmem>>
      %dma_start3A_197 = arith.constant 0 : i32
      %dma_start3A_198 = tpu.memref_slice %arg2[%add3A_191, %dma_start3A_197] : memref<32768x256xf32, #tpu.memory_space<hbm>> -> memref<64x256xf32, #tpu.memory_space<hbm>>
      %dma_start3A_199 = arith.constant 0 : i32
      %dma_start3A_200 = arith.constant 0 : i32
      %dma_start3A_201 = tpu.memref_slice %arg5[%dma_start3A_192, %dma_start3A_199, %dma_start3A_200] : memref<2x64x256xf32, #tpu.memory_space<vmem>> -> memref<1x64x256xf32, #tpu.memory_space<vmem>>
      %dma_start3A_202 = tpu.memref_squeeze %dma_start3A_201 : memref<1x64x256xf32, #tpu.memory_space<vmem>> -> memref<64x256xf32, #tpu.memory_space<vmem>>
      %dma_start3A_203 = arith.constant 0 : i32
      %dma_start3A_204 = tpu.memref_slice %arg2[%add3A_191, %dma_start3A_203] : memref<32768x256xf32, #tpu.memory_space<hbm>> -> memref<64x256xf32, #tpu.memory_space<hbm>>
      tpu.enqueue_dma source(%dma_start3A_204 : memref<64x256xf32, #tpu.memory_space<hbm>>) target(%dma_start3A_202 : memref<64x256xf32, #tpu.memory_space<vmem>>) target_semaphore(%arg8 : memref<!tpu.dma_semaphore, #tpu.memory_space<semaphore_mem>>)
      %dma_start3A_205 = arith.constant 0 : i32
      %dma_start3A_206 = arith.constant 0 : i32
      %dma_start3A_207 = arith.constant 0 : i32
      %dma_start3A_208 = tpu.memref_slice %arg6[%dma_start3A_205, %dma_start3A_206, %dma_start3A_207] : memref<2x64x256xf32, #tpu.memory_space<vmem>> -> memref<1x64x256xf32, #tpu.memory_space<vmem>>
      %dma_start3A_209 = tpu.memref_squeeze %dma_start3A_208 : memref<1x64x256xf32, #tpu.memory_space<vmem>> -> memref<64x256xf32, #tpu.memory_space<vmem>>
      %dma_start3A_210 = arith.constant 0 : i32
      %dma_start3A_211 = tpu.memref_slice %arg3[%add3A_191, %dma_start3A_210] : memref<32768x256xf32, #tpu.memory_space<hbm>> -> memref<64x256xf32, #tpu.memory_space<hbm>>
      %dma_start3A_212 = arith.constant 0 : i32
      %dma_start3A_213 = arith.constant 0 : i32
      %dma_start3A_214 = tpu.memref_slice %arg6[%dma_start3A_205, %dma_start3A_212, %dma_start3A_213] : memref<2x64x256xf32, #tpu.memory_space<vmem>> -> memref<1x64x256xf32, #tpu.memory_space<vmem>>
      %dma_start3A_215 = tpu.memref_squeeze %dma_start3A_214 : memref<1x64x256xf32, #tpu.memory_space<vmem>> -> memref<64x256xf32, #tpu.memory_space<vmem>>
      %dma_start3A_216 = arith.constant 0 : i32
      %dma_start3A_217 = tpu.memref_slice %arg3[%add3A_191, %dma_start3A_216] : memref<32768x256xf32, #tpu.memory_space<hbm>> -> memref<64x256xf32, #tpu.memory_space<hbm>>
      tpu.enqueue_dma source(%dma_start3A_217 : memref<64x256xf32, #tpu.memory_space<hbm>>) target(%dma_start3A_215 : memref<64x256xf32, #tpu.memory_space<vmem>>) target_semaphore(%arg9 : memref<!tpu.dma_semaphore, #tpu.memory_space<semaphore_mem>>)
    } else {
    }
    %mul3A_101 = arith.constant 2 : i32
    %mul3A_102 = arith.muli %scan3A, %mul3A_101 : i32
    %add3A_103 = arith.constant 1 : i32
    %add3A_104 = arith.addi %mul3A_102, %add3A_103 : i32
    %mul3A_105 = arith.constant 64 : i32
    %mul3A_106 = arith.muli %add3A_104, %mul3A_105 : i32
    %add3A_107 = arith.addi %add3A_4, %mul3A_106 : i32
    %dma_wait3A_108 = arith.constant 1 : i32
    %dma_wait3A_109 = arith.constant 0 : i32
    %dma_wait3A_110 = arith.constant 0 : i32
    %dma_wait3A_111 = tpu.memref_slice %arg5[%dma_wait3A_108, %dma_wait3A_109, %dma_wait3A_110] : memref<2x64x256xf32, #tpu.memory_space<vmem>> -> memref<1x64x256xf32, #tpu.memory_space<vmem>>
    %dma_wait3A_112 = tpu.memref_squeeze %dma_wait3A_111 : memref<1x64x256xf32, #tpu.memory_space<vmem>> -> memref<64x256xf32, #tpu.memory_space<vmem>>
    %dma_wait3A_113 = arith.constant 0 : i32
    %dma_wait3A_114 = tpu.memref_slice %arg2[%add3A_107, %dma_wait3A_113] : memref<32768x256xf32, #tpu.memory_space<hbm>> -> memref<64x256xf32, #tpu.memory_space<hbm>>
    %dma_wait3A_115 = arith.constant 0 : i32
    %dma_wait3A_116 = arith.constant 0 : i32
    %dma_wait3A_117 = tpu.memref_slice %arg5[%dma_wait3A_108, %dma_wait3A_115, %dma_wait3A_116] : memref<2x64x256xf32, #tpu.memory_space<vmem>> -> memref<1x64x256xf32, #tpu.memory_space<vmem>>
    %dma_wait3A_118 = tpu.memref_squeeze %dma_wait3A_117 : memref<1x64x256xf32, #tpu.memory_space<vmem>> -> memref<64x256xf32, #tpu.memory_space<vmem>>
    %dma_wait3A_119 = arith.constant 0 : i32
    %dma_wait3A_120 = tpu.memref_slice %arg2[%add3A_107, %dma_wait3A_119] : memref<32768x256xf32, #tpu.memory_space<hbm>> -> memref<64x256xf32, #tpu.memory_space<hbm>>
    tpu.wait_dma2 semaphore(%arg10 : memref<!tpu.dma_semaphore, #tpu.memory_space<semaphore_mem>>) src(%dma_wait3A_120 : memref<64x256xf32, #tpu.memory_space<hbm>>) dst(%dma_wait3A_118 : memref<64x256xf32, #tpu.memory_space<vmem>>)
    %dma_wait3A_121 = arith.constant 1 : i32
    %dma_wait3A_122 = arith.constant 0 : i32
    %dma_wait3A_123 = arith.constant 0 : i32
    %dma_wait3A_124 = tpu.memref_slice %arg6[%dma_wait3A_121, %dma_wait3A_122, %dma_wait3A_123] : memref<2x64x256xf32, #tpu.memory_space<vmem>> -> memref<1x64x256xf32, #tpu.memory_space<vmem>>
    %dma_wait3A_125 = tpu.memref_squeeze %dma_wait3A_124 : memref<1x64x256xf32, #tpu.memory_space<vmem>> -> memref<64x256xf32, #tpu.memory_space<vmem>>
    %dma_wait3A_126 = arith.constant 0 : i32
    %dma_wait3A_127 = tpu.memref_slice %arg3[%add3A_107, %dma_wait3A_126] : memref<32768x256xf32, #tpu.memory_space<hbm>> -> memref<64x256xf32, #tpu.memory_space<hbm>>
    %dma_wait3A_128 = arith.constant 0 : i32
    %dma_wait3A_129 = arith.constant 0 : i32
    %dma_wait3A_130 = tpu.memref_slice %arg6[%dma_wait3A_121, %dma_wait3A_128, %dma_wait3A_129] : memref<2x64x256xf32, #tpu.memory_space<vmem>> -> memref<1x64x256xf32, #tpu.memory_space<vmem>>
    %dma_wait3A_131 = tpu.memref_squeeze %dma_wait3A_130 : memref<1x64x256xf32, #tpu.memory_space<vmem>> -> memref<64x256xf32, #tpu.memory_space<vmem>>
    %dma_wait3A_132 = arith.constant 0 : i32
    %dma_wait3A_133 = tpu.memref_slice %arg3[%add3A_107, %dma_wait3A_132] : memref<32768x256xf32, #tpu.memory_space<hbm>> -> memref<64x256xf32, #tpu.memory_space<hbm>>
    tpu.wait_dma2 semaphore(%arg11 : memref<!tpu.dma_semaphore, #tpu.memory_space<semaphore_mem>>) src(%dma_wait3A_133 : memref<64x256xf32, #tpu.memory_space<hbm>>) dst(%dma_wait3A_131 : memref<64x256xf32, #tpu.memory_space<vmem>>)
    %scan3A_134 = arith.constant 0 : i32
    %scan3A_135 = arith.constant 64 : i32
    %scan3A_136 = arith.addi %scan3A_134, %scan3A_135 : i32
    %scan3A_137 = arith.constant 1 : i32
    %scan3A_138:2 = scf.for %scan3A_187 = %scan3A_134 to %scan3A_136 step %scan3A_137 iter_args(%scan3A_188 = %scan3A_97#0, %scan3A_189 = %scan3A_97#1) -> (vector<16xf32>, vector<16xf32>)  : i32 {
      %get3A = arith.constant 1 : i32
      %get3A_190 = arith.index_cast %get3A : i32 to index
      %get3A_191 = arith.index_cast %scan3A_187 : i32 to index
      %get3A_192 = arith.constant 0 : index
      %get3A_193 = tpu.vector_load %arg5[%get3A_190, %get3A_191, %get3A_192] {strides = array<i32>} : memref<2x64x256xf32, #tpu.memory_space<vmem>>, vector<1x1x16xf32>,
      %get3A_194 = vector.shape_cast %get3A_193 : vector<1x1x16xf32> to vector<16xf32>
      %get3A_195 = arith.constant 1 : i32
      %get3A_196 = arith.index_cast %get3A_195 : i32 to index
      %get3A_197 = arith.index_cast %scan3A_187 : i32 to index
      %get3A_198 = arith.constant 0 : index
      %get3A_199 = tpu.vector_load %arg6[%get3A_196, %get3A_197, %get3A_198] {strides = array<i32>} : memref<2x64x256xf32, #tpu.memory_space<vmem>>, vector<1x1x16xf32>,
      %get3A_200 = vector.shape_cast %get3A_199 : vector<1x1x16xf32> to vector<16xf32>
      %bitcast_convert_type3A = tpu.bitcast %get3A_200 : vector<16xf32> -> vector<16xi32>
      %shift_right_arithmetic3A = arith.constant 23 : i32
      %shift_right_arithmetic3A_201 = vector.broadcast %shift_right_arithmetic3A : i32 to vector<16xi32>
      %shift_right_arithmetic3A_202 = arith.shrsi %bitcast_convert_type3A, %shift_right_arithmetic3A_201 : vector<16xi32>
      %convert_element_type3A_203 = arith.sitofp %shift_right_arithmetic3A_202 : vector<16xi32> to vector<16xf32>
      %and3A = arith.constant 8388607 : i32
      %and3A_204 = vector.broadcast %and3A : i32 to vector<16xi32>
      %and3A_205 = arith.andi %bitcast_convert_type3A, %and3A_204 : vector<16xi32>
      %or3A = arith.constant 1065353216 : i32
      %or3A_206 = vector.broadcast %or3A : i32 to vector<16xi32>
      %or3A_207 = arith.ori %and3A_205, %or3A_206 : vector<16xi32>
      %bitcast_convert_type3A_208 = tpu.bitcast %or3A_207 : vector<16xi32> -> vector<16xf32>
      %mul3A_209 = arith.constant -0.0548628531 : f32
      %mul3A_210 = vector.broadcast %mul3A_209 : f32 to vector<16xf32>
      %mul3A_211 = arith.mulf %mul3A_210, %bitcast_convert_type3A_208 : vector<16xf32>
      %add3A_212 = arith.constant 0.435861856 : f32
      %add3A_213 = vector.broadcast %add3A_212 : f32 to vector<16xf32>
      %add3A_214 = arith.addf %mul3A_211, %add3A_213 : vector<16xf32>
      %mul3A_215 = arith.mulf %add3A_214, %bitcast_convert_type3A_208 : vector<16xf32>
      %add3A_216 = arith.constant -1.44248104 : f32
      %add3A_217 = vector.broadcast %add3A_216 : f32 to vector<16xf32>
      %add3A_218 = arith.addf %mul3A_215, %add3A_217 : vector<16xf32>
      %mul3A_219 = arith.mulf %add3A_218, %bitcast_convert_type3A_208 : vector<16xf32>
      %add3A_220 = arith.constant 2.79225516 : f32
      %add3A_221 = vector.broadcast %add3A_220 : f32 to vector<16xf32>
      %add3A_222 = arith.addf %mul3A_219, %add3A_221 : vector<16xf32>
      %mul3A_223 = arith.mulf %add3A_222, %bitcast_convert_type3A_208 : vector<16xf32>
      %add3A_224 = arith.constant -89.7603226 : f32
      %add3A_225 = vector.broadcast %add3A_224 : f32 to vector<16xf32>
      %add3A_226 = arith.addf %mul3A_223, %add3A_225 : vector<16xf32>
      %mul3A_227 = arith.constant 0.693147182 : f32
      %mul3A_228 = vector.broadcast %mul3A_227 : f32 to vector<16xf32>
      %mul3A_229 = arith.mulf %convert_element_type3A_203, %mul3A_228 : vector<16xf32>
      %add3A_230 = arith.addf %mul3A_229, %add3A_226 : vector<16xf32>
      %mul3A_231 = arith.mulf %get3A_194, %add3A_230 : vector<16xf32>
      %add3A_232 = arith.addf %scan3A_188, %mul3A_231 : vector<16xf32>
      %add3A_233 = arith.addf %scan3A_189, %get3A_194 : vector<16xf32>
      %get3A_234 = arith.constant 1 : i32
      %get3A_235 = arith.index_cast %get3A_234 : i32 to index
      %get3A_236 = arith.index_cast %scan3A_187 : i32 to index
      %get3A_237 = arith.constant 16 : index
      %get3A_238 = tpu.vector_load %arg5[%get3A_235, %get3A_236, %get3A_237] {strides = array<i32>} : memref<2x64x256xf32, #tpu.memory_space<vmem>>, vector<1x1x16xf32>,
      %get3A_239 = vector.shape_cast %get3A_238 : vector<1x1x16xf32> to vector<16xf32>
      %get3A_240 = arith.constant 1 : i32
      %get3A_241 = arith.index_cast %get3A_240 : i32 to index
      %get3A_242 = arith.index_cast %scan3A_187 : i32 to index
      %get3A_243 = arith.constant 16 : index
      %get3A_244 = tpu.vector_load %arg6[%get3A_241, %get3A_242, %get3A_243] {strides = array<i32>} : memref<2x64x256xf32, #tpu.memory_space<vmem>>, vector<1x1x16xf32>,
      %get3A_245 = vector.shape_cast %get3A_244 : vector<1x1x16xf32> to vector<16xf32>
      %bitcast_convert_type3A_246 = tpu.bitcast %get3A_245 : vector<16xf32> -> vector<16xi32>
      %shift_right_arithmetic3A_247 = arith.constant 23 : i32
      %shift_right_arithmetic3A_248 = vector.broadcast %shift_right_arithmetic3A_247 : i32 to vector<16xi32>
      %shift_right_arithmetic3A_249 = arith.shrsi %bitcast_convert_type3A_246, %shift_right_arithmetic3A_248 : vector<16xi32>
      %convert_element_type3A_250 = arith.sitofp %shift_right_arithmetic3A_249 : vector<16xi32> to vector<16xf32>
      %and3A_251 = arith.constant 8388607 : i32
      %and3A_252 = vector.broadcast %and3A_251 : i32 to vector<16xi32>
      %and3A_253 = arith.andi %bitcast_convert_type3A_246, %and3A_252 : vector<16xi32>
      %or3A_254 = arith.constant 1065353216 : i32
      %or3A_255 = vector.broadcast %or3A_254 : i32 to vector<16xi32>
      %or3A_256 = arith.ori %and3A_253, %or3A_255 : vector<16xi32>
      %bitcast_convert_type3A_257 = tpu.bitcast %or3A_256 : vector<16xi32> -> vector<16xf32>
      %mul3A_258 = arith.constant -0.0548628531 : f32
      %mul3A_259 = vector.broadcast %mul3A_258 : f32 to vector<16xf32>
      %mul3A_260 = arith.mulf %mul3A_259, %bitcast_convert_type3A_257 : vector<16xf32>
      %add3A_261 = arith.constant 0.435861856 : f32
      %add3A_262 = vector.broadcast %add3A_261 : f32 to vector<16xf32>
      %add3A_263 = arith.addf %mul3A_260, %add3A_262 : vector<16xf32>
      %mul3A_264 = arith.mulf %add3A_263, %bitcast_convert_type3A_257 : vector<16xf32>
      %add3A_265 = arith.constant -1.44248104 : f32
      %add3A_266 = vector.broadcast %add3A_265 : f32 to vector<16xf32>
      %add3A_267 = arith.addf %mul3A_264, %add3A_266 : vector<16xf32>
      %mul3A_268 = arith.mulf %add3A_267, %bitcast_convert_type3A_257 : vector<16xf32>
      %add3A_269 = arith.constant 2.79225516 : f32
      %add3A_270 = vector.broadcast %add3A_269 : f32 to vector<16xf32>
      %add3A_271 = arith.addf %mul3A_268, %add3A_270 : vector<16xf32>
      %mul3A_272 = arith.mulf %add3A_271, %bitcast_convert_type3A_257 : vector<16xf32>
      %add3A_273 = arith.constant -89.7603226 : f32
      %add3A_274 = vector.broadcast %add3A_273 : f32 to vector<16xf32>
      %add3A_275 = arith.addf %mul3A_272, %add3A_274 : vector<16xf32>
      %mul3A_276 = arith.constant 0.693147182 : f32
      %mul3A_277 = vector.broadcast %mul3A_276 : f32 to vector<16xf32>
      %mul3A_278 = arith.mulf %convert_element_type3A_250, %mul3A_277 : vector<16xf32>
      %add3A_279 = arith.addf %mul3A_278, %add3A_275 : vector<16xf32>
      %mul3A_280 = arith.mulf %get3A_239, %add3A_279 : vector<16xf32>
      %add3A_281 = arith.addf %add3A_232, %mul3A_280 : vector<16xf32>
      %add3A_282 = arith.addf %add3A_233, %get3A_239 : vector<16xf32>
      %get3A_283 = arith.constant 1 : i32
      %get3A_284 = arith.index_cast %get3A_283 : i32 to index
      %get3A_285 = arith.index_cast %scan3A_187 : i32 to index
      %get3A_286 = arith.constant 32 : index
      %get3A_287 = tpu.vector_load %arg5[%get3A_284, %get3A_285, %get3A_286] {strides = array<i32>} : memref<2x64x256xf32, #tpu.memory_space<vmem>>, vector<1x1x16xf32>,
      %get3A_288 = vector.shape_cast %get3A_287 : vector<1x1x16xf32> to vector<16xf32>
      %get3A_289 = arith.constant 1 : i32
      %get3A_290 = arith.index_cast %get3A_289 : i32 to index
      %get3A_291 = arith.index_cast %scan3A_187 : i32 to index
      %get3A_292 = arith.constant 32 : index
      %get3A_293 = tpu.vector_load %arg6[%get3A_290, %get3A_291, %get3A_292] {strides = array<i32>} : memref<2x64x256xf32, #tpu.memory_space<vmem>>, vector<1x1x16xf32>,
      %get3A_294 = vector.shape_cast %get3A_293 : vector<1x1x16xf32> to vector<16xf32>
      %bitcast_convert_type3A_295 = tpu.bitcast %get3A_294 : vector<16xf32> -> vector<16xi32>
      %shift_right_arithmetic3A_296 = arith.constant 23 : i32
      %shift_right_arithmetic3A_297 = vector.broadcast %shift_right_arithmetic3A_296 : i32 to vector<16xi32>
      %shift_right_arithmetic3A_298 = arith.shrsi %bitcast_convert_type3A_295, %shift_right_arithmetic3A_297 : vector<16xi32>
      %convert_element_type3A_299 = arith.sitofp %shift_right_arithmetic3A_298 : vector<16xi32> to vector<16xf32>
      %and3A_300 = arith.constant 8388607 : i32
      %and3A_301 = vector.broadcast %and3A_300 : i32 to vector<16xi32>
      %and3A_302 = arith.andi %bitcast_convert_type3A_295, %and3A_301 : vector<16xi32>
      %or3A_303 = arith.constant 1065353216 : i32
      %or3A_304 = vector.broadcast %or3A_303 : i32 to vector<16xi32>
      %or3A_305 = arith.ori %and3A_302, %or3A_304 : vector<16xi32>
      %bitcast_convert_type3A_306 = tpu.bitcast %or3A_305 : vector<16xi32> -> vector<16xf32>
      %mul3A_307 = arith.constant -0.0548628531 : f32
      %mul3A_308 = vector.broadcast %mul3A_307 : f32 to vector<16xf32>
      %mul3A_309 = arith.mulf %mul3A_308, %bitcast_convert_type3A_306 : vector<16xf32>
      %add3A_310 = arith.constant 0.435861856 : f32
      %add3A_311 = vector.broadcast %add3A_310 : f32 to vector<16xf32>
      %add3A_312 = arith.addf %mul3A_309, %add3A_311 : vector<16xf32>
      %mul3A_313 = arith.mulf %add3A_312, %bitcast_convert_type3A_306 : vector<16xf32>
      %add3A_314 = arith.constant -1.44248104 : f32
      %add3A_315 = vector.broadcast %add3A_314 : f32 to vector<16xf32>
      %add3A_316 = arith.addf %mul3A_313, %add3A_315 : vector<16xf32>
      %mul3A_317 = arith.mulf %add3A_316, %bitcast_convert_type3A_306 : vector<16xf32>
      %add3A_318 = arith.constant 2.79225516 : f32
      %add3A_319 = vector.broadcast %add3A_318 : f32 to vector<16xf32>
      %add3A_320 = arith.addf %mul3A_317, %add3A_319 : vector<16xf32>
      %mul3A_321 = arith.mulf %add3A_320, %bitcast_convert_type3A_306 : vector<16xf32>
      %add3A_322 = arith.constant -89.7603226 : f32
      %add3A_323 = vector.broadcast %add3A_322 : f32 to vector<16xf32>
      %add3A_324 = arith.addf %mul3A_321, %add3A_323 : vector<16xf32>
      %mul3A_325 = arith.constant 0.693147182 : f32
      %mul3A_326 = vector.broadcast %mul3A_325 : f32 to vector<16xf32>
      %mul3A_327 = arith.mulf %convert_element_type3A_299, %mul3A_326 : vector<16xf32>
      %add3A_328 = arith.addf %mul3A_327, %add3A_324 : vector<16xf32>
      %mul3A_329 = arith.mulf %get3A_288, %add3A_328 : vector<16xf32>
      %add3A_330 = arith.addf %add3A_281, %mul3A_329 : vector<16xf32>
      %add3A_331 = arith.addf %add3A_282, %get3A_288 : vector<16xf32>
      %get3A_332 = arith.constant 1 : i32
      %get3A_333 = arith.index_cast %get3A_332 : i32 to index
      %get3A_334 = arith.index_cast %scan3A_187 : i32 to index
      %get3A_335 = arith.constant 48 : index
      %get3A_336 = tpu.vector_load %arg5[%get3A_333, %get3A_334, %get3A_335] {strides = array<i32>} : memref<2x64x256xf32, #tpu.memory_space<vmem>>, vector<1x1x16xf32>,
      %get3A_337 = vector.shape_cast %get3A_336 : vector<1x1x16xf32> to vector<16xf32>
      %get3A_338 = arith.constant 1 : i32
      %get3A_339 = arith.index_cast %get3A_338 : i32 to index
      %get3A_340 = arith.index_cast %scan3A_187 : i32 to index
      %get3A_341 = arith.constant 48 : index
      %get3A_342 = tpu.vector_load %arg6[%get3A_339, %get3A_340, %get3A_341] {strides = array<i32>} : memref<2x64x256xf32, #tpu.memory_space<vmem>>, vector<1x1x16xf32>,
      %get3A_343 = vector.shape_cast %get3A_342 : vector<1x1x16xf32> to vector<16xf32>
      %bitcast_convert_type3A_344 = tpu.bitcast %get3A_343 : vector<16xf32> -> vector<16xi32>
      %shift_right_arithmetic3A_345 = arith.constant 23 : i32
      %shift_right_arithmetic3A_346 = vector.broadcast %shift_right_arithmetic3A_345 : i32 to vector<16xi32>
      %shift_right_arithmetic3A_347 = arith.shrsi %bitcast_convert_type3A_344, %shift_right_arithmetic3A_346 : vector<16xi32>
      %convert_element_type3A_348 = arith.sitofp %shift_right_arithmetic3A_347 : vector<16xi32> to vector<16xf32>
      %and3A_349 = arith.constant 8388607 : i32
      %and3A_350 = vector.broadcast %and3A_349 : i32 to vector<16xi32>
      %and3A_351 = arith.andi %bitcast_convert_type3A_344, %and3A_350 : vector<16xi32>
      %or3A_352 = arith.constant 1065353216 : i32
      %or3A_353 = vector.broadcast %or3A_352 : i32 to vector<16xi32>
      %or3A_354 = arith.ori %and3A_351, %or3A_353 : vector<16xi32>
      %bitcast_convert_type3A_355 = tpu.bitcast %or3A_354 : vector<16xi32> -> vector<16xf32>
      %mul3A_356 = arith.constant -0.0548628531 : f32
      %mul3A_357 = vector.broadcast %mul3A_356 : f32 to vector<16xf32>
      %mul3A_358 = arith.mulf %mul3A_357, %bitcast_convert_type3A_355 : vector<16xf32>
      %add3A_359 = arith.constant 0.435861856 : f32
      %add3A_360 = vector.broadcast %add3A_359 : f32 to vector<16xf32>
      %add3A_361 = arith.addf %mul3A_358, %add3A_360 : vector<16xf32>
      %mul3A_362 = arith.mulf %add3A_361, %bitcast_convert_type3A_355 : vector<16xf32>
      %add3A_363 = arith.constant -1.44248104 : f32
      %add3A_364 = vector.broadcast %add3A_363 : f32 to vector<16xf32>
      %add3A_365 = arith.addf %mul3A_362, %add3A_364 : vector<16xf32>
      %mul3A_366 = arith.mulf %add3A_365, %bitcast_convert_type3A_355 : vector<16xf32>
      %add3A_367 = arith.constant 2.79225516 : f32
      %add3A_368 = vector.broadcast %add3A_367 : f32 to vector<16xf32>
      %add3A_369 = arith.addf %mul3A_366, %add3A_368 : vector<16xf32>
      %mul3A_370 = arith.mulf %add3A_369, %bitcast_convert_type3A_355 : vector<16xf32>
      %add3A_371 = arith.constant -89.7603226 : f32
      %add3A_372 = vector.broadcast %add3A_371 : f32 to vector<16xf32>
      %add3A_373 = arith.addf %mul3A_370, %add3A_372 : vector<16xf32>
      %mul3A_374 = arith.constant 0.693147182 : f32
      %mul3A_375 = vector.broadcast %mul3A_374 : f32 to vector<16xf32>
      %mul3A_376 = arith.mulf %convert_element_type3A_348, %mul3A_375 : vector<16xf32>
      %add3A_377 = arith.addf %mul3A_376, %add3A_373 : vector<16xf32>
      %mul3A_378 = arith.mulf %get3A_337, %add3A_377 : vector<16xf32>
      %add3A_379 = arith.addf %add3A_330, %mul3A_378 : vector<16xf32>
      %add3A_380 = arith.addf %add3A_331, %get3A_337 : vector<16xf32>
      %get3A_381 = arith.constant 1 : i32
      %get3A_382 = arith.index_cast %get3A_381 : i32 to index
      %get3A_383 = arith.index_cast %scan3A_187 : i32 to index
      %get3A_384 = arith.constant 64 : index
      %get3A_385 = tpu.vector_load %arg5[%get3A_382, %get3A_383, %get3A_384] {strides = array<i32>} : memref<2x64x256xf32, #tpu.memory_space<vmem>>, vector<1x1x16xf32>,
      %get3A_386 = vector.shape_cast %get3A_385 : vector<1x1x16xf32> to vector<16xf32>
      %get3A_387 = arith.constant 1 : i32
      %get3A_388 = arith.index_cast %get3A_387 : i32 to index
      %get3A_389 = arith.index_cast %scan3A_187 : i32 to index
      %get3A_390 = arith.constant 64 : index
      %get3A_391 = tpu.vector_load %arg6[%get3A_388, %get3A_389, %get3A_390] {strides = array<i32>} : memref<2x64x256xf32, #tpu.memory_space<vmem>>, vector<1x1x16xf32>,
      %get3A_392 = vector.shape_cast %get3A_391 : vector<1x1x16xf32> to vector<16xf32>
      %bitcast_convert_type3A_393 = tpu.bitcast %get3A_392 : vector<16xf32> -> vector<16xi32>
      %shift_right_arithmetic3A_394 = arith.constant 23 : i32
      %shift_right_arithmetic3A_395 = vector.broadcast %shift_right_arithmetic3A_394 : i32 to vector<16xi32>
      %shift_right_arithmetic3A_396 = arith.shrsi %bitcast_convert_type3A_393, %shift_right_arithmetic3A_395 : vector<16xi32>
      %convert_element_type3A_397 = arith.sitofp %shift_right_arithmetic3A_396 : vector<16xi32> to vector<16xf32>
      %and3A_398 = arith.constant 8388607 : i32
      %and3A_399 = vector.broadcast %and3A_398 : i32 to vector<16xi32>
      %and3A_400 = arith.andi %bitcast_convert_type3A_393, %and3A_399 : vector<16xi32>
      %or3A_401 = arith.constant 1065353216 : i32
      %or3A_402 = vector.broadcast %or3A_401 : i32 to vector<16xi32>
      %or3A_403 = arith.ori %and3A_400, %or3A_402 : vector<16xi32>
      %bitcast_convert_type3A_404 = tpu.bitcast %or3A_403 : vector<16xi32> -> vector<16xf32>
      %mul3A_405 = arith.constant -0.0548628531 : f32
      %mul3A_406 = vector.broadcast %mul3A_405 : f32 to vector<16xf32>
      %mul3A_407 = arith.mulf %mul3A_406, %bitcast_convert_type3A_404 : vector<16xf32>
      %add3A_408 = arith.constant 0.435861856 : f32
      %add3A_409 = vector.broadcast %add3A_408 : f32 to vector<16xf32>
      %add3A_410 = arith.addf %mul3A_407, %add3A_409 : vector<16xf32>
      %mul3A_411 = arith.mulf %add3A_410, %bitcast_convert_type3A_404 : vector<16xf32>
      %add3A_412 = arith.constant -1.44248104 : f32
      %add3A_413 = vector.broadcast %add3A_412 : f32 to vector<16xf32>
      %add3A_414 = arith.addf %mul3A_411, %add3A_413 : vector<16xf32>
      %mul3A_415 = arith.mulf %add3A_414, %bitcast_convert_type3A_404 : vector<16xf32>
      %add3A_416 = arith.constant 2.79225516 : f32
      %add3A_417 = vector.broadcast %add3A_416 : f32 to vector<16xf32>
      %add3A_418 = arith.addf %mul3A_415, %add3A_417 : vector<16xf32>
      %mul3A_419 = arith.mulf %add3A_418, %bitcast_convert_type3A_404 : vector<16xf32>
      %add3A_420 = arith.constant -89.7603226 : f32
      %add3A_421 = vector.broadcast %add3A_420 : f32 to vector<16xf32>
      %add3A_422 = arith.addf %mul3A_419, %add3A_421 : vector<16xf32>
      %mul3A_423 = arith.constant 0.693147182 : f32
      %mul3A_424 = vector.broadcast %mul3A_423 : f32 to vector<16xf32>
      %mul3A_425 = arith.mulf %convert_element_type3A_397, %mul3A_424 : vector<16xf32>
      %add3A_426 = arith.addf %mul3A_425, %add3A_422 : vector<16xf32>
      %mul3A_427 = arith.mulf %get3A_386, %add3A_426 : vector<16xf32>
      %add3A_428 = arith.addf %add3A_379, %mul3A_427 : vector<16xf32>
      %add3A_429 = arith.addf %add3A_380, %get3A_386 : vector<16xf32>
      %get3A_430 = arith.constant 1 : i32
      %get3A_431 = arith.index_cast %get3A_430 : i32 to index
      %get3A_432 = arith.index_cast %scan3A_187 : i32 to index
      %get3A_433 = arith.constant 80 : index
      %get3A_434 = tpu.vector_load %arg5[%get3A_431, %get3A_432, %get3A_433] {strides = array<i32>} : memref<2x64x256xf32, #tpu.memory_space<vmem>>, vector<1x1x16xf32>,
      %get3A_435 = vector.shape_cast %get3A_434 : vector<1x1x16xf32> to vector<16xf32>
      %get3A_436 = arith.constant 1 : i32
      %get3A_437 = arith.index_cast %get3A_436 : i32 to index
      %get3A_438 = arith.index_cast %scan3A_187 : i32 to index
      %get3A_439 = arith.constant 80 : index
      %get3A_440 = tpu.vector_load %arg6[%get3A_437, %get3A_438, %get3A_439] {strides = array<i32>} : memref<2x64x256xf32, #tpu.memory_space<vmem>>, vector<1x1x16xf32>,
      %get3A_441 = vector.shape_cast %get3A_440 : vector<1x1x16xf32> to vector<16xf32>
      %bitcast_convert_type3A_442 = tpu.bitcast %get3A_441 : vector<16xf32> -> vector<16xi32>
      %shift_right_arithmetic3A_443 = arith.constant 23 : i32
      %shift_right_arithmetic3A_444 = vector.broadcast %shift_right_arithmetic3A_443 : i32 to vector<16xi32>
      %shift_right_arithmetic3A_445 = arith.shrsi %bitcast_convert_type3A_442, %shift_right_arithmetic3A_444 : vector<16xi32>
      %convert_element_type3A_446 = arith.sitofp %shift_right_arithmetic3A_445 : vector<16xi32> to vector<16xf32>
      %and3A_447 = arith.constant 8388607 : i32
      %and3A_448 = vector.broadcast %and3A_447 : i32 to vector<16xi32>
      %and3A_449 = arith.andi %bitcast_convert_type3A_442, %and3A_448 : vector<16xi32>
      %or3A_450 = arith.constant 1065353216 : i32
      %or3A_451 = vector.broadcast %or3A_450 : i32 to vector<16xi32>
      %or3A_452 = arith.ori %and3A_449, %or3A_451 : vector<16xi32>
      %bitcast_convert_type3A_453 = tpu.bitcast %or3A_452 : vector<16xi32> -> vector<16xf32>
      %mul3A_454 = arith.constant -0.0548628531 : f32
      %mul3A_455 = vector.broadcast %mul3A_454 : f32 to vector<16xf32>
      %mul3A_456 = arith.mulf %mul3A_455, %bitcast_convert_type3A_453 : vector<16xf32>
      %add3A_457 = arith.constant 0.435861856 : f32
      %add3A_458 = vector.broadcast %add3A_457 : f32 to vector<16xf32>
      %add3A_459 = arith.addf %mul3A_456, %add3A_458 : vector<16xf32>
      %mul3A_460 = arith.mulf %add3A_459, %bitcast_convert_type3A_453 : vector<16xf32>
      %add3A_461 = arith.constant -1.44248104 : f32
      %add3A_462 = vector.broadcast %add3A_461 : f32 to vector<16xf32>
      %add3A_463 = arith.addf %mul3A_460, %add3A_462 : vector<16xf32>
      %mul3A_464 = arith.mulf %add3A_463, %bitcast_convert_type3A_453 : vector<16xf32>
      %add3A_465 = arith.constant 2.79225516 : f32
      %add3A_466 = vector.broadcast %add3A_465 : f32 to vector<16xf32>
      %add3A_467 = arith.addf %mul3A_464, %add3A_466 : vector<16xf32>
      %mul3A_468 = arith.mulf %add3A_467, %bitcast_convert_type3A_453 : vector<16xf32>
      %add3A_469 = arith.constant -89.7603226 : f32
      %add3A_470 = vector.broadcast %add3A_469 : f32 to vector<16xf32>
      %add3A_471 = arith.addf %mul3A_468, %add3A_470 : vector<16xf32>
      %mul3A_472 = arith.constant 0.693147182 : f32
      %mul3A_473 = vector.broadcast %mul3A_472 : f32 to vector<16xf32>
      %mul3A_474 = arith.mulf %convert_element_type3A_446, %mul3A_473 : vector<16xf32>
      %add3A_475 = arith.addf %mul3A_474, %add3A_471 : vector<16xf32>
      %mul3A_476 = arith.mulf %get3A_435, %add3A_475 : vector<16xf32>
      %add3A_477 = arith.addf %add3A_428, %mul3A_476 : vector<16xf32>
      %add3A_478 = arith.addf %add3A_429, %get3A_435 : vector<16xf32>
      %get3A_479 = arith.constant 1 : i32
      %get3A_480 = arith.index_cast %get3A_479 : i32 to index
      %get3A_481 = arith.index_cast %scan3A_187 : i32 to index
      %get3A_482 = arith.constant 96 : index
      %get3A_483 = tpu.vector_load %arg5[%get3A_480, %get3A_481, %get3A_482] {strides = array<i32>} : memref<2x64x256xf32, #tpu.memory_space<vmem>>, vector<1x1x16xf32>,
      %get3A_484 = vector.shape_cast %get3A_483 : vector<1x1x16xf32> to vector<16xf32>
      %get3A_485 = arith.constant 1 : i32
      %get3A_486 = arith.index_cast %get3A_485 : i32 to index
      %get3A_487 = arith.index_cast %scan3A_187 : i32 to index
      %get3A_488 = arith.constant 96 : index
      %get3A_489 = tpu.vector_load %arg6[%get3A_486, %get3A_487, %get3A_488] {strides = array<i32>} : memref<2x64x256xf32, #tpu.memory_space<vmem>>, vector<1x1x16xf32>,
      %get3A_490 = vector.shape_cast %get3A_489 : vector<1x1x16xf32> to vector<16xf32>
      %bitcast_convert_type3A_491 = tpu.bitcast %get3A_490 : vector<16xf32> -> vector<16xi32>
      %shift_right_arithmetic3A_492 = arith.constant 23 : i32
      %shift_right_arithmetic3A_493 = vector.broadcast %shift_right_arithmetic3A_492 : i32 to vector<16xi32>
      %shift_right_arithmetic3A_494 = arith.shrsi %bitcast_convert_type3A_491, %shift_right_arithmetic3A_493 : vector<16xi32>
      %convert_element_type3A_495 = arith.sitofp %shift_right_arithmetic3A_494 : vector<16xi32> to vector<16xf32>
      %and3A_496 = arith.constant 8388607 : i32
      %and3A_497 = vector.broadcast %and3A_496 : i32 to vector<16xi32>
      %and3A_498 = arith.andi %bitcast_convert_type3A_491, %and3A_497 : vector<16xi32>
      %or3A_499 = arith.constant 1065353216 : i32
      %or3A_500 = vector.broadcast %or3A_499 : i32 to vector<16xi32>
      %or3A_501 = arith.ori %and3A_498, %or3A_500 : vector<16xi32>
      %bitcast_convert_type3A_502 = tpu.bitcast %or3A_501 : vector<16xi32> -> vector<16xf32>
      %mul3A_503 = arith.constant -0.0548628531 : f32
      %mul3A_504 = vector.broadcast %mul3A_503 : f32 to vector<16xf32>
      %mul3A_505 = arith.mulf %mul3A_504, %bitcast_convert_type3A_502 : vector<16xf32>
      %add3A_506 = arith.constant 0.435861856 : f32
      %add3A_507 = vector.broadcast %add3A_506 : f32 to vector<16xf32>
      %add3A_508 = arith.addf %mul3A_505, %add3A_507 : vector<16xf32>
      %mul3A_509 = arith.mulf %add3A_508, %bitcast_convert_type3A_502 : vector<16xf32>
      %add3A_510 = arith.constant -1.44248104 : f32
      %add3A_511 = vector.broadcast %add3A_510 : f32 to vector<16xf32>
      %add3A_512 = arith.addf %mul3A_509, %add3A_511 : vector<16xf32>
      %mul3A_513 = arith.mulf %add3A_512, %bitcast_convert_type3A_502 : vector<16xf32>
      %add3A_514 = arith.constant 2.79225516 : f32
      %add3A_515 = vector.broadcast %add3A_514 : f32 to vector<16xf32>
      %add3A_516 = arith.addf %mul3A_513, %add3A_515 : vector<16xf32>
      %mul3A_517 = arith.mulf %add3A_516, %bitcast_convert_type3A_502 : vector<16xf32>
      %add3A_518 = arith.constant -89.7603226 : f32
      %add3A_519 = vector.broadcast %add3A_518 : f32 to vector<16xf32>
      %add3A_520 = arith.addf %mul3A_517, %add3A_519 : vector<16xf32>
      %mul3A_521 = arith.constant 0.693147182 : f32
      %mul3A_522 = vector.broadcast %mul3A_521 : f32 to vector<16xf32>
      %mul3A_523 = arith.mulf %convert_element_type3A_495, %mul3A_522 : vector<16xf32>
      %add3A_524 = arith.addf %mul3A_523, %add3A_520 : vector<16xf32>
      %mul3A_525 = arith.mulf %get3A_484, %add3A_524 : vector<16xf32>
      %add3A_526 = arith.addf %add3A_477, %mul3A_525 : vector<16xf32>
      %add3A_527 = arith.addf %add3A_478, %get3A_484 : vector<16xf32>
      %get3A_528 = arith.constant 1 : i32
      %get3A_529 = arith.index_cast %get3A_528 : i32 to index
      %get3A_530 = arith.index_cast %scan3A_187 : i32 to index
      %get3A_531 = arith.constant 112 : index
      %get3A_532 = tpu.vector_load %arg5[%get3A_529, %get3A_530, %get3A_531] {strides = array<i32>} : memref<2x64x256xf32, #tpu.memory_space<vmem>>, vector<1x1x16xf32>,
      %get3A_533 = vector.shape_cast %get3A_532 : vector<1x1x16xf32> to vector<16xf32>
      %get3A_534 = arith.constant 1 : i32
      %get3A_535 = arith.index_cast %get3A_534 : i32 to index
      %get3A_536 = arith.index_cast %scan3A_187 : i32 to index
      %get3A_537 = arith.constant 112 : index
      %get3A_538 = tpu.vector_load %arg6[%get3A_535, %get3A_536, %get3A_537] {strides = array<i32>} : memref<2x64x256xf32, #tpu.memory_space<vmem>>, vector<1x1x16xf32>,
      %get3A_539 = vector.shape_cast %get3A_538 : vector<1x1x16xf32> to vector<16xf32>
      %bitcast_convert_type3A_540 = tpu.bitcast %get3A_539 : vector<16xf32> -> vector<16xi32>
      %shift_right_arithmetic3A_541 = arith.constant 23 : i32
      %shift_right_arithmetic3A_542 = vector.broadcast %shift_right_arithmetic3A_541 : i32 to vector<16xi32>
      %shift_right_arithmetic3A_543 = arith.shrsi %bitcast_convert_type3A_540, %shift_right_arithmetic3A_542 : vector<16xi32>
      %convert_element_type3A_544 = arith.sitofp %shift_right_arithmetic3A_543 : vector<16xi32> to vector<16xf32>
      %and3A_545 = arith.constant 8388607 : i32
      %and3A_546 = vector.broadcast %and3A_545 : i32 to vector<16xi32>
      %and3A_547 = arith.andi %bitcast_convert_type3A_540, %and3A_546 : vector<16xi32>
      %or3A_548 = arith.constant 1065353216 : i32
      %or3A_549 = vector.broadcast %or3A_548 : i32 to vector<16xi32>
      %or3A_550 = arith.ori %and3A_547, %or3A_549 : vector<16xi32>
      %bitcast_convert_type3A_551 = tpu.bitcast %or3A_550 : vector<16xi32> -> vector<16xf32>
      %mul3A_552 = arith.constant -0.0548628531 : f32
      %mul3A_553 = vector.broadcast %mul3A_552 : f32 to vector<16xf32>
      %mul3A_554 = arith.mulf %mul3A_553, %bitcast_convert_type3A_551 : vector<16xf32>
      %add3A_555 = arith.constant 0.435861856 : f32
      %add3A_556 = vector.broadcast %add3A_555 : f32 to vector<16xf32>
      %add3A_557 = arith.addf %mul3A_554, %add3A_556 : vector<16xf32>
      %mul3A_558 = arith.mulf %add3A_557, %bitcast_convert_type3A_551 : vector<16xf32>
      %add3A_559 = arith.constant -1.44248104 : f32
      %add3A_560 = vector.broadcast %add3A_559 : f32 to vector<16xf32>
      %add3A_561 = arith.addf %mul3A_558, %add3A_560 : vector<16xf32>
      %mul3A_562 = arith.mulf %add3A_561, %bitcast_convert_type3A_551 : vector<16xf32>
      %add3A_563 = arith.constant 2.79225516 : f32
      %add3A_564 = vector.broadcast %add3A_563 : f32 to vector<16xf32>
      %add3A_565 = arith.addf %mul3A_562, %add3A_564 : vector<16xf32>
      %mul3A_566 = arith.mulf %add3A_565, %bitcast_convert_type3A_551 : vector<16xf32>
      %add3A_567 = arith.constant -89.7603226 : f32
      %add3A_568 = vector.broadcast %add3A_567 : f32 to vector<16xf32>
      %add3A_569 = arith.addf %mul3A_566, %add3A_568 : vector<16xf32>
      %mul3A_570 = arith.constant 0.693147182 : f32
      %mul3A_571 = vector.broadcast %mul3A_570 : f32 to vector<16xf32>
      %mul3A_572 = arith.mulf %convert_element_type3A_544, %mul3A_571 : vector<16xf32>
      %add3A_573 = arith.addf %mul3A_572, %add3A_569 : vector<16xf32>
      %mul3A_574 = arith.mulf %get3A_533, %add3A_573 : vector<16xf32>
      %add3A_575 = arith.addf %add3A_526, %mul3A_574 : vector<16xf32>
      %add3A_576 = arith.addf %add3A_527, %get3A_533 : vector<16xf32>
      %get3A_577 = arith.constant 1 : i32
      %get3A_578 = arith.index_cast %get3A_577 : i32 to index
      %get3A_579 = arith.index_cast %scan3A_187 : i32 to index
      %get3A_580 = arith.constant 128 : index
      %get3A_581 = tpu.vector_load %arg5[%get3A_578, %get3A_579, %get3A_580] {strides = array<i32>} : memref<2x64x256xf32, #tpu.memory_space<vmem>>, vector<1x1x16xf32>,
      %get3A_582 = vector.shape_cast %get3A_581 : vector<1x1x16xf32> to vector<16xf32>
      %get3A_583 = arith.constant 1 : i32
      %get3A_584 = arith.index_cast %get3A_583 : i32 to index
      %get3A_585 = arith.index_cast %scan3A_187 : i32 to index
      %get3A_586 = arith.constant 128 : index
      %get3A_587 = tpu.vector_load %arg6[%get3A_584, %get3A_585, %get3A_586] {strides = array<i32>} : memref<2x64x256xf32, #tpu.memory_space<vmem>>, vector<1x1x16xf32>,
      %get3A_588 = vector.shape_cast %get3A_587 : vector<1x1x16xf32> to vector<16xf32>
      %bitcast_convert_type3A_589 = tpu.bitcast %get3A_588 : vector<16xf32> -> vector<16xi32>
      %shift_right_arithmetic3A_590 = arith.constant 23 : i32
      %shift_right_arithmetic3A_591 = vector.broadcast %shift_right_arithmetic3A_590 : i32 to vector<16xi32>
      %shift_right_arithmetic3A_592 = arith.shrsi %bitcast_convert_type3A_589, %shift_right_arithmetic3A_591 : vector<16xi32>
      %convert_element_type3A_593 = arith.sitofp %shift_right_arithmetic3A_592 : vector<16xi32> to vector<16xf32>
      %and3A_594 = arith.constant 8388607 : i32
      %and3A_595 = vector.broadcast %and3A_594 : i32 to vector<16xi32>
      %and3A_596 = arith.andi %bitcast_convert_type3A_589, %and3A_595 : vector<16xi32>
      %or3A_597 = arith.constant 1065353216 : i32
      %or3A_598 = vector.broadcast %or3A_597 : i32 to vector<16xi32>
      %or3A_599 = arith.ori %and3A_596, %or3A_598 : vector<16xi32>
      %bitcast_convert_type3A_600 = tpu.bitcast %or3A_599 : vector<16xi32> -> vector<16xf32>
      %mul3A_601 = arith.constant -0.0548628531 : f32
      %mul3A_602 = vector.broadcast %mul3A_601 : f32 to vector<16xf32>
      %mul3A_603 = arith.mulf %mul3A_602, %bitcast_convert_type3A_600 : vector<16xf32>
      %add3A_604 = arith.constant 0.435861856 : f32
      %add3A_605 = vector.broadcast %add3A_604 : f32 to vector<16xf32>
      %add3A_606 = arith.addf %mul3A_603, %add3A_605 : vector<16xf32>
      %mul3A_607 = arith.mulf %add3A_606, %bitcast_convert_type3A_600 : vector<16xf32>
      %add3A_608 = arith.constant -1.44248104 : f32
      %add3A_609 = vector.broadcast %add3A_608 : f32 to vector<16xf32>
      %add3A_610 = arith.addf %mul3A_607, %add3A_609 : vector<16xf32>
      %mul3A_611 = arith.mulf %add3A_610, %bitcast_convert_type3A_600 : vector<16xf32>
      %add3A_612 = arith.constant 2.79225516 : f32
      %add3A_613 = vector.broadcast %add3A_612 : f32 to vector<16xf32>
      %add3A_614 = arith.addf %mul3A_611, %add3A_613 : vector<16xf32>
      %mul3A_615 = arith.mulf %add3A_614, %bitcast_convert_type3A_600 : vector<16xf32>
      %add3A_616 = arith.constant -89.7603226 : f32
      %add3A_617 = vector.broadcast %add3A_616 : f32 to vector<16xf32>
      %add3A_618 = arith.addf %mul3A_615, %add3A_617 : vector<16xf32>
      %mul3A_619 = arith.constant 0.693147182 : f32
      %mul3A_620 = vector.broadcast %mul3A_619 : f32 to vector<16xf32>
      %mul3A_621 = arith.mulf %convert_element_type3A_593, %mul3A_620 : vector<16xf32>
      %add3A_622 = arith.addf %mul3A_621, %add3A_618 : vector<16xf32>
      %mul3A_623 = arith.mulf %get3A_582, %add3A_622 : vector<16xf32>
      %add3A_624 = arith.addf %add3A_575, %mul3A_623 : vector<16xf32>
      %add3A_625 = arith.addf %add3A_576, %get3A_582 : vector<16xf32>
      %get3A_626 = arith.constant 1 : i32
      %get3A_627 = arith.index_cast %get3A_626 : i32 to index
      %get3A_628 = arith.index_cast %scan3A_187 : i32 to index
      %get3A_629 = arith.constant 144 : index
      %get3A_630 = tpu.vector_load %arg5[%get3A_627, %get3A_628, %get3A_629] {strides = array<i32>} : memref<2x64x256xf32, #tpu.memory_space<vmem>>, vector<1x1x16xf32>,
      %get3A_631 = vector.shape_cast %get3A_630 : vector<1x1x16xf32> to vector<16xf32>
      %get3A_632 = arith.constant 1 : i32
      %get3A_633 = arith.index_cast %get3A_632 : i32 to index
      %get3A_634 = arith.index_cast %scan3A_187 : i32 to index
      %get3A_635 = arith.constant 144 : index
      %get3A_636 = tpu.vector_load %arg6[%get3A_633, %get3A_634, %get3A_635] {strides = array<i32>} : memref<2x64x256xf32, #tpu.memory_space<vmem>>, vector<1x1x16xf32>,
      %get3A_637 = vector.shape_cast %get3A_636 : vector<1x1x16xf32> to vector<16xf32>
      %bitcast_convert_type3A_638 = tpu.bitcast %get3A_637 : vector<16xf32> -> vector<16xi32>
      %shift_right_arithmetic3A_639 = arith.constant 23 : i32
      %shift_right_arithmetic3A_640 = vector.broadcast %shift_right_arithmetic3A_639 : i32 to vector<16xi32>
      %shift_right_arithmetic3A_641 = arith.shrsi %bitcast_convert_type3A_638, %shift_right_arithmetic3A_640 : vector<16xi32>
      %convert_element_type3A_642 = arith.sitofp %shift_right_arithmetic3A_641 : vector<16xi32> to vector<16xf32>
      %and3A_643 = arith.constant 8388607 : i32
      %and3A_644 = vector.broadcast %and3A_643 : i32 to vector<16xi32>
      %and3A_645 = arith.andi %bitcast_convert_type3A_638, %and3A_644 : vector<16xi32>
      %or3A_646 = arith.constant 1065353216 : i32
      %or3A_647 = vector.broadcast %or3A_646 : i32 to vector<16xi32>
      %or3A_648 = arith.ori %and3A_645, %or3A_647 : vector<16xi32>
      %bitcast_convert_type3A_649 = tpu.bitcast %or3A_648 : vector<16xi32> -> vector<16xf32>
      %mul3A_650 = arith.constant -0.0548628531 : f32
      %mul3A_651 = vector.broadcast %mul3A_650 : f32 to vector<16xf32>
      %mul3A_652 = arith.mulf %mul3A_651, %bitcast_convert_type3A_649 : vector<16xf32>
      %add3A_653 = arith.constant 0.435861856 : f32
      %add3A_654 = vector.broadcast %add3A_653 : f32 to vector<16xf32>
      %add3A_655 = arith.addf %mul3A_652, %add3A_654 : vector<16xf32>
      %mul3A_656 = arith.mulf %add3A_655, %bitcast_convert_type3A_649 : vector<16xf32>
      %add3A_657 = arith.constant -1.44248104 : f32
      %add3A_658 = vector.broadcast %add3A_657 : f32 to vector<16xf32>
      %add3A_659 = arith.addf %mul3A_656, %add3A_658 : vector<16xf32>
      %mul3A_660 = arith.mulf %add3A_659, %bitcast_convert_type3A_649 : vector<16xf32>
      %add3A_661 = arith.constant 2.79225516 : f32
      %add3A_662 = vector.broadcast %add3A_661 : f32 to vector<16xf32>
      %add3A_663 = arith.addf %mul3A_660, %add3A_662 : vector<16xf32>
      %mul3A_664 = arith.mulf %add3A_663, %bitcast_convert_type3A_649 : vector<16xf32>
      %add3A_665 = arith.constant -89.7603226 : f32
      %add3A_666 = vector.broadcast %add3A_665 : f32 to vector<16xf32>
      %add3A_667 = arith.addf %mul3A_664, %add3A_666 : vector<16xf32>
      %mul3A_668 = arith.constant 0.693147182 : f32
      %mul3A_669 = vector.broadcast %mul3A_668 : f32 to vector<16xf32>
      %mul3A_670 = arith.mulf %convert_element_type3A_642, %mul3A_669 : vector<16xf32>
      %add3A_671 = arith.addf %mul3A_670, %add3A_667 : vector<16xf32>
      %mul3A_672 = arith.mulf %get3A_631, %add3A_671 : vector<16xf32>
      %add3A_673 = arith.addf %add3A_624, %mul3A_672 : vector<16xf32>
      %add3A_674 = arith.addf %add3A_625, %get3A_631 : vector<16xf32>
      %get3A_675 = arith.constant 1 : i32
      %get3A_676 = arith.index_cast %get3A_675 : i32 to index
      %get3A_677 = arith.index_cast %scan3A_187 : i32 to index
      %get3A_678 = arith.constant 160 : index
      %get3A_679 = tpu.vector_load %arg5[%get3A_676, %get3A_677, %get3A_678] {strides = array<i32>} : memref<2x64x256xf32, #tpu.memory_space<vmem>>, vector<1x1x16xf32>,
      %get3A_680 = vector.shape_cast %get3A_679 : vector<1x1x16xf32> to vector<16xf32>
      %get3A_681 = arith.constant 1 : i32
      %get3A_682 = arith.index_cast %get3A_681 : i32 to index
      %get3A_683 = arith.index_cast %scan3A_187 : i32 to index
      %get3A_684 = arith.constant 160 : index
      %get3A_685 = tpu.vector_load %arg6[%get3A_682, %get3A_683, %get3A_684] {strides = array<i32>} : memref<2x64x256xf32, #tpu.memory_space<vmem>>, vector<1x1x16xf32>,
      %get3A_686 = vector.shape_cast %get3A_685 : vector<1x1x16xf32> to vector<16xf32>
      %bitcast_convert_type3A_687 = tpu.bitcast %get3A_686 : vector<16xf32> -> vector<16xi32>
      %shift_right_arithmetic3A_688 = arith.constant 23 : i32
      %shift_right_arithmetic3A_689 = vector.broadcast %shift_right_arithmetic3A_688 : i32 to vector<16xi32>
      %shift_right_arithmetic3A_690 = arith.shrsi %bitcast_convert_type3A_687, %shift_right_arithmetic3A_689 : vector<16xi32>
      %convert_element_type3A_691 = arith.sitofp %shift_right_arithmetic3A_690 : vector<16xi32> to vector<16xf32>
      %and3A_692 = arith.constant 8388607 : i32
      %and3A_693 = vector.broadcast %and3A_692 : i32 to vector<16xi32>
      %and3A_694 = arith.andi %bitcast_convert_type3A_687, %and3A_693 : vector<16xi32>
      %or3A_695 = arith.constant 1065353216 : i32
      %or3A_696 = vector.broadcast %or3A_695 : i32 to vector<16xi32>
      %or3A_697 = arith.ori %and3A_694, %or3A_696 : vector<16xi32>
      %bitcast_convert_type3A_698 = tpu.bitcast %or3A_697 : vector<16xi32> -> vector<16xf32>
      %mul3A_699 = arith.constant -0.0548628531 : f32
      %mul3A_700 = vector.broadcast %mul3A_699 : f32 to vector<16xf32>
      %mul3A_701 = arith.mulf %mul3A_700, %bitcast_convert_type3A_698 : vector<16xf32>
      %add3A_702 = arith.constant 0.435861856 : f32
      %add3A_703 = vector.broadcast %add3A_702 : f32 to vector<16xf32>
      %add3A_704 = arith.addf %mul3A_701, %add3A_703 : vector<16xf32>
      %mul3A_705 = arith.mulf %add3A_704, %bitcast_convert_type3A_698 : vector<16xf32>
      %add3A_706 = arith.constant -1.44248104 : f32
      %add3A_707 = vector.broadcast %add3A_706 : f32 to vector<16xf32>
      %add3A_708 = arith.addf %mul3A_705, %add3A_707 : vector<16xf32>
      %mul3A_709 = arith.mulf %add3A_708, %bitcast_convert_type3A_698 : vector<16xf32>
      %add3A_710 = arith.constant 2.79225516 : f32
      %add3A_711 = vector.broadcast %add3A_710 : f32 to vector<16xf32>
      %add3A_712 = arith.addf %mul3A_709, %add3A_711 : vector<16xf32>
      %mul3A_713 = arith.mulf %add3A_712, %bitcast_convert_type3A_698 : vector<16xf32>
      %add3A_714 = arith.constant -89.7603226 : f32
      %add3A_715 = vector.broadcast %add3A_714 : f32 to vector<16xf32>
      %add3A_716 = arith.addf %mul3A_713, %add3A_715 : vector<16xf32>
      %mul3A_717 = arith.constant 0.693147182 : f32
      %mul3A_718 = vector.broadcast %mul3A_717 : f32 to vector<16xf32>
      %mul3A_719 = arith.mulf %convert_element_type3A_691, %mul3A_718 : vector<16xf32>
      %add3A_720 = arith.addf %mul3A_719, %add3A_716 : vector<16xf32>
      %mul3A_721 = arith.mulf %get3A_680, %add3A_720 : vector<16xf32>
      %add3A_722 = arith.addf %add3A_673, %mul3A_721 : vector<16xf32>
      %add3A_723 = arith.addf %add3A_674, %get3A_680 : vector<16xf32>
      %get3A_724 = arith.constant 1 : i32
      %get3A_725 = arith.index_cast %get3A_724 : i32 to index
      %get3A_726 = arith.index_cast %scan3A_187 : i32 to index
      %get3A_727 = arith.constant 176 : index
      %get3A_728 = tpu.vector_load %arg5[%get3A_725, %get3A_726, %get3A_727] {strides = array<i32>} : memref<2x64x256xf32, #tpu.memory_space<vmem>>, vector<1x1x16xf32>,
      %get3A_729 = vector.shape_cast %get3A_728 : vector<1x1x16xf32> to vector<16xf32>
      %get3A_730 = arith.constant 1 : i32
      %get3A_731 = arith.index_cast %get3A_730 : i32 to index
      %get3A_732 = arith.index_cast %scan3A_187 : i32 to index
      %get3A_733 = arith.constant 176 : index
      %get3A_734 = tpu.vector_load %arg6[%get3A_731, %get3A_732, %get3A_733] {strides = array<i32>} : memref<2x64x256xf32, #tpu.memory_space<vmem>>, vector<1x1x16xf32>,
      %get3A_735 = vector.shape_cast %get3A_734 : vector<1x1x16xf32> to vector<16xf32>
      %bitcast_convert_type3A_736 = tpu.bitcast %get3A_735 : vector<16xf32> -> vector<16xi32>
      %shift_right_arithmetic3A_737 = arith.constant 23 : i32
      %shift_right_arithmetic3A_738 = vector.broadcast %shift_right_arithmetic3A_737 : i32 to vector<16xi32>
      %shift_right_arithmetic3A_739 = arith.shrsi %bitcast_convert_type3A_736, %shift_right_arithmetic3A_738 : vector<16xi32>
      %convert_element_type3A_740 = arith.sitofp %shift_right_arithmetic3A_739 : vector<16xi32> to vector<16xf32>
      %and3A_741 = arith.constant 8388607 : i32
      %and3A_742 = vector.broadcast %and3A_741 : i32 to vector<16xi32>
      %and3A_743 = arith.andi %bitcast_convert_type3A_736, %and3A_742 : vector<16xi32>
      %or3A_744 = arith.constant 1065353216 : i32
      %or3A_745 = vector.broadcast %or3A_744 : i32 to vector<16xi32>
      %or3A_746 = arith.ori %and3A_743, %or3A_745 : vector<16xi32>
      %bitcast_convert_type3A_747 = tpu.bitcast %or3A_746 : vector<16xi32> -> vector<16xf32>
      %mul3A_748 = arith.constant -0.0548628531 : f32
      %mul3A_749 = vector.broadcast %mul3A_748 : f32 to vector<16xf32>
      %mul3A_750 = arith.mulf %mul3A_749, %bitcast_convert_type3A_747 : vector<16xf32>
      %add3A_751 = arith.constant 0.435861856 : f32
      %add3A_752 = vector.broadcast %add3A_751 : f32 to vector<16xf32>
      %add3A_753 = arith.addf %mul3A_750, %add3A_752 : vector<16xf32>
      %mul3A_754 = arith.mulf %add3A_753, %bitcast_convert_type3A_747 : vector<16xf32>
      %add3A_755 = arith.constant -1.44248104 : f32
      %add3A_756 = vector.broadcast %add3A_755 : f32 to vector<16xf32>
      %add3A_757 = arith.addf %mul3A_754, %add3A_756 : vector<16xf32>
      %mul3A_758 = arith.mulf %add3A_757, %bitcast_convert_type3A_747 : vector<16xf32>
      %add3A_759 = arith.constant 2.79225516 : f32
      %add3A_760 = vector.broadcast %add3A_759 : f32 to vector<16xf32>
      %add3A_761 = arith.addf %mul3A_758, %add3A_760 : vector<16xf32>
      %mul3A_762 = arith.mulf %add3A_761, %bitcast_convert_type3A_747 : vector<16xf32>
      %add3A_763 = arith.constant -89.7603226 : f32
      %add3A_764 = vector.broadcast %add3A_763 : f32 to vector<16xf32>
      %add3A_765 = arith.addf %mul3A_762, %add3A_764 : vector<16xf32>
      %mul3A_766 = arith.constant 0.693147182 : f32
      %mul3A_767 = vector.broadcast %mul3A_766 : f32 to vector<16xf32>
      %mul3A_768 = arith.mulf %convert_element_type3A_740, %mul3A_767 : vector<16xf32>
      %add3A_769 = arith.addf %mul3A_768, %add3A_765 : vector<16xf32>
      %mul3A_770 = arith.mulf %get3A_729, %add3A_769 : vector<16xf32>
      %add3A_771 = arith.addf %add3A_722, %mul3A_770 : vector<16xf32>
      %add3A_772 = arith.addf %add3A_723, %get3A_729 : vector<16xf32>
      %get3A_773 = arith.constant 1 : i32
      %get3A_774 = arith.index_cast %get3A_773 : i32 to index
      %get3A_775 = arith.index_cast %scan3A_187 : i32 to index
      %get3A_776 = arith.constant 192 : index
      %get3A_777 = tpu.vector_load %arg5[%get3A_774, %get3A_775, %get3A_776] {strides = array<i32>} : memref<2x64x256xf32, #tpu.memory_space<vmem>>, vector<1x1x16xf32>,
      %get3A_778 = vector.shape_cast %get3A_777 : vector<1x1x16xf32> to vector<16xf32>
      %get3A_779 = arith.constant 1 : i32
      %get3A_780 = arith.index_cast %get3A_779 : i32 to index
      %get3A_781 = arith.index_cast %scan3A_187 : i32 to index
      %get3A_782 = arith.constant 192 : index
      %get3A_783 = tpu.vector_load %arg6[%get3A_780, %get3A_781, %get3A_782] {strides = array<i32>} : memref<2x64x256xf32, #tpu.memory_space<vmem>>, vector<1x1x16xf32>,
      %get3A_784 = vector.shape_cast %get3A_783 : vector<1x1x16xf32> to vector<16xf32>
      %bitcast_convert_type3A_785 = tpu.bitcast %get3A_784 : vector<16xf32> -> vector<16xi32>
      %shift_right_arithmetic3A_786 = arith.constant 23 : i32
      %shift_right_arithmetic3A_787 = vector.broadcast %shift_right_arithmetic3A_786 : i32 to vector<16xi32>
      %shift_right_arithmetic3A_788 = arith.shrsi %bitcast_convert_type3A_785, %shift_right_arithmetic3A_787 : vector<16xi32>
      %convert_element_type3A_789 = arith.sitofp %shift_right_arithmetic3A_788 : vector<16xi32> to vector<16xf32>
      %and3A_790 = arith.constant 8388607 : i32
      %and3A_791 = vector.broadcast %and3A_790 : i32 to vector<16xi32>
      %and3A_792 = arith.andi %bitcast_convert_type3A_785, %and3A_791 : vector<16xi32>
      %or3A_793 = arith.constant 1065353216 : i32
      %or3A_794 = vector.broadcast %or3A_793 : i32 to vector<16xi32>
      %or3A_795 = arith.ori %and3A_792, %or3A_794 : vector<16xi32>
      %bitcast_convert_type3A_796 = tpu.bitcast %or3A_795 : vector<16xi32> -> vector<16xf32>
      %mul3A_797 = arith.constant -0.0548628531 : f32
      %mul3A_798 = vector.broadcast %mul3A_797 : f32 to vector<16xf32>
      %mul3A_799 = arith.mulf %mul3A_798, %bitcast_convert_type3A_796 : vector<16xf32>
      %add3A_800 = arith.constant 0.435861856 : f32
      %add3A_801 = vector.broadcast %add3A_800 : f32 to vector<16xf32>
      %add3A_802 = arith.addf %mul3A_799, %add3A_801 : vector<16xf32>
      %mul3A_803 = arith.mulf %add3A_802, %bitcast_convert_type3A_796 : vector<16xf32>
      %add3A_804 = arith.constant -1.44248104 : f32
      %add3A_805 = vector.broadcast %add3A_804 : f32 to vector<16xf32>
      %add3A_806 = arith.addf %mul3A_803, %add3A_805 : vector<16xf32>
      %mul3A_807 = arith.mulf %add3A_806, %bitcast_convert_type3A_796 : vector<16xf32>
      %add3A_808 = arith.constant 2.79225516 : f32
      %add3A_809 = vector.broadcast %add3A_808 : f32 to vector<16xf32>
      %add3A_810 = arith.addf %mul3A_807, %add3A_809 : vector<16xf32>
      %mul3A_811 = arith.mulf %add3A_810, %bitcast_convert_type3A_796 : vector<16xf32>
      %add3A_812 = arith.constant -89.7603226 : f32
      %add3A_813 = vector.broadcast %add3A_812 : f32 to vector<16xf32>
      %add3A_814 = arith.addf %mul3A_811, %add3A_813 : vector<16xf32>
      %mul3A_815 = arith.constant 0.693147182 : f32
      %mul3A_816 = vector.broadcast %mul3A_815 : f32 to vector<16xf32>
      %mul3A_817 = arith.mulf %convert_element_type3A_789, %mul3A_816 : vector<16xf32>
      %add3A_818 = arith.addf %mul3A_817, %add3A_814 : vector<16xf32>
      %mul3A_819 = arith.mulf %get3A_778, %add3A_818 : vector<16xf32>
      %add3A_820 = arith.addf %add3A_771, %mul3A_819 : vector<16xf32>
      %add3A_821 = arith.addf %add3A_772, %get3A_778 : vector<16xf32>
      %get3A_822 = arith.constant 1 : i32
      %get3A_823 = arith.index_cast %get3A_822 : i32 to index
      %get3A_824 = arith.index_cast %scan3A_187 : i32 to index
      %get3A_825 = arith.constant 208 : index
      %get3A_826 = tpu.vector_load %arg5[%get3A_823, %get3A_824, %get3A_825] {strides = array<i32>} : memref<2x64x256xf32, #tpu.memory_space<vmem>>, vector<1x1x16xf32>,
      %get3A_827 = vector.shape_cast %get3A_826 : vector<1x1x16xf32> to vector<16xf32>
      %get3A_828 = arith.constant 1 : i32
      %get3A_829 = arith.index_cast %get3A_828 : i32 to index
      %get3A_830 = arith.index_cast %scan3A_187 : i32 to index
      %get3A_831 = arith.constant 208 : index
      %get3A_832 = tpu.vector_load %arg6[%get3A_829, %get3A_830, %get3A_831] {strides = array<i32>} : memref<2x64x256xf32, #tpu.memory_space<vmem>>, vector<1x1x16xf32>,
      %get3A_833 = vector.shape_cast %get3A_832 : vector<1x1x16xf32> to vector<16xf32>
      %bitcast_convert_type3A_834 = tpu.bitcast %get3A_833 : vector<16xf32> -> vector<16xi32>
      %shift_right_arithmetic3A_835 = arith.constant 23 : i32
      %shift_right_arithmetic3A_836 = vector.broadcast %shift_right_arithmetic3A_835 : i32 to vector<16xi32>
      %shift_right_arithmetic3A_837 = arith.shrsi %bitcast_convert_type3A_834, %shift_right_arithmetic3A_836 : vector<16xi32>
      %convert_element_type3A_838 = arith.sitofp %shift_right_arithmetic3A_837 : vector<16xi32> to vector<16xf32>
      %and3A_839 = arith.constant 8388607 : i32
      %and3A_840 = vector.broadcast %and3A_839 : i32 to vector<16xi32>
      %and3A_841 = arith.andi %bitcast_convert_type3A_834, %and3A_840 : vector<16xi32>
      %or3A_842 = arith.constant 1065353216 : i32
      %or3A_843 = vector.broadcast %or3A_842 : i32 to vector<16xi32>
      %or3A_844 = arith.ori %and3A_841, %or3A_843 : vector<16xi32>
      %bitcast_convert_type3A_845 = tpu.bitcast %or3A_844 : vector<16xi32> -> vector<16xf32>
      %mul3A_846 = arith.constant -0.0548628531 : f32
      %mul3A_847 = vector.broadcast %mul3A_846 : f32 to vector<16xf32>
      %mul3A_848 = arith.mulf %mul3A_847, %bitcast_convert_type3A_845 : vector<16xf32>
      %add3A_849 = arith.constant 0.435861856 : f32
      %add3A_850 = vector.broadcast %add3A_849 : f32 to vector<16xf32>
      %add3A_851 = arith.addf %mul3A_848, %add3A_850 : vector<16xf32>
      %mul3A_852 = arith.mulf %add3A_851, %bitcast_convert_type3A_845 : vector<16xf32>
      %add3A_853 = arith.constant -1.44248104 : f32
      %add3A_854 = vector.broadcast %add3A_853 : f32 to vector<16xf32>
      %add3A_855 = arith.addf %mul3A_852, %add3A_854 : vector<16xf32>
      %mul3A_856 = arith.mulf %add3A_855, %bitcast_convert_type3A_845 : vector<16xf32>
      %add3A_857 = arith.constant 2.79225516 : f32
      %add3A_858 = vector.broadcast %add3A_857 : f32 to vector<16xf32>
      %add3A_859 = arith.addf %mul3A_856, %add3A_858 : vector<16xf32>
      %mul3A_860 = arith.mulf %add3A_859, %bitcast_convert_type3A_845 : vector<16xf32>
      %add3A_861 = arith.constant -89.7603226 : f32
      %add3A_862 = vector.broadcast %add3A_861 : f32 to vector<16xf32>
      %add3A_863 = arith.addf %mul3A_860, %add3A_862 : vector<16xf32>
      %mul3A_864 = arith.constant 0.693147182 : f32
      %mul3A_865 = vector.broadcast %mul3A_864 : f32 to vector<16xf32>
      %mul3A_866 = arith.mulf %convert_element_type3A_838, %mul3A_865 : vector<16xf32>
      %add3A_867 = arith.addf %mul3A_866, %add3A_863 : vector<16xf32>
      %mul3A_868 = arith.mulf %get3A_827, %add3A_867 : vector<16xf32>
      %add3A_869 = arith.addf %add3A_820, %mul3A_868 : vector<16xf32>
      %add3A_870 = arith.addf %add3A_821, %get3A_827 : vector<16xf32>
      %get3A_871 = arith.constant 1 : i32
      %get3A_872 = arith.index_cast %get3A_871 : i32 to index
      %get3A_873 = arith.index_cast %scan3A_187 : i32 to index
      %get3A_874 = arith.constant 224 : index
      %get3A_875 = tpu.vector_load %arg5[%get3A_872, %get3A_873, %get3A_874] {strides = array<i32>} : memref<2x64x256xf32, #tpu.memory_space<vmem>>, vector<1x1x16xf32>,
      %get3A_876 = vector.shape_cast %get3A_875 : vector<1x1x16xf32> to vector<16xf32>
      %get3A_877 = arith.constant 1 : i32
      %get3A_878 = arith.index_cast %get3A_877 : i32 to index
      %get3A_879 = arith.index_cast %scan3A_187 : i32 to index
      %get3A_880 = arith.constant 224 : index
      %get3A_881 = tpu.vector_load %arg6[%get3A_878, %get3A_879, %get3A_880] {strides = array<i32>} : memref<2x64x256xf32, #tpu.memory_space<vmem>>, vector<1x1x16xf32>,
      %get3A_882 = vector.shape_cast %get3A_881 : vector<1x1x16xf32> to vector<16xf32>
      %bitcast_convert_type3A_883 = tpu.bitcast %get3A_882 : vector<16xf32> -> vector<16xi32>
      %shift_right_arithmetic3A_884 = arith.constant 23 : i32
      %shift_right_arithmetic3A_885 = vector.broadcast %shift_right_arithmetic3A_884 : i32 to vector<16xi32>
      %shift_right_arithmetic3A_886 = arith.shrsi %bitcast_convert_type3A_883, %shift_right_arithmetic3A_885 : vector<16xi32>
      %convert_element_type3A_887 = arith.sitofp %shift_right_arithmetic3A_886 : vector<16xi32> to vector<16xf32>
      %and3A_888 = arith.constant 8388607 : i32
      %and3A_889 = vector.broadcast %and3A_888 : i32 to vector<16xi32>
      %and3A_890 = arith.andi %bitcast_convert_type3A_883, %and3A_889 : vector<16xi32>
      %or3A_891 = arith.constant 1065353216 : i32
      %or3A_892 = vector.broadcast %or3A_891 : i32 to vector<16xi32>
      %or3A_893 = arith.ori %and3A_890, %or3A_892 : vector<16xi32>
      %bitcast_convert_type3A_894 = tpu.bitcast %or3A_893 : vector<16xi32> -> vector<16xf32>
      %mul3A_895 = arith.constant -0.0548628531 : f32
      %mul3A_896 = vector.broadcast %mul3A_895 : f32 to vector<16xf32>
      %mul3A_897 = arith.mulf %mul3A_896, %bitcast_convert_type3A_894 : vector<16xf32>
      %add3A_898 = arith.constant 0.435861856 : f32
      %add3A_899 = vector.broadcast %add3A_898 : f32 to vector<16xf32>
      %add3A_900 = arith.addf %mul3A_897, %add3A_899 : vector<16xf32>
      %mul3A_901 = arith.mulf %add3A_900, %bitcast_convert_type3A_894 : vector<16xf32>
      %add3A_902 = arith.constant -1.44248104 : f32
      %add3A_903 = vector.broadcast %add3A_902 : f32 to vector<16xf32>
      %add3A_904 = arith.addf %mul3A_901, %add3A_903 : vector<16xf32>
      %mul3A_905 = arith.mulf %add3A_904, %bitcast_convert_type3A_894 : vector<16xf32>
      %add3A_906 = arith.constant 2.79225516 : f32
      %add3A_907 = vector.broadcast %add3A_906 : f32 to vector<16xf32>
      %add3A_908 = arith.addf %mul3A_905, %add3A_907 : vector<16xf32>
      %mul3A_909 = arith.mulf %add3A_908, %bitcast_convert_type3A_894 : vector<16xf32>
      %add3A_910 = arith.constant -89.7603226 : f32
      %add3A_911 = vector.broadcast %add3A_910 : f32 to vector<16xf32>
      %add3A_912 = arith.addf %mul3A_909, %add3A_911 : vector<16xf32>
      %mul3A_913 = arith.constant 0.693147182 : f32
      %mul3A_914 = vector.broadcast %mul3A_913 : f32 to vector<16xf32>
      %mul3A_915 = arith.mulf %convert_element_type3A_887, %mul3A_914 : vector<16xf32>
      %add3A_916 = arith.addf %mul3A_915, %add3A_912 : vector<16xf32>
      %mul3A_917 = arith.mulf %get3A_876, %add3A_916 : vector<16xf32>
      %add3A_918 = arith.addf %add3A_869, %mul3A_917 : vector<16xf32>
      %add3A_919 = arith.addf %add3A_870, %get3A_876 : vector<16xf32>
      %get3A_920 = arith.constant 1 : i32
      %get3A_921 = arith.index_cast %get3A_920 : i32 to index
      %get3A_922 = arith.index_cast %scan3A_187 : i32 to index
      %get3A_923 = arith.constant 240 : index
      %get3A_924 = tpu.vector_load %arg5[%get3A_921, %get3A_922, %get3A_923] {strides = array<i32>} : memref<2x64x256xf32, #tpu.memory_space<vmem>>, vector<1x1x16xf32>,
      %get3A_925 = vector.shape_cast %get3A_924 : vector<1x1x16xf32> to vector<16xf32>
      %get3A_926 = arith.constant 1 : i32
      %get3A_927 = arith.index_cast %get3A_926 : i32 to index
      %get3A_928 = arith.index_cast %scan3A_187 : i32 to index
      %get3A_929 = arith.constant 240 : index
      %get3A_930 = tpu.vector_load %arg6[%get3A_927, %get3A_928, %get3A_929] {strides = array<i32>} : memref<2x64x256xf32, #tpu.memory_space<vmem>>, vector<1x1x16xf32>,
      %get3A_931 = vector.shape_cast %get3A_930 : vector<1x1x16xf32> to vector<16xf32>
      %bitcast_convert_type3A_932 = tpu.bitcast %get3A_931 : vector<16xf32> -> vector<16xi32>
      %shift_right_arithmetic3A_933 = arith.constant 23 : i32
      %shift_right_arithmetic3A_934 = vector.broadcast %shift_right_arithmetic3A_933 : i32 to vector<16xi32>
      %shift_right_arithmetic3A_935 = arith.shrsi %bitcast_convert_type3A_932, %shift_right_arithmetic3A_934 : vector<16xi32>
      %convert_element_type3A_936 = arith.sitofp %shift_right_arithmetic3A_935 : vector<16xi32> to vector<16xf32>
      %and3A_937 = arith.constant 8388607 : i32
      %and3A_938 = vector.broadcast %and3A_937 : i32 to vector<16xi32>
      %and3A_939 = arith.andi %bitcast_convert_type3A_932, %and3A_938 : vector<16xi32>
      %or3A_940 = arith.constant 1065353216 : i32
      %or3A_941 = vector.broadcast %or3A_940 : i32 to vector<16xi32>
      %or3A_942 = arith.ori %and3A_939, %or3A_941 : vector<16xi32>
      %bitcast_convert_type3A_943 = tpu.bitcast %or3A_942 : vector<16xi32> -> vector<16xf32>
      %mul3A_944 = arith.constant -0.0548628531 : f32
      %mul3A_945 = vector.broadcast %mul3A_944 : f32 to vector<16xf32>
      %mul3A_946 = arith.mulf %mul3A_945, %bitcast_convert_type3A_943 : vector<16xf32>
      %add3A_947 = arith.constant 0.435861856 : f32
      %add3A_948 = vector.broadcast %add3A_947 : f32 to vector<16xf32>
      %add3A_949 = arith.addf %mul3A_946, %add3A_948 : vector<16xf32>
      %mul3A_950 = arith.mulf %add3A_949, %bitcast_convert_type3A_943 : vector<16xf32>
      %add3A_951 = arith.constant -1.44248104 : f32
      %add3A_952 = vector.broadcast %add3A_951 : f32 to vector<16xf32>
      %add3A_953 = arith.addf %mul3A_950, %add3A_952 : vector<16xf32>
      %mul3A_954 = arith.mulf %add3A_953, %bitcast_convert_type3A_943 : vector<16xf32>
      %add3A_955 = arith.constant 2.79225516 : f32
      %add3A_956 = vector.broadcast %add3A_955 : f32 to vector<16xf32>
      %add3A_957 = arith.addf %mul3A_954, %add3A_956 : vector<16xf32>
      %mul3A_958 = arith.mulf %add3A_957, %bitcast_convert_type3A_943 : vector<16xf32>
      %add3A_959 = arith.constant -89.7603226 : f32
      %add3A_960 = vector.broadcast %add3A_959 : f32 to vector<16xf32>
      %add3A_961 = arith.addf %mul3A_958, %add3A_960 : vector<16xf32>
      %mul3A_962 = arith.constant 0.693147182 : f32
      %mul3A_963 = vector.broadcast %mul3A_962 : f32 to vector<16xf32>
      %mul3A_964 = arith.mulf %convert_element_type3A_936, %mul3A_963 : vector<16xf32>
      %add3A_965 = arith.addf %mul3A_964, %add3A_961 : vector<16xf32>
      %mul3A_966 = arith.mulf %get3A_925, %add3A_965 : vector<16xf32>
      %add3A_967 = arith.addf %add3A_918, %mul3A_966 : vector<16xf32>
      %add3A_968 = arith.addf %add3A_919, %get3A_925 : vector<16xf32>
      scf.yield %add3A_967, %add3A_968 : vector<16xf32>, vector<16xf32>
    }
    %scan3A_139 = arith.constant 64 : i32
    %lt3A_140 = arith.constant 0 : i32
    %lt3A_141 = arith.cmpi slt, %scan3A, %lt3A_140 : i32
    %convert_element_type3A_142 = arith.extui %lt3A_141 : i1 to i32
    %cond3A_143 = arith.constant 0 : i32
    %cond3A_144 = arith.cmpi ne, %convert_element_type3A_142, %cond3A_143 : i32
    scf.if %cond3A_144 {
      %add3A_187 = arith.constant 2 : i32
      %add3A_188 = arith.addi %add3A_104, %add3A_187 : i32
      %mul3A_189 = arith.constant 64 : i32
      %mul3A_190 = arith.muli %add3A_188, %mul3A_189 : i32
      %add3A_191 = arith.addi %add3A_4, %mul3A_190 : i32
      %dma_start3A_192 = arith.constant 1 : i32
      %dma_start3A_193 = arith.constant 0 : i32
      %dma_start3A_194 = arith.constant 0 : i32
      %dma_start3A_195 = tpu.memref_slice %arg5[%dma_start3A_192, %dma_start3A_193, %dma_start3A_194] : memref<2x64x256xf32, #tpu.memory_space<vmem>> -> memref<1x64x256xf32, #tpu.memory_space<vmem>>
      %dma_start3A_196 = tpu.memref_squeeze %dma_start3A_195 : memref<1x64x256xf32, #tpu.memory_space<vmem>> -> memref<64x256xf32, #tpu.memory_space<vmem>>
      %dma_start3A_197 = arith.constant 0 : i32
      %dma_start3A_198 = tpu.memref_slice %arg2[%add3A_191, %dma_start3A_197] : memref<32768x256xf32, #tpu.memory_space<hbm>> -> memref<64x256xf32, #tpu.memory_space<hbm>>
      %dma_start3A_199 = arith.constant 0 : i32
      %dma_start3A_200 = arith.constant 0 : i32
      %dma_start3A_201 = tpu.memref_slice %arg5[%dma_start3A_192, %dma_start3A_199, %dma_start3A_200] : memref<2x64x256xf32, #tpu.memory_space<vmem>> -> memref<1x64x256xf32, #tpu.memory_space<vmem>>
      %dma_start3A_202 = tpu.memref_squeeze %dma_start3A_201 : memref<1x64x256xf32, #tpu.memory_space<vmem>> -> memref<64x256xf32, #tpu.memory_space<vmem>>
      %dma_start3A_203 = arith.constant 0 : i32
      %dma_start3A_204 = tpu.memref_slice %arg2[%add3A_191, %dma_start3A_203] : memref<32768x256xf32, #tpu.memory_space<hbm>> -> memref<64x256xf32, #tpu.memory_space<hbm>>
      tpu.enqueue_dma source(%dma_start3A_204 : memref<64x256xf32, #tpu.memory_space<hbm>>) target(%dma_start3A_202 : memref<64x256xf32, #tpu.memory_space<vmem>>) target_semaphore(%arg10 : memref<!tpu.dma_semaphore, #tpu.memory_space<semaphore_mem>>)
      %dma_start3A_205 = arith.constant 1 : i32
      %dma_start3A_206 = arith.constant 0 : i32
      %dma_start3A_207 = arith.constant 0 : i32
      %dma_start3A_208 = tpu.memref_slice %arg6[%dma_start3A_205, %dma_start3A_206, %dma_start3A_207] : memref<2x64x256xf32, #tpu.memory_space<vmem>> -> memref<1x64x256xf32, #tpu.memory_space<vmem>>
      %dma_start3A_209 = tpu.memref_squeeze %dma_start3A_208 : memref<1x64x256xf32, #tpu.memory_space<vmem>> -> memref<64x256xf32, #tpu.memory_space<vmem>>
      %dma_start3A_210 = arith.constant 0 : i32
      %dma_start3A_211 = tpu.memref_slice %arg3[%add3A_191, %dma_start3A_210] : memref<32768x256xf32, #tpu.memory_space<hbm>> -> memref<64x256xf32, #tpu.memory_space<hbm>>
      %dma_start3A_212 = arith.constant 0 : i32
      %dma_start3A_213 = arith.constant 0 : i32
      %dma_start3A_214 = tpu.memref_slice %arg6[%dma_start3A_205, %dma_start3A_212, %dma_start3A_213] : memref<2x64x256xf32, #tpu.memory_space<vmem>> -> memref<1x64x256xf32, #tpu.memory_space<vmem>>
      %dma_start3A_215 = tpu.memref_squeeze %dma_start3A_214 : memref<1x64x256xf32, #tpu.memory_space<vmem>> -> memref<64x256xf32, #tpu.memory_space<vmem>>
      %dma_start3A_216 = arith.constant 0 : i32
      %dma_start3A_217 = tpu.memref_slice %arg3[%add3A_191, %dma_start3A_216] : memref<32768x256xf32, #tpu.memory_space<hbm>> -> memref<64x256xf32, #tpu.memory_space<hbm>>
      tpu.enqueue_dma source(%dma_start3A_217 : memref<64x256xf32, #tpu.memory_space<hbm>>) target(%dma_start3A_215 : memref<64x256xf32, #tpu.memory_space<vmem>>) target_semaphore(%arg11 : memref<!tpu.dma_semaphore, #tpu.memory_space<semaphore_mem>>)
    } else {
    }
    %scan3A_145 = arith.constant 1 : i32
    %swap3A = arith.constant 0 : index
    %swap3A_146 = tpu.vector_load %arg7[%swap3A] {strides = array<i32>} : memref<128xf32, #tpu.memory_space<vmem>>, vector<16xf32>,
    %swap3A_147 = vector.shape_cast %swap3A_146 : vector<16xf32> to vector<16xf32>
    %swap3A_148 = vector.shape_cast %broadcast_in_dim3A_60 : vector<16xf32> to vector<16xf32>
    tpu.vector_store %arg7[%swap3A], %swap3A_148 {strides = array<i32>} : memref<128xf32, #tpu.memory_space<vmem>>, vector<16xf32>,
    %swap3A_149 = arith.constant 16 : index
    %swap3A_150 = tpu.vector_load %arg7[%swap3A_149] {strides = array<i32>} : memref<128xf32, #tpu.memory_space<vmem>>, vector<16xf32>,
    %swap3A_151 = vector.shape_cast %swap3A_150 : vector<16xf32> to vector<16xf32>
    %swap3A_152 = vector.shape_cast %broadcast_in_dim3A_60 : vector<16xf32> to vector<16xf32>
    tpu.vector_store %arg7[%swap3A_149], %swap3A_152 {strides = array<i32>} : memref<128xf32, #tpu.memory_space<vmem>>, vector<16xf32>,
    %swap3A_153 = arith.constant 32 : index
    %swap3A_154 = tpu.vector_load %arg7[%swap3A_153] {strides = array<i32>} : memref<128xf32, #tpu.memory_space<vmem>>, vector<16xf32>,
    %swap3A_155 = vector.shape_cast %swap3A_154 : vector<16xf32> to vector<16xf32>
    %swap3A_156 = vector.shape_cast %broadcast_in_dim3A_60 : vector<16xf32> to vector<16xf32>
    tpu.vector_store %arg7[%swap3A_153], %swap3A_156 {strides = array<i32>} : memref<128xf32, #tpu.memory_space<vmem>>, vector<16xf32>,
    %swap3A_157 = arith.constant 48 : index
    %swap3A_158 = tpu.vector_load %arg7[%swap3A_157] {strides = array<i32>} : memref<128xf32, #tpu.memory_space<vmem>>, vector<16xf32>,
    %swap3A_159 = vector.shape_cast %swap3A_158 : vector<16xf32> to vector<16xf32>
    %swap3A_160 = vector.shape_cast %broadcast_in_dim3A_60 : vector<16xf32> to vector<16xf32>
    tpu.vector_store %arg7[%swap3A_157], %swap3A_160 {strides = array<i32>} : memref<128xf32, #tpu.memory_space<vmem>>, vector<16xf32>,
    %swap3A_161 = arith.constant 64 : index
    %swap3A_162 = tpu.vector_load %arg7[%swap3A_161] {strides = array<i32>} : memref<128xf32, #tpu.memory_space<vmem>>, vector<16xf32>,
    %swap3A_163 = vector.shape_cast %swap3A_162 : vector<16xf32> to vector<16xf32>
    %swap3A_164 = vector.shape_cast %broadcast_in_dim3A_60 : vector<16xf32> to vector<16xf32>
    tpu.vector_store %arg7[%swap3A_161], %swap3A_164 {strides = array<i32>} : memref<128xf32, #tpu.memory_space<vmem>>, vector<16xf32>,
    %swap3A_165 = arith.constant 80 : index
    %swap3A_166 = tpu.vector_load %arg7[%swap3A_165] {strides = array<i32>} : memref<128xf32, #tpu.memory_space<vmem>>, vector<16xf32>,
    %swap3A_167 = vector.shape_cast %swap3A_166 : vector<16xf32> to vector<16xf32>
    %swap3A_168 = vector.shape_cast %broadcast_in_dim3A_60 : vector<16xf32> to vector<16xf32>
    tpu.vector_store %arg7[%swap3A_165], %swap3A_168 {strides = array<i32>} : memref<128xf32, #tpu.memory_space<vmem>>, vector<16xf32>,
    %swap3A_169 = arith.constant 96 : index
    %swap3A_170 = tpu.vector_load %arg7[%swap3A_169] {strides = array<i32>} : memref<128xf32, #tpu.memory_space<vmem>>, vector<16xf32>,
    %swap3A_171 = vector.shape_cast %swap3A_170 : vector<16xf32> to vector<16xf32>
    %swap3A_172 = vector.shape_cast %broadcast_in_dim3A_60 : vector<16xf32> to vector<16xf32>
    tpu.vector_store %arg7[%swap3A_169], %swap3A_172 {strides = array<i32>} : memref<128xf32, #tpu.memory_space<vmem>>, vector<16xf32>,
    %swap3A_173 = arith.constant 112 : index
    %swap3A_174 = tpu.vector_load %arg7[%swap3A_173] {strides = array<i32>} : memref<128xf32, #tpu.memory_space<vmem>>, vector<16xf32>,
    %swap3A_175 = vector.shape_cast %swap3A_174 : vector<16xf32> to vector<16xf32>
    %swap3A_176 = vector.shape_cast %broadcast_in_dim3A_60 : vector<16xf32> to vector<16xf32>
    tpu.vector_store %arg7[%swap3A_173], %swap3A_176 {strides = array<i32>} : memref<128xf32, #tpu.memory_space<vmem>>, vector<16xf32>,
    %swap3A_177 = arith.constant 0 : index
    %swap3A_178 = tpu.vector_load %arg7[%swap3A_177] {strides = array<i32>} : memref<128xf32, #tpu.memory_space<vmem>>, vector<16xf32>,
    %swap3A_179 = vector.shape_cast %swap3A_178 : vector<16xf32> to vector<16xf32>
    %swap3A_180 = vector.shape_cast %scan3A_138#0 : vector<16xf32> to vector<16xf32>
    tpu.vector_store %arg7[%swap3A_177], %swap3A_180 {strides = array<i32>} : memref<128xf32, #tpu.memory_space<vmem>>, vector<16xf32>,
    %swap3A_181 = arith.constant 16 : index
    %swap3A_182 = tpu.vector_load %arg7[%swap3A_181] {strides = array<i32>} : memref<128xf32, #tpu.memory_space<vmem>>, vector<16xf32>,
    %swap3A_183 = vector.shape_cast %swap3A_182 : vector<16xf32> to vector<16xf32>
    %swap3A_184 = vector.shape_cast %scan3A_138#1 : vector<16xf32> to vector<16xf32>
    tpu.vector_store %arg7[%swap3A_181], %swap3A_184 {strides = array<i32>} : memref<128xf32, #tpu.memory_space<vmem>>, vector<16xf32>,
    %mul3A_185 = arith.constant 128 : i32
    %mul3A_186 = arith.muli %add3A, %mul3A_185 : i32
    "tpu.region"() ({
      %run_scoped3A = tpu.sem_alloc : memref<!tpu.dma_semaphore, #tpu.memory_space<semaphore_mem>>
      %dma_start3A_187 = tpu.memref_slice %arg4[%mul3A_186] : memref<4096xf32, #tpu.memory_space<hbm>> -> memref<128xf32, #tpu.memory_space<hbm>>
      %dma_start3A_188 = tpu.memref_slice %arg4[%mul3A_186] : memref<4096xf32, #tpu.memory_space<hbm>> -> memref<128xf32, #tpu.memory_space<hbm>>
      tpu.enqueue_dma source(%arg7 : memref<128xf32, #tpu.memory_space<vmem>>) target(%dma_start3A_188 : memref<128xf32, #tpu.memory_space<hbm>>) target_semaphore(%run_scoped3A : memref<!tpu.dma_semaphore, #tpu.memory_space<semaphore_mem>>)
      %dma_wait3A_189 = tpu.memref_slice %arg4[%mul3A_186] : memref<4096xf32, #tpu.memory_space<hbm>> -> memref<128xf32, #tpu.memory_space<hbm>>
      %dma_wait3A_190 = tpu.memref_slice %arg4[%mul3A_186] : memref<4096xf32, #tpu.memory_space<hbm>> -> memref<128xf32, #tpu.memory_space<hbm>>
      tpu.wait_dma2 semaphore(%run_scoped3A : memref<!tpu.dma_semaphore, #tpu.memory_space<semaphore_mem>>) src(%arg7 : memref<128xf32, #tpu.memory_space<vmem>>) dst(%dma_wait3A_190 : memref<128xf32, #tpu.memory_space<hbm>>)
      tpu.yield
    }) : () -> ()
    return
  }
}

module attributes {stable_mosaic.version = 14 : i64} {
  func.func @_tc_loss_body(%arg0: i32, %arg1: memref<4096x256xf32, #tpu.memory_space<vmem>>, %arg2: memref<4096x256xf32, #tpu.memory_space<vmem>>, %arg3: memref<1x1xf32, #tpu.memory_space<vmem>>, %arg4: memref<1x1xf32, #tpu.memory_space<vmem>>) attributes {dimension_semantics = [#tpu.dimension_semantics<arbitrary>], iteration_bounds = array<i64: 7>, scalar_prefetch = 0 : i64, scratch_operands = 0 : i64, tpu.core_type = #tpu.core_type<tc>, window_params = [{transform_indices = @transform_0, window_bounds = array<i64: 4096, 256>}, {transform_indices = @transform_1, window_bounds = array<i64: 4096, 256>}, {pipeline_mode = #tpu.pipeline_mode<synchronous>, transform_indices = @transform_2, window_bounds = array<i64: 1, 1>}, {pipeline_mode = #tpu.pipeline_mode<synchronous>, transform_indices = @transform_3, window_bounds = array<i64: 1, 1>}]} {
    %eq3A = arith.constant 0 : i32
    %eq3A_0 = arith.cmpi eq, %arg0, %eq3A : i32
    %convert_element_type3A = arith.extui %eq3A_0 : i1 to i32
    %cond3A = arith.constant 0 : i32
    %cond3A_1 = arith.cmpi ne, %convert_element_type3A, %cond3A : i32
    scf.if %cond3A_1 {
      %broadcast_in_dim3A = arith.constant 0.000000e+00 : f32
      %broadcast_in_dim3A_29 = vector.broadcast %broadcast_in_dim3A : f32 to vector<1x1xf32>
      %swap3A_30 = arith.constant 0 : index
      %swap3A_31 = arith.constant 0 : index
      %swap3A_32 = vector.load %arg3[%swap3A_30, %swap3A_31] : memref<1x1xf32, #tpu.memory_space<vmem>>, vector<1x1xf32>
      tpu.vector_store %arg3[%swap3A_30, %swap3A_31], %broadcast_in_dim3A_29 {strides = array<i32>} : memref<1x1xf32, #tpu.memory_space<vmem>>, vector<1x1xf32>,
      %broadcast_in_dim3A_33 = arith.constant 0.000000e+00 : f32
      %broadcast_in_dim3A_34 = vector.broadcast %broadcast_in_dim3A_33 : f32 to vector<1x1xf32>
      %swap3A_35 = arith.constant 0 : index
      %swap3A_36 = arith.constant 0 : index
      %swap3A_37 = vector.load %arg4[%swap3A_35, %swap3A_36] : memref<1x1xf32, #tpu.memory_space<vmem>>, vector<1x1xf32>
      tpu.vector_store %arg4[%swap3A_35, %swap3A_36], %broadcast_in_dim3A_34 {strides = array<i32>} : memref<1x1xf32, #tpu.memory_space<vmem>>, vector<1x1xf32>,
    } else {
    }
    %get3A = arith.constant 0 : index
    %get3A_2 = arith.constant 0 : index
    %get3A_3 = vector.load %arg1[%get3A, %get3A_2] : memref<4096x256xf32, #tpu.memory_space<vmem>>, vector<4096x256xf32>
    %get3A_4 = arith.constant 0 : index
    %get3A_5 = arith.constant 0 : index
    %get3A_6 = vector.load %arg2[%get3A_4, %get3A_5] : memref<4096x256xf32, #tpu.memory_space<vmem>>, vector<4096x256xf32>
    %get3A_7 = arith.constant 0 : index
    %get3A_8 = arith.constant 0 : index
    %get3A_9 = vector.load %arg3[%get3A_7, %get3A_8] : memref<1x1xf32, #tpu.memory_space<vmem>>, vector<1x1xf32>
    %log3A = math.log %get3A_6 : vector<4096x256xf32>
    %mul3A = arith.mulf %get3A_3, %log3A : vector<4096x256xf32>
    %reduce_sum3A = vector.shape_cast %mul3A : vector<4096x256xf32> to vector<1x4096x256xf32>
    %reduce_sum3A_10 = arith.constant dense<0.000000e+00> : vector<1xf32>
    %reduce_sum3A_11 = vector.multi_reduction <add>, %reduce_sum3A, %reduce_sum3A_10 [1, 2] : vector<1x4096x256xf32> to vector<1xf32>
    %reduce_sum3A_12 = vector.shape_cast %reduce_sum3A_11 : vector<1xf32> to vector<1x1x1xf32>
    %reduce_sum3A_13 = vector.extract %reduce_sum3A_12[0, 0, 0] : f32 from vector<1x1x1xf32>
    %reshape3A = vector.broadcast %reduce_sum3A_13 : f32 to vector<1x1xf32>
    %add3A = arith.addf %get3A_9, %reshape3A : vector<1x1xf32>
    %swap3A = arith.constant 0 : index
    %swap3A_14 = arith.constant 0 : index
    %swap3A_15 = vector.load %arg3[%swap3A, %swap3A_14] : memref<1x1xf32, #tpu.memory_space<vmem>>, vector<1x1xf32>
    tpu.vector_store %arg3[%swap3A, %swap3A_14], %add3A {strides = array<i32>} : memref<1x1xf32, #tpu.memory_space<vmem>>, vector<1x1xf32>,
    %get3A_16 = arith.constant 0 : index
    %get3A_17 = arith.constant 0 : index
    %get3A_18 = vector.load %arg4[%get3A_16, %get3A_17] : memref<1x1xf32, #tpu.memory_space<vmem>>, vector<1x1xf32>
    %reduce_sum3A_19 = vector.shape_cast %get3A_3 : vector<4096x256xf32> to vector<1x4096x256xf32>
    %reduce_sum3A_20 = arith.constant dense<0.000000e+00> : vector<1xf32>
    %reduce_sum3A_21 = vector.multi_reduction <add>, %reduce_sum3A_19, %reduce_sum3A_20 [1, 2] : vector<1x4096x256xf32> to vector<1xf32>
    %reduce_sum3A_22 = vector.shape_cast %reduce_sum3A_21 : vector<1xf32> to vector<1x1x1xf32>
    %reduce_sum3A_23 = vector.extract %reduce_sum3A_22[0, 0, 0] : f32 from vector<1x1x1xf32>
    %reshape3A_24 = vector.broadcast %reduce_sum3A_23 : f32 to vector<1x1xf32>
    %add3A_25 = arith.addf %get3A_18, %reshape3A_24 : vector<1x1xf32>
    %swap3A_26 = arith.constant 0 : index
    %swap3A_27 = arith.constant 0 : index
    %swap3A_28 = vector.load %arg4[%swap3A_26, %swap3A_27] : memref<1x1xf32, #tpu.memory_space<vmem>>, vector<1x1xf32>
    tpu.vector_store %arg4[%swap3A_26, %swap3A_27], %add3A_25 {strides = array<i32>} : memref<1x1xf32, #tpu.memory_space<vmem>>, vector<1x1xf32>,
    return
  }
  func.func @transform_0(%arg0: i32) -> (i32, i32) {
    %c0_i32 = arith.constant 0 : i32
    %c0_i32_0 = arith.constant 0 : i32
    return %arg0, %c0_i32 : i32, i32
  }
  func.func @transform_1(%arg0: i32) -> (i32, i32) {
    %c0_i32 = arith.constant 0 : i32
    %c0_i32_0 = arith.constant 0 : i32
    return %arg0, %c0_i32 : i32, i32
  }
  func.func @transform_2(%arg0: i32) -> (i32, i32) {
    %c0_i32 = arith.constant 0 : i32
    %c0_i32_0 = arith.constant 0 : i32
    %c0_i32_1 = arith.constant 0 : i32
    return %c0_i32, %c0_i32_0 : i32, i32
  }
  func.func @transform_3(%arg0: i32) -> (i32, i32) {
    %c0_i32 = arith.constant 0 : i32
    %c0_i32_0 = arith.constant 0 : i32
    %c0_i32_1 = arith.constant 0 : i32
    return %c0_i32, %c0_i32_0 : i32, i32
  }
}

</mosaic_0001>

<sc_bundles>
// kernel: kernel.4.cloned.1.call-start
scs
__scs_entry_jumppad:
0x0: {  	(pc) =	sbr.rel $0x88, $3  }
0x1: {  	(tag) =	ssettag $0x0;
	lr =	simm.s32 $0x1  }
0x2: {  	[smem:$0x3F9F] =	sst lr;
	_ =	strace $0xD0000000  }
0x3: {  	_ = 	snop  }
0x4: {  	_ = 	snop  }
0x5: {  	_ = 	snop  }
0x6: {  	_ = 	snop  }
0x7: {  	_ = 	snop  }
__scs_overlays_trampoline_lowered:
0x8: {  	[smem:$0x3FAE] =	sst s0  }
0x9: {  	[smem:$0x3FAF] =	sst s1  }
0xa: {  	[smem:$0x3FB0] =	sst s2  }
0xb: {  	[smem:$0x3FB1] =	sst s3  }
0xc: {  	[smem:$0x3FB2] =	sst s4  }
0xd: {  	[smem:$0x3FB3] =	sst s5  }
0xe: {  	[smem:$0x3FB4] =	sst s6  }
0xf: {  	[smem:$0x3FB5] =	sst s7  }
0x10: {  	[smem:$0x3FB6] =	sst s8  }
0x11: {  	[smem:$0x3FB7] =	sst s9;
	s0 =	simm.s32 @!p0 $0x0  }
0x12: {  	s1 =	sld [smem:$0x3F9D];
	s0 =	simm.s32 @p0 $0x1  }
0x13: {  	[smem:$0x3FB8] =	sst s0;
	s0 =	simm.s32 @!p1 $0x0  }
0x14: {  	s2 =	sld [smem:$0x3F9C];
	s0 =	simm.s32 @p1 $0x1  }
0x15: {  	[smem:$0x3FB9] =	sst s0;
	s0 =	simm.s32 @!p2 $0x0  }
0x16: {  	s3 =	sld [smem:$0x3FDB];
	s0 =	simm.s32 @p2 $0x1  }
0x17: {  	s4 =	simm.s32 $0x1BF5;
	[smem:$0x3FBB] =	sst s0  }
0x18: {  	s0 =	sld [smem:$0x3F9E];
	_ =	swait.ge [sflag:s4], $0x0  }
0x19: {  	s7 =	sld [smem:$0x3F9F]  }
0x1a: {  	s8 =	sadd.s32 $0xFFFFE003, lr  }
0x1b: {  	s9 =	sadd.s32 $0xFFFFFEF7, lr;
	s5 =	simm.s32 $0xFFFFFFFF;
	p2 =	slt.u32 s8, $0xFFFFF086  }
0x1c: {  	p1 =	slt.u32 s9, $0xF7A;
	s5 =	simm.s32 @!p2 $0x0  }
0x1d: {  	s5 =	simm.s32 @p1 $0x1;
	p0 =	seq.s32 s7, s2  }
0x1e: {  	s7 =	smul.u32 @!p0 $0xF7A, s2;
	p2 =	seq.s32 @!p0 s5, $0x0  }
0x1f: {  	s9 =	smul.u32 $0xF7A, s1;
	s8 =	simm.s32 @!p0 $0x1BF5;
	p2 =	por !p2, p0  }
0x20: {  	[sflag:s8] =	ssyncset.s32 @!p0 $0xFFFFF086;
	s6 =	sadd.s32 @!p0 s3, s7;
	s7 =	simm.s32 @!p0 $0x108  }
0x21: {  	s3 =	sadd.s32 s3, s9;
	s6 =	sadd.s32 @!p0 $0x88, s6;
	s7 =	simm.s32 @p2 $0x1082  }
0x22: {  	[simem:s7], [sflag:s8] =	dma.local @!p0 [hbm:s6], $0xF7A  }
0x23: {  	s9 =	sor.u32 $0xD0000000, s2;
	s6 =	simm.s32 $0x108;
	_ =	swait.ge @!p0 [sflag:s8], $0x0  }
0x24: {  	s3 =	sadd.s32 $0x88, s3;
	s6 =	simm.s32 @!p1 $0x1082;
	[sflag:s4] =	ssyncset.s32 $0xFFFFF086  }
0x25: {  	[simem:s6], [sflag:s4] =	dma.local [hbm:s3], $0xF7A  }
0x26: {  	[smem:$0x3F9F] =	sst s1;
	(tag) =	ssettag s2;
	_ =	strace s9  }
0x27: {  	s1 =	sld [smem:$0x3FAF]  }
0x28: {  	s2 =	sld [smem:$0x3FB0]  }
0x29: {  	s4 =	sld [smem:$0x3FB2]  }
0x2a: {  	p0 =	seq.s32 s5, $0x0;
	s5 =	sld [smem:$0x3FB3]  }
0x2b: {  	s6 =	sld [smem:$0x3FB4]  }
0x2c: {  	s7 =	sld [smem:$0x3FB5]  }
0x2d: {  	s3 =	simm.s32 $0x108;
	s8 =	sld [smem:$0x3FB6]  }
0x2e: {  	s3 =	simm.s32 @!p0 $0x1082;
	s9 =	sld [smem:$0x3FB7]  }
0x2f: {  	lr =	sadd.s32 s0, s3;
	s0 =	sld [smem:$0x3FAE]  }
0x30: {  	s3 =	sld [smem:$0x3FB1]  }
0x31: {  	[smem:$0x3FBA] =	sst s10  }
0x32: {  	s10 =	sld [smem:$0x3FB8];
	_ =	sdelay $0x3  }
0x33: {  	p0 =	seq.s32 s10, $0x1;
	s10 =	sld [smem:$0x3FBA];
	_ =	sdelay $0x3  }
0x34: {  	[smem:$0x3FBA] =	sst s10  }
0x35: {  	s10 =	sld [smem:$0x3FB9];
	_ =	sdelay $0x3  }
0x36: {  	p1 =	seq.s32 s10, $0x1;
	s10 =	sld [smem:$0x3FBA];
	_ =	sdelay $0x3  }
0x37: {  	[smem:$0x3FBA] =	sst s10  }
0x38: {  	s10 =	sld [smem:$0x3FBB]  }
0x39: {  	_ = 	snop;
	(pc) =	sbr.ind lr, $3  }
0x3a: {  	_ = 	snop  }
0x3b: {  	_ = 	snop  }
0x3c: {  	p2 =	seq.s32 s10, $0x1;
	s10 =	sld [smem:$0x3FBA]  }
0x3d: {  	_ =	shalt  }
0x3e: {  	_ =	shalt  }
0x3f: {  	_ =	shalt  }
0x40: {  	_ =	shalt  }
0x41: {  	_ =	shalt  }
0x42: {  	_ =	shalt  }
0x43: {  	_ =	shalt  }
0x44: {  	_ =	shalt  }
0x45: {  	_ =	shalt  }
0x46: {  	_ =	shalt  }
0x47: {  	_ =	shalt  }
0x48: {  	_ =	shalt  }
0x49: {  	_ =	shalt  }
0x4a: {  	_ =	shalt  }
0x4b: {  	_ =	shalt  }
0x4c: {  	_ =	shalt  }
0x4d: {  	_ =	shalt  }
0x4e: {  	_ =	shalt  }
0x4f: {  	_ =	shalt  }
0x50: {  	_ =	shalt  }
0x51: {  	_ =	shalt  }
0x52: {  	_ =	shalt  }
0x53: {  	_ =	shalt  }
0x54: {  	_ =	shalt  }
0x55: {  	_ =	shalt  }
0x56: {  	_ =	shalt  }
0x57: {  	_ =	shalt  }
0x58: {  	_ =	shalt  }
0x59: {  	_ =	shalt  }
0x5a: {  	_ =	shalt  }
0x5b: {  	_ =	shalt  }
0x5c: {  	_ =	shalt  }
0x5d: {  	_ =	shalt  }
0x5e: {  	_ =	shalt  }
0x5f: {  	_ =	shalt  }
0x60: {  	_ =	shalt  }
0x61: {  	_ =	shalt  }
0x62: {  	_ =	shalt  }
0x63: {  	_ =	shalt  }
0x64: {  	_ =	shalt  }
0x65: {  	_ =	shalt  }
0x66: {  	_ =	shalt  }
0x67: {  	_ =	shalt  }
0x68: {  	_ =	shalt  }
0x69: {  	_ =	shalt  }
0x6a: {  	_ =	shalt  }
0x6b: {  	_ =	shalt  }
0x6c: {  	_ =	shalt  }
0x6d: {  	_ =	shalt  }
0x6e: {  	_ =	shalt  }
0x6f: {  	_ =	shalt  }
0x70: {  	_ =	shalt  }
0x71: {  	_ =	shalt  }
0x72: {  	_ =	shalt  }
0x73: {  	_ =	shalt  }
0x74: {  	_ =	shalt  }
0x75: {  	_ =	shalt  }
0x76: {  	_ =	shalt  }
0x77: {  	_ =	shalt  }
0x78: {  	_ =	shalt  }
0x79: {  	_ =	shalt  }
0x7a: {  	_ =	shalt  }
0x7b: {  	_ =	shalt  }
0x7c: {  	_ =	shalt  }
0x7d: {  	_ =	shalt  }
0x7e: {  	_ =	shalt  }
0x7f: {  	_ =	shalt  }
0x80: {  	_ =	shalt  }
0x81: {  	_ =	shalt  }
0x82: {  	_ =	shalt  }
0x83: {  	_ =	shalt  }
0x84: {  	_ =	shalt  }
0x85: {  	_ =	shalt  }
0x86: {  	_ =	shalt  }
0x87: {  	_ =	shalt  }
.Lfunc_end0:
.L_simem_size_0:
called_computation_lowered:
.L_overlay_start_0:
0x88: {  	s2 =	sld [smem:$0x3FD9]  }
0x89: {  	s3 =	sld [smem:$0x3FFE];
	_ =	sdelay $0x1  }
0x8a: {  	s1 =	srdreg.scid  }
0x8b: {  	s0 =	sand.u32 $0x1, s1  }
0x8c: {  	s17 =	sshll.u32 s0, $0xA;
	s2 =	sadd.s32 s3, s2  }
0x8d: {  	s2 =	sadd.s32 s2, s17  }
0x8e: {  	[smem:$0x3FC6] =	sst s2  }
0x8f: {  	_ = 	snop  }
0x90: {  	s2 =	sld [smem:$0x3FC9]  }
0x91: {  	s18 =	sld [smem:$0x3FC8];
	(tm) =	ssettm $0x1  }
0x92: {  	s4 =	sld [smem:$0x3FFB];
	_ =	sdelay $0x3  }
0x93: {  	_ =	strace s4  }
0x94: {  	s4 =	sld [smem:$0x3FFC];
	_ =	sdelay $0x3  }
0x95: {  	_ =	strace s4  }
0x96: {  	s4 =	sld [smem:$0x3FFD];
	_ =	sdelay $0x3  }
0x97: {  	_ =	strace s4  }
0x98: {  	_ =	strace $0x8FFFFFFF  }
0x99: {  	s19 =	sld [smem:$0x3FDB];
	_ =	sdelay $0x1  }
0x9a: {  	s5 =	simm.s32 $_scs_section_size  }
0x9b: {  	s6 =	simm.s32 $_size__tile_overlayer_lowered;
	s7 =	simm.s32 $_tile_overlayer_lowered  }
0x9c: {  	s22 =	simm.s32 $0x1BFF;
	s21 =	sshll.u32 s7, $0x1;
	s4 =	sadd.s32 s5, s19  }
0x9d: {  	s8 =	simm.s32 $0x0;
	s20 =	sshll.u32 s6, $0x1;
	s6 =	sadd.s32 s21, s4  }
0x9e: {  	[timem:s8], [sflag:s22] =	dma.local [hbm:s6], s20  }
0x9f: {  	_ =	swait.ge [sflag:s22], s20  }
0xa0: {  	s5 =	ssub.s32 $0x0, s20;
	[sflag:s22] =	ssyncset.done $0x0  }
0xa1: {  	[sflag:s22] =	ssyncadd.s32 s5;
	_ =	sdelay $0x1  }
0xa2: {  	s23 =	simm.s32 $0x1B8B  }
0xa3: {  	_ =	swait.ge [sflag:s23], $0x1  }
0xa4: {  	[sflag:s23] =	ssyncset.done $0x0  }
0xa5: {  	s25 =	simm.s32 $0x1B8E;
	s24 =	sld [smem:$0x3FFE];
	[sflag:s23] =	ssyncadd.s32 $0xFFFFFFFF  }
0xa6: {  	s26 =	simm.s32 $execute0_lowered;
	[smem:$0x3FD2] =	sst s25  }
0xa7: {  	s6 =	sshll.u32 s26, $0x1;
	_ =	strace $0x80000046;
	[dreg:$0x1] =	wrdreg $0xFFFFFFFF  }
0xa8: {  	s28 =	simm.s32 $_size_execute0_lowered;
	s4 =	sadd.s32 s4, s6;
	[dreg:$0x0] =	wrdreg $0x0  }
0xa9: {  	s6 =	sshll.u32 s28, $0x1;
	[dreg:$0x2] =	wrdreg s4  }
0xaa: {  	[dreg:$0x3] =	wrdreg s6  }
0xab: {  	[dreg:$0x4] =	wrdreg $0xC0  }
0xac: {  	_ =	task [dreg:s8], $0x5FFFF  }
0xad: {  	[dreg:$0x1] =	wrdreg $0xFFFFFFFF  }
0xae: {  	[dreg:$0x0] =	wrdreg $0x60  }
0xaf: {  	[dreg:$0x2] =	wrdreg s2  }
0xb0: {  	[dreg:$0x3] =	wrdreg s18  }
0xb1: {  	[dreg:$0x4] =	wrdreg s24  }
0xb2: {  	[dreg:$0x5] =	wrdreg $0x9  }
0xb3: {  	_ =	task.clear_ibuf [dreg:s8], $0x6FFFF;
	_ =	strace $0x90000046  }
0xb4: {  	s29 =	simm.s32 $0x9;
	_ =	strace $0x80000048  }
0xb5: {  	_ =	swait.ge [sflag:s29], $0x1  }
0xb6: {  	[sflag:s29] =	ssyncadd.s32 $0xFFFFFFFF  }
0xb7: {  	_ =	strace $0x90000048  }
0xb8: {  	_ =	sfence  }
0xb9: {  	s30 =	sld [smem:$0x0];
	_ =	sdelay $0x2  }
0xba: {  	s31 =	sshll.u32 s1, $0xD;
	s1 =	sshrl.u32 s1, $0x2  }
0xbb: {  	s3 =	sand.u32 $0x4000, s31;
	s1 =	sadd.s32 s1, s30  }
0xbc: {  	s0 =	sor.u32 s3, s0;
	s1 =	sshll.u32 s1, $0x11  }
0xbd: {  	s0 =	sor.u32 s1, s0  }
0xbe: {  	s0 =	sadd.s32 $0x8F2B, s0  }
0xbf: {  	[sflag:s0] =	ssyncadd.remote.s32 $0x1  }
0xc0: {  	_ =	sfence.sel $0xFFFF  }
0xc1: {  	[dreg:$0x0] =	wrdreg $0xFFFFFFFF;
	(pc) =	sbr.abs _section_cstart, $3  }
0xc2: {  	[dreg:$0x1] =	wrdreg $0xFFFFFFFF  }
0xc3: {  	_ =	task.clear_ibuf [dreg:s8], $0x2FFFF;
	_ =	strace $0x9FFFFFFF  }
0xc4: {  	(tm) =	ssettm $0x7FFFFFFF  }
0xc5: {  	_ =	shalt  }
tec
execute0_lowered:
.L_overlay_start_1:
0x0: {  	(tag) =	ssettag $0x1  }
0x1: {  	s5 =	rddreg [dreg:$0x0]  }
0x2: {  	s6 =	rddreg [dreg:$0x1];
	s0 =	srdreg.scid  }
0x3: {  	s7 =	rddreg [dreg:$0x2];
	s1 =	stileid.u32;
	s2 =	simm.s32 $0x0  }
0x4: {  	s11 =	simm.s32 $0xC000;
	s12 =	simm.s32 $0x1;
	s13 =	simm.s32 $0x2  }
0x5: {  	s14 =	simm.s32 $0x3;
	s15 =	simm.s32 $0x4;
	s16 =	simm.s32 $0x10000  }
0x6: {  	s17 =	simm.s32 $0x5;
	s18 =	simm.s32 $0x0;
	s3 =	sand.u32 $0x1, s0  }
0x7: {  	s0 =	rddreg [dreg:$0x3];
	s4 =	sshll.u32 s1, $0x8;
	s8 =	sshll.u32 s3, $0x7  }
0x8: {  	[smem:$0x7FF] =	sst s2;
	s3 =	ssub.s32 $0x2, s3;
	s8 =	sor.u32 s8, s4  }
0x9: {  	_ =	strace $0x80000047;
	s30 =	sshrl.u32 s3, $0x1;
	s9 =	sshll.u32 s8, $0x5  }
0xa: {  	s10 =	ssub.s32 s3, s30;
	s8 =	sshrl.u32 s8, $0x3;
	s31 =	sor.u32 $0xE0000, s9  }
0xb: {  	s9 =	sor.u32 $0xE0800, s9;
	s7 =	sadd.s32 s7, s8;
	s8 =	smax.u32 s10, $0x1  }
0xc: {  	s10 =	simm.s32 $0x4000;
	s3 =	sadd.s32 s5, s31;
	s4 =	sadd.s32 s6, s31  }
0xd: {  	s5 =	sadd.s32 s5, s9;
	s6 =	sadd.s32 s6, s9;
	s9 =	simm.s32 $0x8000  }
.LBB2_1:
0xe: {  	[tilespmem:s2], [sflag:$0x1] =	stream.linear.gather [hbm4b:s3+s2], $0x4000, $0x38;
	[tilespmem:$0x10080] =	vst v63  }
0xf: {  	_ = 	snop  }
0x10: {  	[tilespmem:s9], [sflag:$0x2] =	stream.linear.gather [hbm4b:s4+s2], $0x4000, $0x38;
	[tilespmem:$0x10080] =	vst v63  }
0x11: {  	_ = 	snop  }
0x12: {  	[tilespmem:s10], [sflag:$0x3] =	stream.linear.gather [hbm4b:s5+s2], $0x4000, $0x38;
	[tilespmem:$0x10080] =	vst v63  }
0x13: {  	_ = 	snop  }
0x14: {  	[tilespmem:s11], [sflag:$0x4] =	stream.linear.gather [hbm4b:s6+s2], $0x4000, $0x38;
	[tilespmem:$0x10080] =	vst v63  }
0x15: {  	_ =	swait.ge [sflag:s12], $0x4000  }
0x16: {  	[sflag:s12] =	ssyncset.done $0x0  }
0x17: {  	[sflag:s12] =	ssyncadd.s32 $0xFFFFC000  }
0x18: {  	_ =	swait.ge [sflag:s13], $0x4000  }
0x19: {  	s19 =	sand.u32 $0x3800, s2;
	s20 =	sand.u32 $0x380, s2;
	[sflag:s13] =	ssyncset.done $0x0  }
0x1a: {  	s19 =	sor.u32 s20, s19;
	[sflag:s13] =	ssyncadd.s32 $0xFFFFC000  }
0x1b: {  	v1 =	vld [tilespmem:s19+$0x8470]  }
0x1c: {  	v2 =	vld [tilespmem:s19+$0x8460]  }
0x1d: {  	v3 =	vld [tilespmem:s19+$0x8450]  }
0x1e: {  	v4 =	vld [tilespmem:s19+$0x8440]  }
0x1f: {  	v5 =	vld [tilespmem:s19+$0x8430]  }
0x20: {  	v6 =	vld [tilespmem:s19+$0x8420]  }
0x21: {  	v7 =	vld [tilespmem:s19+$0x8410]  }
0x22: {  	v8 =	vld [tilespmem:s19+$0x8400]  }
0x23: {  	v9 =	vld [tilespmem:s19+$0x8070]  }
0x24: {  	v10 =	vld [tilespmem:s19+$0x8060]  }
0x25: {  	v11 =	vld [tilespmem:s19+$0x8050]  }
0x26: {  	v12 =	vld [tilespmem:s19+$0x8040]  }
0x27: {  	v14 =	vld [tilespmem:s19+$0x8030];
	v13 =	vshra.s32 v3, $0x17  }
0x28: {  	v17 =	vld [tilespmem:s19+$0x8020];
	v15 =	vshra.s32 v2, $0x17;
	v16 =	vshra.s32 v1, $0x17;
	v18 =	vshra.s32 v6, $0x17  }
0x29: {  	v21 =	vld [tilespmem:s19+$0x8010];
	v19 =	vshra.s32 v5, $0x17;
	v20 =	vshra.s32 v4, $0x17;
	v22 =	vshra.s32 v7, $0x17  }
0x2a: {  	v23 =	vld [tilespmem:s19+$0x8000];
	v24 =	vshra.s32 v8, $0x17;
	v25 =	vand.u32 $0x7FFFFF, v2;
	v2 =	vand.u32 $0x7FFFFF, v1  }
0x2b: {  	v26 =	vshra.s32 v10, $0x17;
	v27 =	vshra.s32 v9, $0x17;
	v28 =	vand.u32 $0x7FFFFF, v3  }
0x2c: {  	v29 =	vshra.s32 v11, $0x17;
	v30 =	vand.u32 $0x7FFFFF, v5;
	v4 =	vand.u32 $0x7FFFFF, v4  }
0x2d: {  	v31 =	vshra.s32 v14, $0x17;
	v32 =	vshra.s32 v12, $0x17;
	v6 =	vand.u32 $0x7FFFFF, v6  }
0x2e: {  	v33 =	vshra.s32 v17, $0x17;
	v8 =	vand.u32 $0x7FFFFF, v8;
	v34 =	vand.u32 $0x7FFFFF, v7  }
0x2f: {  	v35 =	vshra.s32 v23, $0x17;
	v36 =	vshra.s32 v21, $0x17;
	v9 =	vand.u32 $0x7FFFFF, v9  }
0x30: {  	v12 =	vand.u32 $0x7FFFFF, v12;
	v37 =	vand.u32 $0x7FFFFF, v11;
	v38 =	vand.u32 $0x7FFFFF, v10  }
0x31: {  	v17 =	vand.u32 $0x7FFFFF, v17;
	v39 =	vand.u32 $0x7FFFFF, v14;
	v1 =	vcvt.s32.f32 v16  }
0x32: {  	v23 =	vand.u32 $0x7FFFFF, v23;
	v13 =	vcvt.s32.f32 v13;
	v42 =	vcvt.s32.f32 v15  }
0x33: {  	v16 =	vand.u32 $0x7FFFFF, v21;
	v19 =	vcvt.s32.f32 v19;
	v20 =	vcvt.s32.f32 v20  }
0x34: {  	v22 =	vcvt.s32.f32 v22;
	v43 =	vcvt.s32.f32 v18;
	v2 =	vor.u32 $0x3F800000, v2  }
0x35: {  	v27 =	vcvt.s32.f32 v27;
	v44 =	vcvt.s32.f32 v24;
	v3 =	vor.u32 $0x3F800000, v25  }
0x36: {  	v25 =	vcvt.s32.f32 v26;
	v5 =	vor.u32 $0x3F800000, v4;
	v4 =	vor.u32 $0x3F800000, v28  }
0x37: {  	v45 =	vcvt.s32.f32 v32;
	v29 =	vcvt.s32.f32 v29;
	v7 =	vor.u32 $0x3F800000, v30  }
0x38: {  	v31 =	vcvt.s32.f32 v31;
	v11 =	vor.u32 $0x3F800000, v34;
	v10 =	vor.u32 $0x3F800000, v6  }
0x39: {  	v63 =	vcvt.s32.f32 v36;
	v33 =	vcvt.s32.f32 v33;
	v14 =	vor.u32 $0x3F800000, v8  }
0x3a: {  	v49 =	vcvt.s32.f32 v35;
	v15 =	vor.u32 $0x3F800000, v9;
	v46 =	vmul.f32 $5.486285310e-02, v2  }
0x3b: {  	v18 =	vor.u32 $0x3F800000, v38;
	v47 =	vmul.f32 $5.486285310e-02, v4;
	v48 =	vmul.f32 $5.486285310e-02, v3  }
0x3c: {  	v21 =	vor.u32 $0x3F800000, v37;
	v50 =	vmul.f32 $5.486285310e-02, v7;
	v51 =	vmul.f32 $5.486285310e-02, v5  }
0x3d: {  	v24 =	vor.u32 $0x3F800000, v12;
	v52 =	vmul.f32 $5.486285310e-02, v11;
	v53 =	vmul.f32 $5.486285310e-02, v10  }
0x3e: {  	v26 =	vor.u32 $0x3F800000, v39;
	v54 =	vmul.f32 $5.486285310e-02, v15;
	v55 =	vmul.f32 $5.486285310e-02, v14  }
0x3f: {  	v28 =	vor.u32 $0x3F800000, v17;
	v39 =	vmul.f32 $5.486285310e-02, v21;
	v40 =	vmul.f32 $5.486285310e-02, v18  }
0x40: {  	v32 =	vor.u32 $0x3F800000, v23;
	v37 =	vmul.f32 $5.486285310e-02, v26;
	v41 =	vmul.f32 $5.486285310e-02, v24  }
0x41: {  	v30 =	vor.u32 $0x3F800000, v16;
	v38 =	vmul.f32 $5.486285310e-02, v28;
	v35 =	vmul.f32 $5.486285310e-02, v32  }
0x42: {  	v36 =	vmul.f32 $5.486285310e-02, v30;
	v6 =	vmul.f32 $6.931471820e-01, v42  }
0x43: {  	v9 =	vmul.f32 $6.931471820e-01, v20;
	v8 =	vmul.f32 $6.931471820e-01, v13  }
0x44: {  	v13 =	vmul.f32 $6.931471820e-01, v43;
	v12 =	vmul.f32 $6.931471820e-01, v19  }
0x45: {  	v17 =	vmul.f32 $6.931471820e-01, v44;
	v16 =	vmul.f32 $6.931471820e-01, v22  }
0x46: {  	v23 =	vmul.f32 $6.931471820e-01, v25;
	v22 =	vmul.f32 $6.931471820e-01, v27  }
0x47: {  	v27 =	vmul.f32 $6.931471820e-01, v45;
	v25 =	vmul.f32 $6.931471820e-01, v29  }
0x48: {  	v29 =	vmul.f32 $6.931471820e-01, v31;
	v31 =	vmul.f32 $6.931471820e-01, v33;
	v42 =	vsub.f32 $4.358618560e-01, v46  }
0x49: {  	v33 =	vmul.f32 $6.931471820e-01, v63;
	v43 =	vsub.f32 $4.358618560e-01, v47;
	v44 =	vsub.f32 $4.358618560e-01, v48  }
0x4a: {  	v34 =	vmul.f32 $6.931471820e-01, v49;
	v45 =	vsub.f32 $4.358618560e-01, v50;
	v46 =	vsub.f32 $4.358618560e-01, v51  }
0x4b: {  	v19 =	vimm.f32 $0.0e+00;
	v47 =	vsub.f32 $4.358618560e-01, v52;
	v48 =	vsub.f32 $4.358618560e-01, v53  }
0x4c: {  	s21 =	simm.s32 $0x0;
	s20 =	simm.s32 $0x100;
	v20 =	vimm.f32 $0.0e+00;
	v49 =	vsub.f32 $4.358618560e-01, v54;
	v50 =	vsub.f32 $4.358618560e-01, v55  }
.LBB2_2:
0x4d: {  	p0 =	sne.s32 s20, $0x3F00;
	v39 =	vsub.f32 $4.358618560e-01, v39;
	v40 =	vsub.f32 $4.358618560e-01, v40;
	v42 =	vmul.f32 v2, v42  }
0x4e: {  	v41 =	vsub.f32 $4.358618560e-01, v41;
	v43 =	vmul.f32 v4, v43;
	v44 =	vmul.f32 v3, v44  }
0x4f: {  	v37 =	vsub.f32 $4.358618560e-01, v37;
	v45 =	vmul.f32 v7, v45;
	v46 =	vmul.f32 v5, v46  }
0x50: {  	v38 =	vsub.f32 $4.358618560e-01, v38;
	v47 =	vmul.f32 v11, v47;
	v48 =	vmul.f32 v10, v48  }
0x51: {  	v36 =	vsub.f32 $4.358618560e-01, v36;
	v49 =	vmul.f32 v15, v49;
	v50 =	vmul.f32 v14, v50  }
0x52: {  	v35 =	vsub.f32 $4.358618560e-01, v35;
	v39 =	vmul.f32 v21, v39;
	v40 =	vmul.f32 v18, v40  }
0x53: {  	v41 =	vmul.f32 v24, v41;
	v44 =	vadd.f32 $-1.442481040e+00, v44;
	v42 =	vadd.f32 $-1.442481040e+00, v42  }
0x54: {  	v37 =	vmul.f32 v26, v37;
	v46 =	vadd.f32 $-1.442481040e+00, v46;
	v43 =	vadd.f32 $-1.442481040e+00, v43  }
0x55: {  	v38 =	vmul.f32 v28, v38;
	v48 =	vadd.f32 $-1.442481040e+00, v48;
	v45 =	vadd.f32 $-1.442481040e+00, v45  }
0x56: {  	v36 =	vmul.f32 v30, v36;
	v47 =	vadd.f32 $-1.442481040e+00, v47;
	v50 =	vadd.f32 $-1.442481040e+00, v50  }
0x57: {  	v35 =	vmul.f32 v32, v35;
	v49 =	vadd.f32 $-1.442481040e+00, v49;
	v40 =	vadd.f32 $-1.442481040e+00, v40  }
0x58: {  	v41 =	vadd.f32 $-1.442481040e+00, v41;
	v39 =	vadd.f32 $-1.442481040e+00, v39;
	v42 =	vmul.f32 v2, v42  }
0x59: {  	v51 =	vadd.f32 $-1.442481040e+00, v37;
	v37 =	vmul.f32 v4, v43;
	v43 =	vmul.f32 v3, v44  }
0x5a: {  	v38 =	vadd.f32 $-1.442481040e+00, v38;
	v44 =	vmul.f32 v7, v45;
	v45 =	vmul.f32 v5, v46  }
0x5b: {  	v35 =	vadd.f32 $-1.442481040e+00, v35;
	v46 =	vmul.f32 v11, v47;
	v47 =	vmul.f32 v10, v48  }
0x5c: {  	v48 =	vadd.f32 $-1.442481040e+00, v36;
	v49 =	vmul.f32 v15, v49;
	v50 =	vmul.f32 v14, v50  }
0x5d: {  	v52 =	vmul.f32 v32, v35;
	v40 =	vmul.f32 v18, v40;
	v35 =	vadd.f32 $2.792255160e+00, v42  }
0x5e: {  	v41 =	vmul.f32 v24, v41;
	v37 =	vadd.f32 $2.792255160e+00, v37;
	v36 =	vadd.f32 $2.792255160e+00, v43  }
0x5f: {  	v43 =	vmul.f32 v30, v48;
	v45 =	vadd.f32 $2.792255160e+00, v45;
	v42 =	vadd.f32 $2.792255160e+00, v52  }
0x60: {  	v38 =	vmul.f32 v28, v38;
	v47 =	vadd.f32 $2.792255160e+00, v47;
	v44 =	vadd.f32 $2.792255160e+00, v44  }
0x61: {  	v32 =	vmul.f32 v32, v42;
	v42 =	vadd.f32 $2.792255160e+00, v43;
	v43 =	vadd.f32 $2.792255160e+00, v46  }
0x62: {  	v48 =	vmul.f32 v26, v51;
	v50 =	vadd.f32 $2.792255160e+00, v50;
	v38 =	vadd.f32 $2.792255160e+00, v38;
	v46 =	vld [tilespmem:s19+$0x0]  }
0x63: {  	v32 =	vadd.f32 $-8.976032260e+01, v32;
	v30 =	vmul.f32 v30, v42;
	v42 =	vadd.f32 $2.792255160e+00, v49  }
0x64: {  	v40 =	vadd.f32 $2.792255160e+00, v40;
	v28 =	vmul.f32 v28, v38;
	v38 =	vadd.f32 $2.792255160e+00, v48;
	v49 =	vld [tilespmem:s19+$0x10]  }
0x65: {  	v32 =	vadd.f32 v32, v34;
	v30 =	vadd.f32 $-8.976032260e+01, v30;
	v34 =	vmul.f32 v21, v39  }
0x66: {  	v28 =	vadd.f32 $-8.976032260e+01, v28;
	v26 =	vmul.f32 v26, v38;
	v38 =	vadd.f32 $2.792255160e+00, v41;
	v39 =	vld [tilespmem:s19+$0x20]  }
0x67: {  	v30 =	vadd.f32 v30, v33;
	v33 =	vadd.f32 $2.792255160e+00, v34;
	v32 =	vmul.f32 v32, v46  }
0x68: {  	v28 =	vadd.f32 v28, v31;
	v26 =	vadd.f32 $-8.976032260e+01, v26;
	v24 =	vmul.f32 v24, v38;
	v31 =	vld [tilespmem:s19+$0x30]  }
0x69: {  	v20 =	vadd.f32 v46, v20;
	v19 =	vadd.f32 v32, v19;
	v30 =	vmul.f32 v30, v49  }
0x6a: {  	v26 =	vadd.f32 v26, v29;
	v24 =	vadd.f32 $-8.976032260e+01, v24;
	v21 =	vmul.f32 v21, v33;
	v29 =	vld [tilespmem:s19+$0x40]  }
0x6b: {  	v20 =	vadd.f32 v49, v20;
	v19 =	vadd.f32 v30, v19;
	v28 =	vmul.f32 v28, v39  }
0x6c: {  	v18 =	vmul.f32 v18, v40;
	v24 =	vadd.f32 v24, v27;
	v21 =	vadd.f32 $-8.976032260e+01, v21;
	v27 =	vld [tilespmem:s19+$0x50]  }
0x6d: {  	v20 =	vadd.f32 v39, v20;
	v19 =	vadd.f32 v28, v19;
	v26 =	vmul.f32 v26, v31  }
0x6e: {  	v18 =	vadd.f32 $-8.976032260e+01, v18;
	v15 =	vmul.f32 v15, v42;
	v21 =	vadd.f32 v21, v25;
	v25 =	vld [tilespmem:s19+$0x60]  }
0x6f: {  	v20 =	vadd.f32 v31, v20;
	v19 =	vadd.f32 v26, v19;
	v24 =	vmul.f32 v24, v29  }
0x70: {  	v14 =	vmul.f32 v14, v50;
	v18 =	vadd.f32 v18, v23;
	v15 =	vadd.f32 $-8.976032260e+01, v15;
	v23 =	vld [tilespmem:s19+$0x70]  }
0x71: {  	v20 =	vadd.f32 v29, v20;
	v19 =	vadd.f32 v24, v19;
	v21 =	vmul.f32 v21, v27;
	v24 =	vld [tilespmem:s19+$0x470]  }
0x72: {  	v14 =	vadd.f32 $-8.976032260e+01, v14;
	v11 =	vmul.f32 v11, v43;
	v15 =	vadd.f32 v15, v22;
	v22 =	vld [tilespmem:s19+$0x400]  }
0x73: {  	v20 =	vadd.f32 v27, v20;
	v19 =	vadd.f32 v21, v19;
	v18 =	vmul.f32 v18, v25;
	v21 =	vld [tilespmem:s19+$0x460]  }
0x74: {  	v10 =	vmul.f32 v10, v47;
	v14 =	vadd.f32 v14, v17;
	v11 =	vadd.f32 $-8.976032260e+01, v11;
	v17 =	vld [tilespmem:s19+$0x410]  }
0x75: {  	v18 =	vadd.f32 v18, v19;
	v19 =	vadd.f32 v25, v20;
	v15 =	vmul.f32 v15, v23;
	v20 =	vld [tilespmem:s19+$0x450]  }
0x76: {  	s21 =	sadd.s32 $0x80, s21;
	v7 =	vmul.f32 v7, v44;
	v10 =	vadd.f32 $-8.976032260e+01, v10;
	v11 =	vadd.f32 v11, v16;
	v16 =	vld [tilespmem:s19+$0x420]  }
0x77: {  	s22 =	sand.u32 $0x3800, s20;
	s23 =	sand.u32 $0x380, s21;
	v15 =	vadd.f32 v15, v18;
	v18 =	vadd.f32 v23, v19;
	v14 =	vmul.f32 v14, v22;
	v19 =	vld [tilespmem:s19+$0x440]  }
0x78: {  	v5 =	vmul.f32 v5, v45;
	v7 =	vadd.f32 $-8.976032260e+01, v7;
	v10 =	vadd.f32 v10, v13;
	v13 =	vld [tilespmem:s19+$0x430];
	s19 =	sor.u32 s23, s22  }
0x79: {  	v23 =	vld [tilespmem:s19+$0x8470];
	v14 =	vadd.f32 v14, v15;
	v15 =	vadd.f32 v22, v18;
	v11 =	vmul.f32 v11, v17  }
0x7a: {  	v4 =	vmul.f32 v4, v37;
	v5 =	vadd.f32 $-8.976032260e+01, v5;
	v7 =	vadd.f32 v7, v12;
	v18 =	vld [tilespmem:s19+$0x8460]  }
0x7b: {  	v12 =	vld [tilespmem:s19+$0x8450];
	v11 =	vadd.f32 v11, v14;
	v14 =	vadd.f32 v17, v15;
	v10 =	vmul.f32 v10, v16  }
0x7c: {  	v3 =	vmul.f32 v3, v36;
	v4 =	vadd.f32 $-8.976032260e+01, v4;
	v5 =	vadd.f32 v5, v9;
	v15 =	vld [tilespmem:s19+$0x8440]  }
0x7d: {  	v9 =	vld [tilespmem:s19+$0x8430];
	v10 =	vadd.f32 v10, v11;
	v11 =	vadd.f32 v16, v14;
	v7 =	vmul.f32 v7, v13  }
0x7e: {  	v2 =	vmul.f32 v2, v35;
	v3 =	vadd.f32 $-8.976032260e+01, v3;
	v4 =	vadd.f32 v4, v8;
	v14 =	vld [tilespmem:s19+$0x8420]  }
0x7f: {  	v5 =	vmul.f32 v5, v19;
	v8 =	vld [tilespmem:s19+$0x8410];
	v7 =	vadd.f32 v7, v10;
	v10 =	vadd.f32 v13, v11  }
0x80: {  	v1 =	vmul.f32 $6.931471820e-01, v1;
	v2 =	vadd.f32 $-8.976032260e+01, v2;
	v3 =	vadd.f32 v3, v6;
	v11 =	vld [tilespmem:s19+$0x8400]  }
0x81: {  	v4 =	vmul.f32 v4, v20;
	v6 =	vld [tilespmem:s19+$0x8070];
	v5 =	vadd.f32 v5, v7;
	v7 =	vadd.f32 v19, v10  }
0x82: {  	v1 =	vadd.f32 v2, v1;
	v10 =	vld [tilespmem:s19+$0x8060]  }
0x83: {  	v3 =	vmul.f32 v3, v21;
	v2 =	vld [tilespmem:s19+$0x8050];
	v4 =	vadd.f32 v4, v5;
	v5 =	vadd.f32 v20, v7  }
0x84: {  	v17 =	vshra.s32 v23, $0x17;
	v16 =	vshra.s32 v18, $0x17;
	v13 =	vshra.s32 v12, $0x17;
	v7 =	vld [tilespmem:s19+$0x8040]  }
0x85: {  	v1 =	vmul.f32 v1, v24;
	v22 =	vld [tilespmem:s19+$0x8030];
	v3 =	vadd.f32 v3, v4;
	v4 =	vadd.f32 v21, v5  }
0x86: {  	v26 =	vshra.s32 v15, $0x17;
	v25 =	vshra.s32 v9, $0x17;
	v21 =	vshra.s32 v14, $0x17;
	v5 =	vld [tilespmem:s19+$0x8020]  }
0x87: {  	v28 =	vshra.s32 v8, $0x17;
	v27 =	vld [tilespmem:s19+$0x8010];
	v19 =	vadd.f32 v1, v3;
	v20 =	vadd.f32 v24, v4  }
0x88: {  	v23 =	vand.u32 $0x7FFFFF, v23;
	v18 =	vand.u32 $0x7FFFFF, v18;
	v4 =	vshra.s32 v11, $0x17;
	v3 =	vld [tilespmem:s19+$0x8000]  }
0x89: {  	v12 =	vand.u32 $0x7FFFFF, v12;
	v29 =	vshra.s32 v6, $0x17;
	v24 =	vshra.s32 v10, $0x17  }
0x8a: {  	v15 =	vand.u32 $0x7FFFFF, v15;
	v9 =	vand.u32 $0x7FFFFF, v9;
	v30 =	vshra.s32 v2, $0x17  }
0x8b: {  	v14 =	vand.u32 $0x7FFFFF, v14;
	v32 =	vshra.s32 v7, $0x17;
	v31 =	vshra.s32 v22, $0x17  }
0x8c: {  	v8 =	vand.u32 $0x7FFFFF, v8;
	v34 =	vand.u32 $0x7FFFFF, v11;
	v33 =	vshra.s32 v5, $0x17  }
0x8d: {  	v6 =	vand.u32 $0x7FFFFF, v6;
	v36 =	vshra.s32 v27, $0x17;
	v35 =	vshra.s32 v3, $0x17  }
0x8e: {  	v39 =	vand.u32 $0x7FFFFF, v10;
	v38 =	vand.u32 $0x7FFFFF, v2;
	v37 =	vand.u32 $0x7FFFFF, v7  }
0x8f: {  	v1 =	vcvt.s32.f32 v17;
	v22 =	vand.u32 $0x7FFFFF, v22;
	v40 =	vand.u32 $0x7FFFFF, v5  }
0x90: {  	v16 =	vcvt.s32.f32 v16;
	v13 =	vcvt.s32.f32 v13;
	v17 =	vand.u32 $0x7FFFFF, v27  }
0x91: {  	v42 =	vcvt.s32.f32 v26;
	v25 =	vcvt.s32.f32 v25;
	v27 =	vand.u32 $0x7FFFFF, v3  }
0x92: {  	v43 =	vcvt.s32.f32 v28;
	v44 =	vcvt.s32.f32 v21;
	v2 =	vor.u32 $0x3F800000, v23  }
0x93: {  	v29 =	vcvt.s32.f32 v29;
	v23 =	vcvt.s32.f32 v4;
	v3 =	vor.u32 $0x3F800000, v18  }
0x94: {  	v45 =	vcvt.s32.f32 v24;
	v4 =	vor.u32 $0x3F800000, v12;
	v5 =	vor.u32 $0x3F800000, v15  }
0x95: {  	v47 =	vcvt.s32.f32 v30;
	v7 =	vor.u32 $0x3F800000, v9;
	v46 =	vcvt.s32.f32 v32  }
0x96: {  	v11 =	vor.u32 $0x3F800000, v8;
	v10 =	vor.u32 $0x3F800000, v14;
	v31 =	vcvt.s32.f32 v31  }
0x97: {  	v14 =	vor.u32 $0x3F800000, v34;
	v33 =	vcvt.s32.f32 v33;
	v48 =	vcvt.s32.f32 v36  }
0x98: {  	v49 =	vmul.f32 $5.486285310e-02, v2;
	v15 =	vor.u32 $0x3F800000, v6;
	v34 =	vcvt.s32.f32 v35  }
0x99: {  	v50 =	vmul.f32 $5.486285310e-02, v4;
	v18 =	vor.u32 $0x3F800000, v39;
	v51 =	vmul.f32 $5.486285310e-02, v3  }
0x9a: {  	v21 =	vor.u32 $0x3F800000, v38;
	v52 =	vmul.f32 $5.486285310e-02, v7;
	v53 =	vmul.f32 $5.486285310e-02, v5  }
0x9b: {  	v54 =	vmul.f32 $5.486285310e-02, v11;
	v55 =	vmul.f32 $5.486285310e-02, v10;
	v24 =	vor.u32 $0x3F800000, v37  }
0x9c: {  	v57 =	vmul.f32 $5.486285310e-02, v14;
	v26 =	vor.u32 $0x3F800000, v22;
	v56 =	vmul.f32 $5.486285310e-02, v15  }
0x9d: {  	v28 =	vor.u32 $0x3F800000, v40;
	v39 =	vmul.f32 $5.486285310e-02, v21;
	v40 =	vmul.f32 $5.486285310e-02, v18  }
0x9e: {  	v41 =	vmul.f32 $5.486285310e-02, v24;
	v37 =	vmul.f32 $5.486285310e-02, v26;
	v30 =	vor.u32 $0x3F800000, v17  }
0x9f: {  	v38 =	vmul.f32 $5.486285310e-02, v28;
	v32 =	vor.u32 $0x3F800000, v27;
	v36 =	vmul.f32 $5.486285310e-02, v30  }
0xa0: {  	v6 =	vmul.f32 $6.931471820e-01, v16;
	v35 =	vmul.f32 $5.486285310e-02, v32  }
0xa1: {  	v8 =	vmul.f32 $6.931471820e-01, v13;
	v9 =	vmul.f32 $6.931471820e-01, v42  }
0xa2: {  	v13 =	vmul.f32 $6.931471820e-01, v44;
	v12 =	vmul.f32 $6.931471820e-01, v25  }
0xa3: {  	v16 =	vmul.f32 $6.931471820e-01, v43;
	v17 =	vmul.f32 $6.931471820e-01, v23  }
0xa4: {  	v22 =	vmul.f32 $6.931471820e-01, v29;
	v23 =	vmul.f32 $6.931471820e-01, v45  }
.Ltmp0:
0xa5: {  	v25 =	vmul.f32 $6.931471820e-01, v47;
	v42 =	vsub.f32 $4.358618560e-01, v49;
	v27 =	vmul.f32 $6.931471820e-01, v46;
	(pc) =	sbr.rel @p0 .LBB2_2-.Ltmp0, $4  }
0xa6: {  	v43 =	vsub.f32 $4.358618560e-01, v50;
	v29 =	vmul.f32 $6.931471820e-01, v31;
	v44 =	vsub.f32 $4.358618560e-01, v51  }
0xa7: {  	v45 =	vsub.f32 $4.358618560e-01, v52;
	v31 =	vmul.f32 $6.931471820e-01, v33;
	v46 =	vsub.f32 $4.358618560e-01, v53  }
0xa8: {  	v47 =	vsub.f32 $4.358618560e-01, v54;
	v33 =	vmul.f32 $6.931471820e-01, v48;
	v48 =	vsub.f32 $4.358618560e-01, v55  }
0xa9: {  	s20 =	sadd.s32 $0x100, s20;
	v50 =	vsub.f32 $4.358618560e-01, v57;
	v49 =	vsub.f32 $4.358618560e-01, v56;
	v34 =	vmul.f32 $6.931471820e-01, v34  }
0xaa: {  	v39 =	vsub.f32 $4.358618560e-01, v39;
	v40 =	vsub.f32 $4.358618560e-01, v40;
	v42 =	vmul.f32 v2, v42  }
0xab: {  	v41 =	vsub.f32 $4.358618560e-01, v41;
	v43 =	vmul.f32 v4, v43;
	v44 =	vmul.f32 v3, v44  }
0xac: {  	v37 =	vsub.f32 $4.358618560e-01, v37;
	v45 =	vmul.f32 v7, v45;
	v46 =	vmul.f32 v5, v46  }
0xad: {  	v38 =	vsub.f32 $4.358618560e-01, v38;
	v47 =	vmul.f32 v11, v47;
	v48 =	vmul.f32 v10, v48  }
0xae: {  	v36 =	vsub.f32 $4.358618560e-01, v36;
	v49 =	vmul.f32 v15, v49;
	v50 =	vmul.f32 v14, v50  }
0xaf: {  	v35 =	vsub.f32 $4.358618560e-01, v35;
	v39 =	vmul.f32 v21, v39;
	v40 =	vmul.f32 v18, v40  }
0xb0: {  	v41 =	vmul.f32 v24, v41;
	v44 =	vadd.f32 $-1.442481040e+00, v44;
	v42 =	vadd.f32 $-1.442481040e+00, v42  }
0xb1: {  	v37 =	vmul.f32 v26, v37;
	v46 =	vadd.f32 $-1.442481040e+00, v46;
	v43 =	vadd.f32 $-1.442481040e+00, v43  }
0xb2: {  	v38 =	vmul.f32 v28, v38;
	v48 =	vadd.f32 $-1.442481040e+00, v48;
	v45 =	vadd.f32 $-1.442481040e+00, v45  }
0xb3: {  	v36 =	vmul.f32 v30, v36;
	v47 =	vadd.f32 $-1.442481040e+00, v47;
	v50 =	vadd.f32 $-1.442481040e+00, v50  }
0xb4: {  	v35 =	vmul.f32 v32, v35;
	v49 =	vadd.f32 $-1.442481040e+00, v49;
	v40 =	vadd.f32 $-1.442481040e+00, v40  }
0xb5: {  	v55 =	vld [tilespmem:s19+$0x0];
	v41 =	vadd.f32 $-1.442481040e+00, v41;
	v39 =	vadd.f32 $-1.442481040e+00, v39;
	v42 =	vmul.f32 v2, v42  }
0xb6: {  	v37 =	vadd.f32 $-1.442481040e+00, v37;
	v43 =	vmul.f32 v4, v43;
	v44 =	vmul.f32 v3, v44  }
0xb7: {  	v38 =	vadd.f32 $-1.442481040e+00, v38;
	v45 =	vmul.f32 v7, v45;
	v46 =	vmul.f32 v5, v46  }
0xb8: {  	v35 =	vadd.f32 $-1.442481040e+00, v35;
	v47 =	vmul.f32 v11, v47;
	v48 =	vmul.f32 v10, v48  }
0xb9: {  	v36 =	vadd.f32 $-1.442481040e+00, v36;
	v49 =	vmul.f32 v15, v49;
	v50 =	vmul.f32 v14, v50  }
0xba: {  	v57 =	vld [tilespmem:s19+$0x10];
	v20 =	vadd.f32 v55, v20;
	v51 =	vmul.f32 v32, v35;
	v35 =	vadd.f32 $2.792255160e+00, v42  }
0xbb: {  	v40 =	vmul.f32 v18, v40;
	v42 =	vadd.f32 $2.792255160e+00, v43;
	v43 =	vadd.f32 $2.792255160e+00, v44  }
0xbc: {  	v41 =	vmul.f32 v24, v41;
	v46 =	vadd.f32 $2.792255160e+00, v46;
	v48 =	vadd.f32 $2.792255160e+00, v48  }
0xbd: {  	v36 =	vmul.f32 v30, v36;
	v45 =	vadd.f32 $2.792255160e+00, v45;
	v44 =	vadd.f32 $2.792255160e+00, v47  }
0xbe: {  	v38 =	vmul.f32 v28, v38;
	v50 =	vadd.f32 $2.792255160e+00, v50;
	v56 =	vadd.f32 $2.792255160e+00, v49  }
0xbf: {  	v37 =	vmul.f32 v26, v37;
	v20 =	vadd.f32 v57, v20;
	v53 =	vadd.f32 $2.792255160e+00, v51  }
0xc0: {  	v60 =	vmul.f32 v21, v39;
	v36 =	vadd.f32 $2.792255160e+00, v36;
	v38 =	vadd.f32 $2.792255160e+00, v38  }
0xc1: {  	v37 =	vadd.f32 $2.792255160e+00, v37;
	v58 =	vadd.f32 $2.792255160e+00, v40;
	v54 =	vmul.f32 v32, v53  }
0xc2: {  	v62 =	vadd.f32 $2.792255160e+00, v41;
	v11 =	vmul.f32 v11, v44;
	v10 =	vmul.f32 v10, v48  }
0xc3: {  	v7 =	vmul.f32 v7, v45;
	v30 =	vmul.f32 v30, v36;
	v32 =	vadd.f32 $-8.976032260e+01, v54  }
0xc4: {  	v59 =	vld [tilespmem:s19+$0x20];
	v51 =	vadd.f32 $2.792255160e+00, v60;
	v5 =	vmul.f32 v5, v46;
	v26 =	vmul.f32 v26, v37  }
0xc5: {  	v61 =	vld [tilespmem:s19+$0x30];
	v28 =	vmul.f32 v28, v38;
	v30 =	vadd.f32 $-8.976032260e+01, v30;
	v32 =	vadd.f32 v32, v34  }
0xc6: {  	v63 =	vld [tilespmem:s19+$0x40];
	v4 =	vmul.f32 v4, v42;
	v24 =	vmul.f32 v24, v62;
	v26 =	vadd.f32 $-8.976032260e+01, v26  }
0xc7: {  	v52 =	vld [tilespmem:s19+$0x50];
	v28 =	vadd.f32 $-8.976032260e+01, v28;
	v30 =	vadd.f32 v30, v33;
	v32 =	vmul.f32 v32, v55  }
0xc8: {  	v0 =	vld [tilespmem:s19+$0x470];
	v21 =	vmul.f32 v21, v51;
	v26 =	vadd.f32 v26, v29;
	v29 =	vadd.f32 $-8.976032260e+01, v24  }
0xc9: {  	v53 =	vld [tilespmem:s19+$0x70];
	v28 =	vadd.f32 v28, v31;
	v30 =	vmul.f32 v30, v57;
	v19 =	vadd.f32 v32, v19  }
0xca: {  	v21 =	vadd.f32 $-8.976032260e+01, v21;
	v54 =	vld [tilespmem:s19+$0x410];
	v27 =	vadd.f32 v29, v27;
	v29 =	vmul.f32 v18, v58  }
0xcb: {  	v11 =	vadd.f32 $-8.976032260e+01, v11;
	v31 =	vld [tilespmem:s19+$0x60];
	v28 =	vmul.f32 v28, v59;
	v19 =	vadd.f32 v30, v19  }
0xcc: {  	v3 =	vmul.f32 v3, v43;
	v21 =	vadd.f32 v21, v25;
	v18 =	vld [tilespmem:s19+$0x460];
	v25 =	vadd.f32 $-8.976032260e+01, v29  }
0xcd: {  	v10 =	vadd.f32 $-8.976032260e+01, v10;
	v26 =	vmul.f32 v26, v61;
	v30 =	vld [tilespmem:s19+$0x400];
	v19 =	vadd.f32 v28, v19  }
0xce: {  	v2 =	vmul.f32 v2, v35;
	v23 =	vadd.f32 v25, v23;
	v25 =	vld [tilespmem:s19+$0x440];
	v28 =	vadd.f32 v59, v20  }
0xcf: {  	v7 =	vadd.f32 $-8.976032260e+01, v7;
	v27 =	vmul.f32 v27, v63;
	v20 =	vld [tilespmem:s19+$0x450];
	v19 =	vadd.f32 v26, v19  }
0xd0: {  	[tilespmem:$0x1FFF0] =	vst v0;
	v15 =	vmul.f32 v15, v56;
	v5 =	vadd.f32 $-8.976032260e+01, v5;
	v26 =	vadd.f32 v61, v28;
	v28 =	vld [tilespmem:s19+$0x420]  }
0xd1: {  	v14 =	vmul.f32 v14, v50;
	v4 =	vadd.f32 $-8.976032260e+01, v4;
	v19 =	vadd.f32 v27, v19;
	v27 =	vld [tilespmem:s19+$0x430];
	_ =	swait.ge [sflag:s14], $0x4000  }
0xd2: {  	v3 =	vadd.f32 $-8.976032260e+01, v3;
	v15 =	vadd.f32 $-8.976032260e+01, v15;
	[sflag:s14] =	ssyncset.done $0x0  }
0xd3: {  	v2 =	vadd.f32 $-8.976032260e+01, v2;
	v14 =	vadd.f32 $-8.976032260e+01, v14;
	v21 =	vmul.f32 v21, v52;
	[sflag:s14] =	ssyncadd.s32 $0xFFFFC000  }
0xd4: {  	s20 =	simm.s32 $0x0;
	v11 =	vadd.f32 v11, v16;
	v15 =	vadd.f32 v15, v22;
	_ =	swait.ge [sflag:s15], $0x4000  }
0xd5: {  	s31 =	sand.u32 $0x3800, s20;
	s21 =	sand.u32 $0x380, s20;
	v22 =	vmul.f32 v23, v31;
	v26 =	vadd.f32 v63, v26;
	v19 =	vadd.f32 v21, v19;
	[sflag:s15] =	ssyncset.done $0x0  }
0xd6: {  	v1 =	vmul.f32 $6.931471820e-01, v1;
	v7 =	vadd.f32 v7, v12;
	v14 =	vadd.f32 v14, v17;
	s19 =	sor.u32 s21, s31;
	[sflag:s15] =	ssyncadd.s32 $0xFFFFC000  }
0xd7: {  	v15 =	vmul.f32 v15, v53;
	v21 =	vadd.f32 v52, v26;
	v17 =	vadd.f32 v22, v19;
	v12 =	vld [tilespmem:s19+$0xC450]  }
0xd8: {  	v5 =	vadd.f32 v5, v9;
	v1 =	vadd.f32 v2, v1;
	v9 =	vld [tilespmem:s19+$0xC430]  }
0xd9: {  	v19 =	vadd.f32 v31, v21;
	v15 =	vadd.f32 v15, v17;
	v17 =	vld [tilespmem:s19+$0xC410]  }
0xda: {  	v10 =	vadd.f32 v10, v13;
	v4 =	vadd.f32 v4, v8;
	v14 =	vmul.f32 v14, v30;
	v8 =	vld [tilespmem:s19+$0xC400]  }
0xdb: {  	v3 =	vadd.f32 v3, v6;
	v0 =	vmul.f32 v1, v0;
	v16 =	vadd.f32 v53, v19;
	v2 =	vld [tilespmem:s19+$0xC050]  }
0xdc: {  	v11 =	vmul.f32 v11, v54;
	v5 =	vmul.f32 v5, v25;
	v1 =	vld [tilespmem:s19+$0xC030];
	v14 =	vadd.f32 v14, v15  }
0xdd: {  	v4 =	vmul.f32 v4, v20;
	v26 =	vmul.f32 v3, v18;
	v19 =	vld [tilespmem:s19+$0xC020];
	v15 =	vadd.f32 v30, v16  }
0xde: {  	v10 =	vmul.f32 v10, v28;
	v7 =	vmul.f32 v7, v27;
	v11 =	vadd.f32 v11, v14  }
0xdf: {  	v15 =	vadd.f32 v54, v15;
	v3 =	vshra.s32 v12, $0x17;
	v23 =	vshra.s32 v9, $0x17  }
0xe0: {  	v30 =	vld [tilespmem:s19+$0xC000];
	v29 =	vshra.s32 v17, $0x17;
	v31 =	vshra.s32 v8, $0x17;
	v12 =	vand.u32 $0x7FFFFF, v12  }
0xe1: {  	v57 =	vshra.s32 v2, $0x17;
	v9 =	vand.u32 $0x7FFFFF, v9;
	v58 =	vshra.s32 v1, $0x17  }
0xe2: {  	v61 =	vshra.s32 v19, $0x17;
	v8 =	vand.u32 $0x7FFFFF, v8;
	v41 =	vand.u32 $0x7FFFFF, v2  }
0xe3: {  	v13 =	vld [tilespmem:s19+$0xC470];
	v43 =	vand.u32 $0x7FFFFF, v19;
	v10 =	vadd.f32 v10, v11;
	v46 =	vcvt.s32.f32 v3  }
0xe4: {  	v14 =	vld [tilespmem:s19+$0xC440];
	v15 =	vadd.f32 v28, v15;
	v29 =	vcvt.s32.f32 v29;
	v31 =	vcvt.s32.f32 v31  }
0xe5: {  	v11 =	vld [tilespmem:s19+$0xC420];
	v34 =	vcvt.s32.f32 v57;
	v54 =	vcvt.s32.f32 v58;
	v48 =	vand.u32 $0x7FFFFF, v30  }
0xe6: {  	v28 =	vld [tilespmem:s19+$0xC010];
	v7 =	vadd.f32 v7, v10;
	v15 =	vadd.f32 v27, v15;
	v32 =	vor.u32 $0x3F800000, v48  }
0xe7: {  	v44 =	vand.u32 $0x7FFFFF, v1;
	v27 =	vmovc v20;
	v20 =	vcvt.s32.f32 v23;
	v35 =	vmul.f32 $5.486285310e-02, v32  }
0xe8: {  	v5 =	vadd.f32 v5, v7;
	v6 =	vadd.f32 v25, v15;
	v15 =	vshra.s32 v13, $0x17  }
0xe9: {  	v16 =	vld [tilespmem:s19+$0xC460];
	v25 =	vshra.s32 v14, $0x17;
	v13 =	vand.u32 $0x7FFFFF, v13;
	v14 =	vand.u32 $0x7FFFFF, v14  }
0xea: {  	v21 =	vshra.s32 v11, $0x17;
	v60 =	vand.u32 $0x7FFFFF, v11;
	v11 =	vand.u32 $0x7FFFFF, v17  }
0xeb: {  	v17 =	vshra.s32 v30, $0x17;
	v62 =	vshra.s32 v28, $0x17;
	v1 =	vcvt.s32.f32 v15  }
0xec: {  	v22 =	vmovc v18;
	v45 =	vand.u32 $0x7FFFFF, v28;
	v18 =	vcvt.s32.f32 v25;
	v2 =	vor.u32 $0x3F800000, v13  }
0xed: {  	v10 =	vld [tilespmem:s19+$0xC070];
	v13 =	vor.u32 $0x3F800000, v8;
	v25 =	vor.u32 $0x3F800000, v44;
	v28 =	vor.u32 $0x3F800000, v43  }
0xee: {  	v8 =	vmul.f32 $6.931471820e-01, v46;
	v24 =	vadd.f32 v4, v5;
	v5 =	vshra.s32 v16, $0x17  }
0xef: {  	v16 =	vand.u32 $0x7FFFFF, v16;
	v51 =	vcvt.s32.f32 v21;
	v11 =	vor.u32 $0x3F800000, v11  }
0xf0: {  	v57 =	vcvt.s32.f32 v17;
	v58 =	vmul.f32 $5.486285310e-02, v2;
	v21 =	vor.u32 $0x3F800000, v41  }
0xf1: {  	v50 =	vmul.f32 $5.486285310e-02, v13;
	v30 =	vor.u32 $0x3F800000, v45;
	v37 =	vmul.f32 $5.486285310e-02, v25  }
0xf2: {  	v7 =	vld [tilespmem:s19+$0xC060];
	v38 =	vmul.f32 $5.486285310e-02, v28;
	v56 =	vshra.s32 v10, $0x17;
	v10 =	vand.u32 $0x7FFFFF, v10  }
0xf3: {  	v47 =	vcvt.s32.f32 v5;
	v3 =	vor.u32 $0x3F800000, v16;
	v39 =	vmul.f32 $5.486285310e-02, v21  }
0xf4: {  	v5 =	vor.u32 $0x3F800000, v14;
	v36 =	vmul.f32 $5.486285310e-02, v30;
	v33 =	vcvt.s32.f32 v56  }
0xf5: {  	v56 =	vcvt.s32.f32 v61;
	v15 =	vor.u32 $0x3F800000, v10;
	v10 =	vmul.f32 $6.931471820e-01, v18  }
0xf6: {  	v16 =	vadd.f32 v26, v24;
	v14 =	vmul.f32 $6.931471820e-01, v51;
	v26 =	vmul.f32 $6.931471820e-01, v34  }
0xf7: {  	v4 =	vld [tilespmem:s19+$0xC040];
	v34 =	vmul.f32 $6.931471820e-01, v57;
	v55 =	vshra.s32 v7, $0x17;
	v63 =	vand.u32 $0x7FFFFF, v7  }
0xf8: {  	v7 =	vor.u32 $0x3F800000, v9;
	v9 =	vor.u32 $0x3F800000, v60;
	v60 =	vmul.f32 $5.486285310e-02, v3  }
0xf9: {  	v42 =	vsub.f32 $4.358618560e-01, v58;
	v49 =	vmul.f32 $5.486285310e-02, v15;
	v52 =	vcvt.s32.f32 v55  }
0xfa: {  	v50 =	vsub.f32 $4.358618560e-01, v50;
	v55 =	vcvt.s32.f32 v62;
	v61 =	vmul.f32 $5.486285310e-02, v7  }
0xfb: {  	v19 =	vor.u32 $0x3F800000, v63;
	v62 =	vmul.f32 $5.486285310e-02, v5;
	v63 =	vmul.f32 $5.486285310e-02, v11  }
0xfc: {  	[tilespmem:$0x1FFE0] =	vst v0;
	v0 =	vmul.f32 $5.486285310e-02, v9;
	v59 =	vshra.s32 v4, $0x17;
	v40 =	vand.u32 $0x7FFFFF, v4  }
0xfd: {  	v4 =	vor.u32 $0x3F800000, v12;
	v12 =	vadd.f32 v27, v6;
	v6 =	vmul.f32 $6.931471820e-01, v47  }
0xfe: {  	v18 =	vld [tilespmem:$0x1FFE0];
	v44 =	vsub.f32 $4.358618560e-01, v60;
	v49 =	vsub.f32 $4.358618560e-01, v49;
	v53 =	vcvt.s32.f32 v59  }
0xff: {  	v59 =	vmul.f32 $5.486285310e-02, v4;
	v23 =	vor.u32 $0x3F800000, v40;
	v40 =	vmul.f32 $5.486285310e-02, v19  }
0x100: {  	v24 =	vmul.f32 $6.931471820e-01, v52;
	v45 =	vsub.f32 $4.358618560e-01, v61;
	v17 =	vadd.f32 v22, v12;
	v22 =	vld [tilespmem:$0x1FFF0]  }
0x101: {  	v46 =	vsub.f32 $4.358618560e-01, v62;
	v47 =	vsub.f32 $4.358618560e-01, v63;
	v41 =	vmul.f32 $5.486285310e-02, v23  }
0x102: {  	v48 =	vsub.f32 $4.358618560e-01, v0;
	v12 =	vmul.f32 $6.931471820e-01, v20;
	v20 =	vmul.f32 $6.931471820e-01, v31  }
0x103: {  	v16 =	vadd.f32 v18, v16;
	v18 =	vmul.f32 $6.931471820e-01, v29;
	v29 =	vmul.f32 $6.931471820e-01, v54  }
0x104: {  	v31 =	vmul.f32 $6.931471820e-01, v56;
	v27 =	vmul.f32 $6.931471820e-01, v53;
	v43 =	vsub.f32 $4.358618560e-01, v59  }
0x105: {  	s21 =	simm.s32 $0x100;
	v17 =	vadd.f32 v22, v17;
	v22 =	vmul.f32 $6.931471820e-01, v33;
	v33 =	vmul.f32 $6.931471820e-01, v55  }
.LBB2_4:
0x106: {  	p0 =	sne.s32 s21, $0x3F00;
	v0 =	vsub.f32 $4.358618560e-01, v39;
	v39 =	vsub.f32 $4.358618560e-01, v40;
	v40 =	vmul.f32 v2, v42  }
0x107: {  	v41 =	vsub.f32 $4.358618560e-01, v41;
	v42 =	vmul.f32 v4, v43;
	v43 =	vmul.f32 v3, v44  }
0x108: {  	v37 =	vsub.f32 $4.358618560e-01, v37;
	v44 =	vmul.f32 v7, v45;
	v45 =	vmul.f32 v5, v46  }
0x109: {  	v38 =	vsub.f32 $4.358618560e-01, v38;
	v46 =	vmul.f32 v11, v47;
	v47 =	vmul.f32 v9, v48  }
0x10a: {  	v36 =	vsub.f32 $4.358618560e-01, v36;
	v48 =	vmul.f32 v15, v49;
	v49 =	vmul.f32 v13, v50  }
0x10b: {  	v35 =	vsub.f32 $4.358618560e-01, v35;
	v0 =	vmul.f32 v21, v0;
	v39 =	vmul.f32 v19, v39  }
0x10c: {  	v41 =	vmul.f32 v23, v41;
	v43 =	vadd.f32 $-1.442481040e+00, v43;
	v40 =	vadd.f32 $-1.442481040e+00, v40  }
0x10d: {  	v37 =	vmul.f32 v25, v37;
	v45 =	vadd.f32 $-1.442481040e+00, v45;
	v42 =	vadd.f32 $-1.442481040e+00, v42  }
0x10e: {  	v38 =	vmul.f32 v28, v38;
	v47 =	vadd.f32 $-1.442481040e+00, v47;
	v44 =	vadd.f32 $-1.442481040e+00, v44  }
0x10f: {  	v36 =	vmul.f32 v30, v36;
	v46 =	vadd.f32 $-1.442481040e+00, v46;
	v49 =	vadd.f32 $-1.442481040e+00, v49  }
0x110: {  	v35 =	vmul.f32 v32, v35;
	v48 =	vadd.f32 $-1.442481040e+00, v48;
	v39 =	vadd.f32 $-1.442481040e+00, v39  }
0x111: {  	v41 =	vadd.f32 $-1.442481040e+00, v41;
	v0 =	vadd.f32 $-1.442481040e+00, v0;
	v40 =	vmul.f32 v2, v40  }
0x112: {  	v50 =	vadd.f32 $-1.442481040e+00, v37;
	v37 =	vmul.f32 v4, v42;
	v42 =	vmul.f32 v3, v43  }
0x113: {  	v38 =	vadd.f32 $-1.442481040e+00, v38;
	v43 =	vmul.f32 v7, v44;
	v44 =	vmul.f32 v5, v45  }
0x114: {  	v35 =	vadd.f32 $-1.442481040e+00, v35;
	v45 =	vmul.f32 v11, v46;
	v46 =	vmul.f32 v9, v47  }
0x115: {  	v47 =	vadd.f32 $-1.442481040e+00, v36;
	v48 =	vmul.f32 v15, v48;
	v49 =	vmul.f32 v13, v49  }
0x116: {  	v51 =	vmul.f32 v32, v35;
	v39 =	vmul.f32 v19, v39;
	v35 =	vadd.f32 $2.792255160e+00, v40  }
0x117: {  	v40 =	vmul.f32 v23, v41;
	v37 =	vadd.f32 $2.792255160e+00, v37;
	v36 =	vadd.f32 $2.792255160e+00, v42  }
0x118: {  	v42 =	vmul.f32 v30, v47;
	v44 =	vadd.f32 $2.792255160e+00, v44;
	v41 =	vadd.f32 $2.792255160e+00, v51  }
0x119: {  	v38 =	vmul.f32 v28, v38;
	v46 =	vadd.f32 $2.792255160e+00, v46;
	v43 =	vadd.f32 $2.792255160e+00, v43  }
0x11a: {  	v32 =	vmul.f32 v32, v41;
	v41 =	vadd.f32 $2.792255160e+00, v42;
	v42 =	vadd.f32 $2.792255160e+00, v45  }
0x11b: {  	v47 =	vmul.f32 v25, v50;
	v49 =	vadd.f32 $2.792255160e+00, v49;
	v38 =	vadd.f32 $2.792255160e+00, v38;
	v45 =	vld [tilespmem:s19+$0x4000]  }
0x11c: {  	v32 =	vadd.f32 $-8.976032260e+01, v32;
	v30 =	vmul.f32 v30, v41;
	v41 =	vadd.f32 $2.792255160e+00, v48  }
0x11d: {  	v39 =	vadd.f32 $2.792255160e+00, v39;
	v28 =	vmul.f32 v28, v38;
	v38 =	vadd.f32 $2.792255160e+00, v47;
	v48 =	vld [tilespmem:s19+$0x4010]  }
0x11e: {  	v0 =	vmul.f32 v21, v0;
	v32 =	vadd.f32 v32, v34;
	v30 =	vadd.f32 $-8.976032260e+01, v30  }
0x11f: {  	v28 =	vadd.f32 $-8.976032260e+01, v28;
	v25 =	vmul.f32 v25, v38;
	v38 =	vadd.f32 $2.792255160e+00, v40;
	v34 =	vld [tilespmem:s19+$0x4020]  }
0x120: {  	v0 =	vadd.f32 $2.792255160e+00, v0;
	v30 =	vadd.f32 v30, v33;
	v32 =	vmul.f32 v32, v45  }
0x121: {  	v28 =	vadd.f32 v28, v31;
	v25 =	vadd.f32 $-8.976032260e+01, v25;
	v23 =	vmul.f32 v23, v38;
	v31 =	vld [tilespmem:s19+$0x4030]  }
0x122: {  	v17 =	vadd.f32 v45, v17;
	v16 =	vadd.f32 v32, v16;
	v30 =	vmul.f32 v30, v48  }
0x123: {  	v0 =	vmul.f32 v21, v0;
	v25 =	vadd.f32 v25, v29;
	v23 =	vadd.f32 $-8.976032260e+01, v23;
	v29 =	vld [tilespmem:s19+$0x4040]  }
0x124: {  	v17 =	vadd.f32 v48, v17;
	v16 =	vadd.f32 v30, v16;
	v21 =	vmul.f32 v28, v34  }
0x125: {  	v19 =	vmul.f32 v19, v39;
	v0 =	vadd.f32 $-8.976032260e+01, v0;
	v23 =	vadd.f32 v23, v27;
	v27 =	vld [tilespmem:s19+$0x4050]  }
0x126: {  	v17 =	vadd.f32 v34, v17;
	v16 =	vadd.f32 v21, v16;
	v21 =	vmul.f32 v25, v31  }
0x127: {  	v19 =	vadd.f32 $-8.976032260e+01, v19;
	v0 =	vadd.f32 v0, v26;
	v15 =	vmul.f32 v15, v41;
	v25 =	vld [tilespmem:s19+$0x4060]  }
0x128: {  	v17 =	vadd.f32 v31, v17;
	v16 =	vadd.f32 v21, v16;
	v21 =	vmul.f32 v23, v29  }
0x129: {  	v13 =	vmul.f32 v13, v49;
	v19 =	vadd.f32 v19, v24;
	v15 =	vadd.f32 $-8.976032260e+01, v15;
	v23 =	vld [tilespmem:s19+$0x4070]  }
0x12a: {  	v17 =	vadd.f32 v29, v17;
	v16 =	vadd.f32 v21, v16;
	v0 =	vmul.f32 v0, v27;
	v21 =	vld [tilespmem:s19+$0x4470]  }
0x12b: {  	v13 =	vadd.f32 $-8.976032260e+01, v13;
	v11 =	vmul.f32 v11, v42;
	v15 =	vadd.f32 v15, v22;
	v22 =	vld [tilespmem:s19+$0x4400]  }
0x12c: {  	v0 =	vadd.f32 v0, v16;
	v16 =	vadd.f32 v27, v17;
	v17 =	vmul.f32 v19, v25;
	v19 =	vld [tilespmem:s19+$0x4460]  }
0x12d: {  	v9 =	vmul.f32 v9, v46;
	v13 =	vadd.f32 v13, v20;
	v11 =	vadd.f32 $-8.976032260e+01, v11;
	v20 =	vld [tilespmem:s19+$0x4410]  }
0x12e: {  	v0 =	vadd.f32 v17, v0;
	v16 =	vadd.f32 v25, v16;
	v15 =	vmul.f32 v15, v23;
	v17 =	vld [tilespmem:s19+$0x4450]  }
0x12f: {  	s20 =	sadd.s32 $0x80, s20;
	v7 =	vmul.f32 v7, v43;
	v9 =	vadd.f32 $-8.976032260e+01, v9;
	v11 =	vadd.f32 v11, v18;
	v18 =	vld [tilespmem:s19+$0x4420]  }
0x130: {  	s22 =	sand.u32 $0x3800, s21;
	s23 =	sand.u32 $0x380, s20;
	v0 =	vadd.f32 v15, v0;
	v15 =	vadd.f32 v23, v16;
	v13 =	vmul.f32 v13, v22;
	v16 =	vld [tilespmem:s19+$0x4440]  }
0x131: {  	v5 =	vmul.f32 v5, v44;
	v7 =	vadd.f32 $-8.976032260e+01, v7;
	v9 =	vadd.f32 v9, v14;
	v14 =	vld [tilespmem:s19+$0x4430];
	s19 =	sor.u32 s23, s22  }
0x132: {  	v23 =	vld [tilespmem:s19+$0xC470];
	v0 =	vadd.f32 v13, v0;
	v13 =	vadd.f32 v22, v15;
	v11 =	vmul.f32 v11, v20  }
0x133: {  	v4 =	vmul.f32 v4, v37;
	v5 =	vadd.f32 $-8.976032260e+01, v5;
	v7 =	vadd.f32 v7, v12;
	v15 =	vld [tilespmem:s19+$0xC460]  }
0x134: {  	v12 =	vld [tilespmem:s19+$0xC450];
	v0 =	vadd.f32 v11, v0;
	v11 =	vadd.f32 v20, v13;
	v9 =	vmul.f32 v9, v18  }
0x135: {  	v3 =	vmul.f32 v3, v36;
	v4 =	vadd.f32 $-8.976032260e+01, v4;
	v5 =	vadd.f32 v5, v10;
	v13 =	vld [tilespmem:s19+$0xC440]  }
0x136: {  	v10 =	vld [tilespmem:s19+$0xC430];
	v0 =	vadd.f32 v9, v0;
	v9 =	vadd.f32 v18, v11;
	v7 =	vmul.f32 v7, v14  }
0x137: {  	v2 =	vmul.f32 v2, v35;
	v3 =	vadd.f32 $-8.976032260e+01, v3;
	v4 =	vadd.f32 v4, v8;
	v11 =	vld [tilespmem:s19+$0xC420]  }
0x138: {  	v5 =	vmul.f32 v5, v16;
	v8 =	vld [tilespmem:s19+$0xC410];
	v0 =	vadd.f32 v7, v0;
	v7 =	vadd.f32 v14, v9  }
0x139: {  	v1 =	vmul.f32 $6.931471820e-01, v1;
	v2 =	vadd.f32 $-8.976032260e+01, v2;
	v3 =	vadd.f32 v3, v6;
	v9 =	vld [tilespmem:s19+$0xC400]  }
0x13a: {  	v4 =	vmul.f32 v4, v17;
	v6 =	vld [tilespmem:s19+$0xC070];
	v0 =	vadd.f32 v5, v0;
	v5 =	vadd.f32 v16, v7  }
0x13b: {  	v1 =	vadd.f32 v2, v1;
	v7 =	vld [tilespmem:s19+$0xC060]  }
0x13c: {  	v3 =	vmul.f32 v3, v19;
	v2 =	vld [tilespmem:s19+$0xC050];
	v0 =	vadd.f32 v4, v0;
	v4 =	vadd.f32 v17, v5  }
0x13d: {  	v20 =	vshra.s32 v23, $0x17;
	v18 =	vshra.s32 v15, $0x17;
	v14 =	vshra.s32 v12, $0x17;
	v5 =	vld [tilespmem:s19+$0xC040]  }
0x13e: {  	v1 =	vmul.f32 v1, v21;
	v22 =	vld [tilespmem:s19+$0xC030];
	v0 =	vadd.f32 v3, v0;
	v3 =	vadd.f32 v19, v4  }
0x13f: {  	v25 =	vshra.s32 v13, $0x17;
	v24 =	vshra.s32 v10, $0x17;
	v19 =	vshra.s32 v11, $0x17;
	v4 =	vld [tilespmem:s19+$0xC020]  }
0x140: {  	v27 =	vshra.s32 v8, $0x17;
	v26 =	vld [tilespmem:s19+$0xC010];
	v16 =	vadd.f32 v1, v0;
	v17 =	vadd.f32 v21, v3  }
0x141: {  	v15 =	vand.u32 $0x7FFFFF, v15;
	v3 =	vshra.s32 v9, $0x17;
	v21 =	vand.u32 $0x7FFFFF, v23;
	v0 =	vld [tilespmem:s19+$0xC000]  }
0x142: {  	v12 =	vand.u32 $0x7FFFFF, v12;
	v28 =	vshra.s32 v6, $0x17;
	v23 =	vshra.s32 v7, $0x17  }
0x143: {  	v13 =	vand.u32 $0x7FFFFF, v13;
	v10 =	vand.u32 $0x7FFFFF, v10;
	v29 =	vshra.s32 v2, $0x17  }
0x144: {  	v32 =	vand.u32 $0x7FFFFF, v11;
	v31 =	vshra.s32 v5, $0x17;
	v30 =	vshra.s32 v22, $0x17  }
0x145: {  	v8 =	vand.u32 $0x7FFFFF, v8;
	v34 =	vand.u32 $0x7FFFFF, v9;
	v33 =	vshra.s32 v4, $0x17  }
0x146: {  	v6 =	vand.u32 $0x7FFFFF, v6;
	v36 =	vshra.s32 v26, $0x17;
	v35 =	vshra.s32 v0, $0x17  }
0x147: {  	v39 =	vand.u32 $0x7FFFFF, v7;
	v38 =	vand.u32 $0x7FFFFF, v2;
	v37 =	vand.u32 $0x7FFFFF, v5  }
0x148: {  	v1 =	vcvt.s32.f32 v20;
	v22 =	vand.u32 $0x7FFFFF, v22;
	v40 =	vand.u32 $0x7FFFFF, v4  }
0x149: {  	v18 =	vcvt.s32.f32 v18;
	v14 =	vcvt.s32.f32 v14;
	v20 =	vand.u32 $0x7FFFFF, v26  }
0x14a: {  	v24 =	vcvt.s32.f32 v24;
	v26 =	vcvt.s32.f32 v25;
	v0 =	vand.u32 $0x7FFFFF, v0  }
0x14b: {  	v27 =	vcvt.s32.f32 v27;
	v42 =	vcvt.s32.f32 v19;
	v2 =	vor.u32 $0x3F800000, v21  }
0x14c: {  	v43 =	vcvt.s32.f32 v28;
	v44 =	vcvt.s32.f32 v3;
	v3 =	vor.u32 $0x3F800000, v15  }
0x14d: {  	v45 =	vcvt.s32.f32 v23;
	v5 =	vor.u32 $0x3F800000, v13;
	v4 =	vor.u32 $0x3F800000, v12  }
0x14e: {  	v7 =	vor.u32 $0x3F800000, v10;
	v29 =	vcvt.s32.f32 v29;
	v31 =	vcvt.s32.f32 v31  }
0x14f: {  	v11 =	vor.u32 $0x3F800000, v8;
	v9 =	vor.u32 $0x3F800000, v32;
	v46 =	vcvt.s32.f32 v30  }
0x150: {  	v13 =	vor.u32 $0x3F800000, v34;
	v33 =	vcvt.s32.f32 v33;
	v47 =	vcvt.s32.f32 v36  }
0x151: {  	v15 =	vor.u32 $0x3F800000, v6;
	v48 =	vmul.f32 $5.486285310e-02, v2;
	v34 =	vcvt.s32.f32 v35  }
0x152: {  	v19 =	vor.u32 $0x3F800000, v39;
	v50 =	vmul.f32 $5.486285310e-02, v3;
	v49 =	vmul.f32 $5.486285310e-02, v4  }
0x153: {  	v51 =	vmul.f32 $5.486285310e-02, v7;
	v21 =	vor.u32 $0x3F800000, v38;
	v52 =	vmul.f32 $5.486285310e-02, v5  }
0x154: {  	v53 =	vmul.f32 $5.486285310e-02, v11;
	v54 =	vmul.f32 $5.486285310e-02, v9;
	v23 =	vor.u32 $0x3F800000, v37  }
0x155: {  	v55 =	vmul.f32 $5.486285310e-02, v15;
	v56 =	vmul.f32 $5.486285310e-02, v13;
	v25 =	vor.u32 $0x3F800000, v22  }
0x156: {  	v39 =	vmul.f32 $5.486285310e-02, v21;
	v28 =	vor.u32 $0x3F800000, v40;
	v40 =	vmul.f32 $5.486285310e-02, v19  }
0x157: {  	v41 =	vmul.f32 $5.486285310e-02, v23;
	v30 =	vor.u32 $0x3F800000, v20;
	v37 =	vmul.f32 $5.486285310e-02, v25  }
0x158: {  	v38 =	vmul.f32 $5.486285310e-02, v28;
	v32 =	vor.u32 $0x3F800000, v0;
	v36 =	vmul.f32 $5.486285310e-02, v30  }
0x159: {  	v6 =	vmul.f32 $6.931471820e-01, v18;
	v35 =	vmul.f32 $5.486285310e-02, v32  }
0x15a: {  	v8 =	vmul.f32 $6.931471820e-01, v14;
	v10 =	vmul.f32 $6.931471820e-01, v26  }
0x15b: {  	v14 =	vmul.f32 $6.931471820e-01, v42;
	v12 =	vmul.f32 $6.931471820e-01, v24  }
0x15c: {  	v18 =	vmul.f32 $6.931471820e-01, v27;
	v20 =	vmul.f32 $6.931471820e-01, v44  }
0x15d: {  	v24 =	vmul.f32 $6.931471820e-01, v45;
	v22 =	vmul.f32 $6.931471820e-01, v43  }
.Ltmp1:
0x15e: {  	v42 =	vsub.f32 $4.358618560e-01, v48;
	v27 =	vmul.f32 $6.931471820e-01, v31;
	v26 =	vmul.f32 $6.931471820e-01, v29;
	(pc) =	sbr.rel @p0 .LBB2_4-.Ltmp1, $4  }
0x15f: {  	v44 =	vsub.f32 $4.358618560e-01, v50;
	v29 =	vmul.f32 $6.931471820e-01, v46;
	v43 =	vsub.f32 $4.358618560e-01, v49  }
0x160: {  	v45 =	vsub.f32 $4.358618560e-01, v51;
	v31 =	vmul.f32 $6.931471820e-01, v33;
	v46 =	vsub.f32 $4.358618560e-01, v52  }
0x161: {  	v48 =	vsub.f32 $4.358618560e-01, v54;
	v33 =	vmul.f32 $6.931471820e-01, v47;
	v47 =	vsub.f32 $4.358618560e-01, v53  }
0x162: {  	s21 =	sadd.s32 $0x100, s21;
	v50 =	vsub.f32 $4.358618560e-01, v56;
	v49 =	vsub.f32 $4.358618560e-01, v55;
	v34 =	vmul.f32 $6.931471820e-01, v34  }
0x163: {  	v0 =	vsub.f32 $4.358618560e-01, v39;
	v61 =	vsub.f32 $4.358618560e-01, v40;
	v62 =	vmul.f32 v2, v42  }
0x164: {  	v41 =	vsub.f32 $4.358618560e-01, v41;
	v63 =	vmul.f32 v4, v43;
	v52 =	vmul.f32 v3, v44  }
0x165: {  	v37 =	vsub.f32 $4.358618560e-01, v37;
	v53 =	vmul.f32 v7, v45;
	v54 =	vmul.f32 v5, v46  }
0x166: {  	v38 =	vsub.f32 $4.358618560e-01, v38;
	v55 =	vmul.f32 v11, v47;
	v56 =	vmul.f32 v9, v48  }
0x167: {  	v36 =	vsub.f32 $4.358618560e-01, v36;
	v57 =	vmul.f32 v15, v49;
	v58 =	vmul.f32 v13, v50  }
0x168: {  	v35 =	vsub.f32 $4.358618560e-01, v35;
	v0 =	vmul.f32 v21, v0;
	v39 =	vmul.f32 v19, v61  }
0x169: {  	v41 =	vmul.f32 v23, v41;
	v43 =	vadd.f32 $-1.442481040e+00, v52;
	v40 =	vadd.f32 $-1.442481040e+00, v62  }
0x16a: {  	v37 =	vmul.f32 v25, v37;
	v45 =	vadd.f32 $-1.442481040e+00, v54;
	v42 =	vadd.f32 $-1.442481040e+00, v63  }
0x16b: {  	v38 =	vmul.f32 v28, v38;
	v47 =	vadd.f32 $-1.442481040e+00, v56;
	v44 =	vadd.f32 $-1.442481040e+00, v53  }
0x16c: {  	v36 =	vmul.f32 v30, v36;
	v46 =	vadd.f32 $-1.442481040e+00, v55;
	v49 =	vadd.f32 $-1.442481040e+00, v58  }
0x16d: {  	v35 =	vmul.f32 v32, v35;
	v48 =	vadd.f32 $-1.442481040e+00, v57;
	v39 =	vadd.f32 $-1.442481040e+00, v39  }
0x16e: {  	v41 =	vadd.f32 $-1.442481040e+00, v41;
	v0 =	vadd.f32 $-1.442481040e+00, v0;
	v40 =	vmul.f32 v2, v40  }
0x16f: {  	v37 =	vadd.f32 $-1.442481040e+00, v37;
	v42 =	vmul.f32 v4, v42;
	v43 =	vmul.f32 v3, v43  }
0x170: {  	v38 =	vadd.f32 $-1.442481040e+00, v38;
	v44 =	vmul.f32 v7, v44;
	v45 =	vmul.f32 v5, v45  }
0x171: {  	v35 =	vadd.f32 $-1.442481040e+00, v35;
	v46 =	vmul.f32 v11, v46;
	v47 =	vmul.f32 v9, v47  }
0x172: {  	v61 =	vld [tilespmem:s19+$0x4000];
	v36 =	vadd.f32 $-1.442481040e+00, v36;
	v48 =	vmul.f32 v15, v48;
	v49 =	vmul.f32 v13, v49  }
0x173: {  	v35 =	vmul.f32 v32, v35;
	v39 =	vmul.f32 v19, v39;
	v40 =	vadd.f32 $2.792255160e+00, v40  }
0x174: {  	v41 =	vmul.f32 v23, v41;
	v42 =	vadd.f32 $2.792255160e+00, v42;
	v43 =	vadd.f32 $2.792255160e+00, v43  }
0x175: {  	v36 =	vmul.f32 v30, v36;
	v45 =	vadd.f32 $2.792255160e+00, v45;
	v47 =	vadd.f32 $2.792255160e+00, v47  }
0x176: {  	v38 =	vmul.f32 v28, v38;
	v44 =	vadd.f32 $2.792255160e+00, v44;
	v35 =	vadd.f32 $2.792255160e+00, v35  }
0x177: {  	v37 =	vmul.f32 v25, v37;
	v49 =	vadd.f32 $2.792255160e+00, v49;
	v17 =	vadd.f32 v61, v17  }
0x178: {  	v63 =	vld [tilespmem:s19+$0x4010];
	v60 =	vadd.f32 $2.792255160e+00, v36;
	v36 =	vadd.f32 $2.792255160e+00, v46;
	v59 =	vmul.f32 v32, v35  }
0x179: {  	v0 =	vmul.f32 v21, v0;
	v38 =	vadd.f32 $2.792255160e+00, v38;
	v37 =	vadd.f32 $2.792255160e+00, v37  }
0x17a: {  	v52 =	vadd.f32 $2.792255160e+00, v39;
	v62 =	vmul.f32 v30, v60;
	v32 =	vadd.f32 $-8.976032260e+01, v59  }
0x17b: {  	v55 =	vadd.f32 $2.792255160e+00, v41;
	v0 =	vadd.f32 $2.792255160e+00, v0;
	v39 =	vmul.f32 v7, v44  }
0x17c: {  	v53 =	vld [tilespmem:s19+$0x4020];
	v51 =	vmul.f32 v28, v38;
	v30 =	vadd.f32 $-8.976032260e+01, v62;
	v32 =	vadd.f32 v32, v34  }
0x17d: {  	v17 =	vadd.f32 v63, v17;
	v35 =	vadd.f32 $2.792255160e+00, v48;
	v54 =	vmul.f32 v25, v37  }
0x17e: {  	v28 =	vadd.f32 $-8.976032260e+01, v51;
	v30 =	vadd.f32 v30, v33;
	v32 =	vmul.f32 v32, v61  }
0x17f: {  	v56 =	vld [tilespmem:s19+$0x4030];
	v57 =	vmul.f32 v23, v55;
	v7 =	vadd.f32 $-8.976032260e+01, v39;
	v25 =	vadd.f32 $-8.976032260e+01, v54  }
0x180: {  	v28 =	vadd.f32 v28, v31;
	v30 =	vmul.f32 v30, v63;
	v16 =	vadd.f32 v32, v16  }
0x181: {  	v58 =	vld [tilespmem:s19+$0x4040];
	v0 =	vmul.f32 v21, v0;
	v17 =	vadd.f32 v53, v17;
	v23 =	vadd.f32 $-8.976032260e+01, v57  }
0x182: {  	v25 =	vadd.f32 v25, v29;
	v59 =	vmul.f32 v28, v53;
	v16 =	vadd.f32 v30, v16  }
0x183: {  	v60 =	vld [tilespmem:s19+$0x4050];
	v0 =	vadd.f32 $-8.976032260e+01, v0;
	v23 =	vadd.f32 v23, v27  }
0x184: {  	v61 =	vmul.f32 v19, v52;
	v62 =	vmul.f32 v25, v56;
	v16 =	vadd.f32 v59, v16  }
0x185: {  	v17 =	vadd.f32 v56, v17;
	v0 =	vadd.f32 v0, v26;
	v26 =	vmul.f32 v15, v35;
	v63 =	vld [tilespmem:s19+$0x4060]  }
0x186: {  	v28 =	vmul.f32 v23, v58;
	v19 =	vadd.f32 $-8.976032260e+01, v61;
	v16 =	vadd.f32 v62, v16  }
0x187: {  	v31 =	vmul.f32 v13, v49;
	v17 =	vadd.f32 v58, v17;
	v15 =	vadd.f32 $-8.976032260e+01, v26;
	v30 =	vld [tilespmem:s19+$0x4070]  }
0x188: {  	v0 =	vmul.f32 v0, v60;
	v19 =	vadd.f32 v19, v24;
	v16 =	vadd.f32 v28, v16  }
0x189: {  	v33 =	vmul.f32 v11, v36;
	v13 =	vadd.f32 $-8.976032260e+01, v31;
	v34 =	vadd.f32 v60, v17;
	v32 =	vld [tilespmem:s19+$0x4400]  }
0x18a: {  	v15 =	vadd.f32 v15, v22;
	v35 =	vmul.f32 v19, v63;
	v0 =	vadd.f32 v0, v16  }
0x18b: {  	v37 =	vmul.f32 v9, v47;
	v36 =	vld [tilespmem:s19+$0x4410];
	v11 =	vadd.f32 $-8.976032260e+01, v33;
	v16 =	vadd.f32 v63, v34  }
0x18c: {  	v13 =	vadd.f32 v13, v20;
	v15 =	vmul.f32 v15, v30;
	v0 =	vadd.f32 v35, v0  }
0x18d: {  	v46 =	vmul.f32 v5, v45;
	v38 =	vld [tilespmem:s19+$0x4420];
	v9 =	vadd.f32 $-8.976032260e+01, v37;
	v41 =	vadd.f32 v30, v16  }
0x18e: {  	v11 =	vadd.f32 v11, v18;
	v13 =	vmul.f32 v13, v32;
	v0 =	vadd.f32 v15, v0  }
0x18f: {  	v44 =	vld [tilespmem:s19+$0x4430];
	v5 =	vadd.f32 $-8.976032260e+01, v46;
	v47 =	vadd.f32 v32, v41  }
0x190: {  	v9 =	vadd.f32 v9, v14;
	v11 =	vmul.f32 v11, v36;
	v0 =	vadd.f32 v13, v0  }
0x191: {  	v48 =	vld [tilespmem:s19+$0x4440];
	v7 =	vadd.f32 v7, v12;
	v49 =	vmul.f32 v4, v42;
	v50 =	vadd.f32 v36, v47  }
0x192: {  	v5 =	vadd.f32 v5, v10;
	v9 =	vmul.f32 v9, v38;
	v0 =	vadd.f32 v11, v0  }
0x193: {  	v1 =	vmul.f32 $6.931471820e-01, v1;
	v51 =	vld [tilespmem:s19+$0x4450];
	v4 =	vadd.f32 $-8.976032260e+01, v49;
	v53 =	vadd.f32 v38, v50  }
0x194: {  	v7 =	vmul.f32 v7, v44;
	v52 =	vmul.f32 v3, v43;
	v0 =	vadd.f32 v9, v0  }
0x195: {  	v55 =	vmul.f32 v2, v40;
	v54 =	vld [tilespmem:s19+$0x4460];
	v4 =	vadd.f32 v4, v8;
	v56 =	vadd.f32 v44, v53  }
0x196: {  	v5 =	vmul.f32 v5, v48;
	v3 =	vadd.f32 $-8.976032260e+01, v52;
	v0 =	vadd.f32 v7, v0  }
0x197: {  	v57 =	vld [tilespmem:s19+$0x4470];
	v2 =	vadd.f32 $-8.976032260e+01, v55;
	v60 =	vimm.f32 $0.0e+00;
	v58 =	vadd.f32 v48, v56  }
0x198: {  	v3 =	vadd.f32 v3, v6;
	v4 =	vmul.f32 v4, v51;
	v0 =	vadd.f32 v5, v0  }
0x199: {  	[tilespmem:$0x10020] =	vst v60;
	v61 =	vadd.f32 v51, v58  }
0x19a: {  	v1 =	vadd.f32 v2, v1;
	[tilespmem:$0x10030] =	vst v60;
	v59 =	vmul.f32 v3, v54;
	v0 =	vadd.f32 v4, v0  }
0x19b: {  	[tilespmem:$0x10040] =	vst v60;
	v62 =	vadd.f32 v54, v61  }
0x19c: {  	v1 =	vmul.f32 v1, v57;
	[tilespmem:$0x10050] =	vst v60;
	v0 =	vadd.f32 v59, v0  }
0x19d: {  	[tilespmem:$0x10060] =	vst v60;
	v63 =	vadd.f32 v57, v62  }
0x19e: {  	s18 =	sadd.s32 $0x1, s18;
	[tilespmem:$0x10070] =	vst v60;
	v0 =	vadd.f32 v1, v0  }
0x19f: {  	p0 =	sne.s32 s18, s8;
	[tilespmem:$0x10010] =	vst v63  }
.Ltmp2:
0x1a0: {  	[tilespmem:$0x10000] =	vst v0;
	(pc) =	sbr.rel @p0 .LBB2_1-.Ltmp2, $4  }
0x1a1: {  	[hbm4b:s7+s2] =	stream.linear.scatter [tilespmem:s16], [sflag:$0x5], $0x80, $0x38;
	[tilespmem:$0x10080] =	vst v63  }
0x1a2: {  	_ =	swait.ge [sflag:s17], $0x80  }
0x1a3: {  	[sflag:s17] =	ssyncset.done $0x0  }
0x1a4: {  	[sflag:s17] =	ssyncadd.s32 $0xFFFFFF80  }
0x1a5: {  	_ =	sfence.sel $0x180000  }
0x1a6: {  	[bflag:$0x0] =	sbarrier.arrive $0xFFFF  }
0x1a7: {  	p0 =	sne.s32 s1, $0x0;
	_ =	strace $0x90000047  }
0x1a8: {  	s0 =	sadd.s32 @!p0 $0x100000, s0;
	[bflag:$0x2] =	sbarrier.arrive $0xFFFF  }
0x1a9: {  	[sflag:s0] =	ssyncadd.tile.s32 @!p0 $0x1;
	_ =	shalt  }
.Lfunc_end2:
_tile_overlayer_lowered:
.L_overlay_start_2:
0x1aa: {  	(tag) =	ssettag $0x2  }
0x1ab: {  	s0 =	rddreg [dreg:$0x0];
	s2 =	stileid.u32  }
0x1ac: {  	s1 =	rddreg [dreg:$0x1];
	p0 =	sne.s32 s2, $0x0  }
0x1ad: {  	s3 =	rddreg [dreg:$0x2];
	[bflag:$0x3] =	sbarrier.arrive $0xFFFF;
	s2 =	simm.s32 @!p0 $0x1C05  }
0x1ae: {  	[timem:s3], [sflag:s2] =	dma.local @!p0 [hbm:s0], s1  }
0x1af: {  	s0 =	simm.s32 @!p0 $0x5  }
0x1b0: {  	_ =	swait.ge @!p0 [sflag:s0], s1  }
0x1b1: {  	s1 =	ssub.s32 @!p0 $0x0, s1;
	[sflag:s0] =	ssyncset.done @!p0 $0x0  }
0x1b2: {  	[sflag:s0] =	ssyncadd.s32 @!p0 s1  }
0x1b3: {  	[bflag:$0x3] =	sbarrier.arrive $0xFFFF  }
0x1b4: {  	_ =	shalt  }

</sc_bundles>
